<compile_context>
chip_gen: v7x
topology: tpu7x:2x2x1
jax: 0.10.2.dev20260603
libtpu: 0.0.44.dev20260713+nightly
codegen_flags: <defaults>
</compile_context>

<pallas_src>
import math

import jax
import jax.numpy as jnp
from jax import lax
from jax.experimental import pallas as pl
from jax.experimental.pallas import tpu as pltpu
from jax.experimental.pallas import tpu_sc as plsc

SOFTMAX_DIM = 32000
PADDING_TOKEN = 0
SMOOTHING_FACTOR = 0.1
CONFIDENCE = 1.0 - SMOOTHING_FACTOR
REDIST = SMOOTHING_FACTOR / (SOFTMAX_DIM - 2)
N_TOKENS = 2048
K_CONST = (SOFTMAX_DIM - 2) * REDIST * math.log(REDIST) + CONFIDENCE * math.log(CONFIDENCE)

LANES = 128
NW = 32
TOK_PER_W = N_TOKENS // NW

R_BLK = 64
G_BLK = N_TOKENS // R_BLK


def _sc_gather_kernel(x_hbm, tgt_hbm, out_hbm, tgt_v, rows_v, acc_v, sem):
    wid = lax.axis_index("s") * 2 + lax.axis_index("c")
    base = wid * TOK_PER_W
    pltpu.sync_copy(tgt_hbm.at[pl.ds(base, TOK_PER_W)], tgt_v)

    for jo in range(TOK_PER_W // 16):
        tv = tgt_v[pl.ds(jo * 16, 16)]
        cbv = tv - lax.bitwise_and(tv, 127)
        for ji in range(16):
            j = jo * 16 + ji
            tile_row = base + (j // 8) * 8
            cb = pl.multiple_of(cbv[ji], LANES)
            pltpu.async_copy(
                x_hbm.at[pl.ds(tile_row, 8), pl.ds(cb, LANES)],
                rows_v.at[j],
                sem,
            )
    for j in range(TOK_PER_W):
        pltpu.make_async_copy(
            x_hbm.at[pl.ds(0, 8), pl.ds(0, LANES)], rows_v.at[j], sem
        ).wait()

    acc = jnp.zeros((16,), jnp.float32)
    for j in range(TOK_PER_W // 16):
        t = tgt_v[pl.ds(j * 16, 16)]
        lane = lax.bitwise_and(t, 127)
        row_local = (j * 16) + lax.iota(jnp.int32, 16)
        sub_row = lax.bitwise_and(lax.iota(jnp.int32, 16), 7)
        gv = plsc.load_gather(rows_v, [row_local, sub_row, lane])
        m = jnp.where(t != PADDING_TOKEN, 1.0, 0.0).astype(jnp.float32)
        acc = acc + m * gv
    acc_v[...] = acc
    pltpu.sync_copy(acc_v, out_hbm.at[pl.ds(wid * 16, 16)])


def _sc_gather(x, tgt):
    mesh = plsc.VectorSubcoreMesh(core_axis_name="c", subcore_axis_name="s")
    return pl.kernel(
        _sc_gather_kernel,
        mesh=mesh,
        compiler_params=pltpu.CompilerParams(
            needs_layout_passes=False, use_tc_tiling_on_sc=True
        ),
        out_type=jax.ShapeDtypeStruct((NW * 16,), jnp.float32),
        scratch_types=[
            pltpu.VMEM((TOK_PER_W,), jnp.int32),
            pltpu.VMEM((TOK_PER_W, 8, LANES), jnp.float32),
            pltpu.VMEM((16,), jnp.float32),
            pltpu.SemaphoreType.DMA,
        ],
    )(x, tgt)


def _tc_body(x_ref, tgt_ref, out_ref):
    i = pl.program_id(0)
    x = x_ref[...]
    rs = jnp.sum(x, axis=1)
    x0 = x[:, 0]
    t = tgt_ref[0, 0, :]
    partial = jnp.sum(
        jnp.where(t != PADDING_TOKEN, K_CONST + REDIST * (x0 - rs), 0.0)
    )

    @pl.when(i == 0)
    def _init():
        out_ref[0, 0] = 0.0

    out_ref[0, 0] += partial


def _tc_part(x, tgt3):
    return pl.pallas_call(
        _tc_body,
        grid=(G_BLK,),
        in_specs=[
            pl.BlockSpec((R_BLK, SOFTMAX_DIM), lambda i: (i, 0)),
            pl.BlockSpec((1, 1, R_BLK), lambda i: (i, 0, 0)),
        ],
        out_specs=pl.BlockSpec(memory_space=pltpu.SMEM),
        out_shape=jax.ShapeDtypeStruct((1, 1), jnp.float32),
    )(x, tgt3)


def kernel(x, tgt_tokens):
    tgt = tgt_tokens.astype(jnp.int32)
    sg = _sc_gather(x, tgt)
    tgt3 = tgt.reshape(G_BLK, 1, R_BLK)
    tc_part = _tc_part(x, tgt3)
    return tc_part[0, 0] - (CONFIDENCE - REDIST) * jnp.sum(sg)

# --- scband reference (transcript-rebuilt; emitter-appended) ---
"""Pipeline reference for scband-label-smoothed-loss-53626961657972 (READ-ONLY COPY).

The authoritative reference and input builder live on the scoring server;
editing this copy changes nothing except your own understanding.
"""

import jax, jax.numpy as jnp
import numpy as np

SOFTMAX_DIM = 32000
PADDING_TOKEN = 0
SMOOTHING_FACTOR = 0.1
CONFIDENCE = 1.0 - SMOOTHING_FACTOR
REDIST = SMOOTHING_FACTOR / (SOFTMAX_DIM - 2)
N_TOKENS = 2048


def setup_inputs(seed: int = 0) -> dict:
    key = jax.random.key(seed)
    k1, k2 = jax.random.split(key)
    x = jax.random.normal(k1, (N_TOKENS, SOFTMAX_DIM), dtype=jnp.float32)
    tgt_tokens = jax.random.randint(k2, (N_TOKENS,), 0, SOFTMAX_DIM, dtype=jnp.int64 if jax.config.jax_enable_x64 else jnp.int32)
    return {"x": x, "tgt_tokens": tgt_tokens}


def reference(x, tgt_tokens):
    # Build smoothed target distributions (fill_, scatter_, column zero, row mask zero)
    smoothed = jnp.full(x.shape, REDIST, dtype=x.dtype)
    rows = jnp.arange(x.shape[0])
    # scatter_(dim=1, index=tgt_tokens.unsqueeze(1), value=confidence)
    smoothed = smoothed.at[rows, tgt_tokens].set(CONFIDENCE)
    # smoothed[:, padding_token] = 0
    smoothed = smoothed.at[:, PADDING_TOKEN].set(0.0)
    # zero out rows whose target token is the padding token (index_fill_ on nonzero mask)
    pad_rows = (tgt_tokens == PADDING_TOKEN)
    smoothed = jnp.where(pad_rows[:, None], 0.0, smoothed)
    # target has requires_grad=False in the torch module
    smoothed = jax.lax.stop_gradient(smoothed)
    # KLDivLoss(reduction='sum'): sum over all elements of target * (log(target) - input),
    # with the convention 0 * log(0) = 0
    pointwise = jnp.where(smoothed > 0, smoothed * (jnp.log(jnp.where(smoothed > 0, smoothed, 1.0)) - x), 0.0)
    return jnp.sum(pointwise)

if __name__ == "__main__":
    import jax
    _d = setup_inputs()
    print(jax.jit(kernel)(*tuple(_d.values())))

</pallas_src>

<mosaic_0001>
#map = affine_map<(d0, d1) -> (0, 0)>
#map1 = affine_map<(d0, d1) -> (0)>
module attributes {stable_mosaic.version = 14 : i64} {
  func.func @_sc_gather_kernel(%arg0: i32, %arg1: i32, %arg2: memref<2048x32000xf32, #tpu.memory_space<hbm>>, %arg3: memref<2048xi32, #tpu.memory_space<hbm>>, %arg4: memref<512xf32, #tpu.memory_space<hbm>>, %arg5: memref<64xi32, #tpu.memory_space<vmem>>, %arg6: memref<64x8x128xf32, #tpu.memory_space<vmem>>, %arg7: memref<16xf32, #tpu.memory_space<vmem>>, %arg8: memref<!tpu.dma_semaphore, #tpu.memory_space<semaphore_mem>>) attributes {dimension_semantics = [#tpu.dimension_semantics<core_parallel>, #tpu.dimension_semantics<subcore_parallel>], iteration_bounds = array<i64: 2, 16>, scalar_prefetch = 0 : i64, scratch_operands = 4 : i64, tpu.core_type = #tpu.core_type<sc_vector_subcore>, window_params = [{transform_indices = #map}, {transform_indices = #map1}, {transform_indices = #map1}]} {
    %mul3A = arith.constant 2 : i32
    %mul3A_0 = arith.muli %arg1, %mul3A : i32
    %add3A = arith.addi %mul3A_0, %arg0 : i32
    %mul3A_1 = arith.constant 64 : i32
    %mul3A_2 = arith.muli %add3A, %mul3A_1 : i32
    "tpu.region"() ({
      %run_scoped3A = tpu.sem_alloc : memref<!tpu.dma_semaphore, #tpu.memory_space<semaphore_mem>>
      %dma_start3A_2098 = tpu.memref_slice %arg3[%mul3A_2] : memref<2048xi32, #tpu.memory_space<hbm>> -> memref<64xi32, #tpu.memory_space<hbm>>
      %dma_start3A_2099 = tpu.memref_slice %arg3[%mul3A_2] : memref<2048xi32, #tpu.memory_space<hbm>> -> memref<64xi32, #tpu.memory_space<hbm>>
      tpu.enqueue_dma source(%dma_start3A_2099 : memref<64xi32, #tpu.memory_space<hbm>>) target(%arg5 : memref<64xi32, #tpu.memory_space<vmem>>) target_semaphore(%run_scoped3A : memref<!tpu.dma_semaphore, #tpu.memory_space<semaphore_mem>>)
      %dma_wait3A_2100 = tpu.memref_slice %arg3[%mul3A_2] : memref<2048xi32, #tpu.memory_space<hbm>> -> memref<64xi32, #tpu.memory_space<hbm>>
      %dma_wait3A_2101 = tpu.memref_slice %arg3[%mul3A_2] : memref<2048xi32, #tpu.memory_space<hbm>> -> memref<64xi32, #tpu.memory_space<hbm>>
      tpu.wait_dma2 semaphore(%run_scoped3A : memref<!tpu.dma_semaphore, #tpu.memory_space<semaphore_mem>>) src(%dma_wait3A_2101 : memref<64xi32, #tpu.memory_space<hbm>>) dst(%arg5 : memref<64xi32, #tpu.memory_space<vmem>>)
      tpu.yield
    }) : () -> ()
    %get3A = arith.constant 0 : index
    %get3A_3 = tpu.vector_load %arg5[%get3A] {strides = array<i32>} : memref<64xi32, #tpu.memory_space<vmem>>, vector<16xi32>,
    %and3A = arith.constant 127 : i32
    %and3A_4 = vector.broadcast %and3A : i32 to vector<16xi32>
    %and3A_5 = arith.andi %get3A_3, %and3A_4 : vector<16xi32>
    %sub3A = arith.subi %get3A_3, %and3A_5 : vector<16xi32>
    %add3A_6 = arith.constant 0 : i32
    %add3A_7 = arith.addi %mul3A_2, %add3A_6 : i32
    %slice3A = vector.extract_strided_slice %sub3A {offsets = [0], sizes = [1], strides = [1]} : vector<16xi32> to vector<1xi32>
    %squeeze3A = vector.extract %slice3A[0] : i32 from vector<1xi32>
    %multiple_of3A = tpu.assume_multiple %squeeze3A, 128 : i32
    %dma_start3A = arith.constant 0 : i32
    %dma_start3A_8 = arith.constant 0 : i32
    %dma_start3A_9 = arith.constant 0 : i32
    %dma_start3A_10 = tpu.memref_slice %arg6[%dma_start3A, %dma_start3A_8, %dma_start3A_9] : memref<64x8x128xf32, #tpu.memory_space<vmem>> -> memref<1x8x128xf32, #tpu.memory_space<vmem>>
    %dma_start3A_11 = tpu.memref_squeeze %dma_start3A_10 : memref<1x8x128xf32, #tpu.memory_space<vmem>> -> memref<8x128xf32, #tpu.memory_space<vmem>>
    %dma_start3A_12 = tpu.memref_slice %arg2[%add3A_7, %multiple_of3A] : memref<2048x32000xf32, #tpu.memory_space<hbm>> -> memref<8x128xf32, #tpu.memory_space<hbm>>
    %dma_start3A_13 = arith.constant 0 : i32
    %dma_start3A_14 = arith.constant 0 : i32
    %dma_start3A_15 = tpu.memref_slice %arg6[%dma_start3A, %dma_start3A_13, %dma_start3A_14] : memref<64x8x128xf32, #tpu.memory_space<vmem>> -> memref<1x8x128xf32, #tpu.memory_space<vmem>>
    %dma_start3A_16 = tpu.memref_squeeze %dma_start3A_15 : memref<1x8x128xf32, #tpu.memory_space<vmem>> -> memref<8x128xf32, #tpu.memory_space<vmem>>
    %dma_start3A_17 = tpu.memref_slice %arg2[%add3A_7, %multiple_of3A] : memref<2048x32000xf32, #tpu.memory_space<hbm>> -> memref<8x128xf32, #tpu.memory_space<hbm>>
    tpu.enqueue_dma source(%dma_start3A_17 : memref<8x128xf32, #tpu.memory_space<hbm>>) target(%dma_start3A_16 : memref<8x128xf32, #tpu.memory_space<vmem>>) target_semaphore(%arg8 : memref<!tpu.dma_semaphore, #tpu.memory_space<semaphore_mem>>)
    %add3A_18 = arith.constant 0 : i32
    %add3A_19 = arith.addi %mul3A_2, %add3A_18 : i32
    %slice3A_20 = vector.extract_strided_slice %sub3A {offsets = [1], sizes = [1], strides = [1]} : vector<16xi32> to vector<1xi32>
    %squeeze3A_21 = vector.extract %slice3A_20[0] : i32 from vector<1xi32>
    %multiple_of3A_22 = tpu.assume_multiple %squeeze3A_21, 128 : i32
    %dma_start3A_23 = arith.constant 1 : i32
    %dma_start3A_24 = arith.constant 0 : i32
    %dma_start3A_25 = arith.constant 0 : i32
    %dma_start3A_26 = tpu.memref_slice %arg6[%dma_start3A_23, %dma_start3A_24, %dma_start3A_25] : memref<64x8x128xf32, #tpu.memory_space<vmem>> -> memref<1x8x128xf32, #tpu.memory_space<vmem>>
    %dma_start3A_27 = tpu.memref_squeeze %dma_start3A_26 : memref<1x8x128xf32, #tpu.memory_space<vmem>> -> memref<8x128xf32, #tpu.memory_space<vmem>>
    %dma_start3A_28 = tpu.memref_slice %arg2[%add3A_19, %multiple_of3A_22] : memref<2048x32000xf32, #tpu.memory_space<hbm>> -> memref<8x128xf32, #tpu.memory_space<hbm>>
    %dma_start3A_29 = arith.constant 0 : i32
    %dma_start3A_30 = arith.constant 0 : i32
    %dma_start3A_31 = tpu.memref_slice %arg6[%dma_start3A_23, %dma_start3A_29, %dma_start3A_30] : memref<64x8x128xf32, #tpu.memory_space<vmem>> -> memref<1x8x128xf32, #tpu.memory_space<vmem>>
    %dma_start3A_32 = tpu.memref_squeeze %dma_start3A_31 : memref<1x8x128xf32, #tpu.memory_space<vmem>> -> memref<8x128xf32, #tpu.memory_space<vmem>>
    %dma_start3A_33 = tpu.memref_slice %arg2[%add3A_19, %multiple_of3A_22] : memref<2048x32000xf32, #tpu.memory_space<hbm>> -> memref<8x128xf32, #tpu.memory_space<hbm>>
    tpu.enqueue_dma source(%dma_start3A_33 : memref<8x128xf32, #tpu.memory_space<hbm>>) target(%dma_start3A_32 : memref<8x128xf32, #tpu.memory_space<vmem>>) target_semaphore(%arg8 : memref<!tpu.dma_semaphore, #tpu.memory_space<semaphore_mem>>)
    %add3A_34 = arith.constant 0 : i32
    %add3A_35 = arith.addi %mul3A_2, %add3A_34 : i32
    %slice3A_36 = vector.extract_strided_slice %sub3A {offsets = [2], sizes = [1], strides = [1]} : vector<16xi32> to vector<1xi32>
    %squeeze3A_37 = vector.extract %slice3A_36[0] : i32 from vector<1xi32>
    %multiple_of3A_38 = tpu.assume_multiple %squeeze3A_37, 128 : i32
    %dma_start3A_39 = arith.constant 2 : i32
    %dma_start3A_40 = arith.constant 0 : i32
    %dma_start3A_41 = arith.constant 0 : i32
    %dma_start3A_42 = tpu.memref_slice %arg6[%dma_start3A_39, %dma_start3A_40, %dma_start3A_41] : memref<64x8x128xf32, #tpu.memory_space<vmem>> -> memref<1x8x128xf32, #tpu.memory_space<vmem>>
    %dma_start3A_43 = tpu.memref_squeeze %dma_start3A_42 : memref<1x8x128xf32, #tpu.memory_space<vmem>> -> memref<8x128xf32, #tpu.memory_space<vmem>>
    %dma_start3A_44 = tpu.memref_slice %arg2[%add3A_35, %multiple_of3A_38] : memref<2048x32000xf32, #tpu.memory_space<hbm>> -> memref<8x128xf32, #tpu.memory_space<hbm>>
    %dma_start3A_45 = arith.constant 0 : i32
    %dma_start3A_46 = arith.constant 0 : i32
    %dma_start3A_47 = tpu.memref_slice %arg6[%dma_start3A_39, %dma_start3A_45, %dma_start3A_46] : memref<64x8x128xf32, #tpu.memory_space<vmem>> -> memref<1x8x128xf32, #tpu.memory_space<vmem>>
    %dma_start3A_48 = tpu.memref_squeeze %dma_start3A_47 : memref<1x8x128xf32, #tpu.memory_space<vmem>> -> memref<8x128xf32, #tpu.memory_space<vmem>>
    %dma_start3A_49 = tpu.memref_slice %arg2[%add3A_35, %multiple_of3A_38] : memref<2048x32000xf32, #tpu.memory_space<hbm>> -> memref<8x128xf32, #tpu.memory_space<hbm>>
    tpu.enqueue_dma source(%dma_start3A_49 : memref<8x128xf32, #tpu.memory_space<hbm>>) target(%dma_start3A_48 : memref<8x128xf32, #tpu.memory_space<vmem>>) target_semaphore(%arg8 : memref<!tpu.dma_semaphore, #tpu.memory_space<semaphore_mem>>)
    %add3A_50 = arith.constant 0 : i32
    %add3A_51 = arith.addi %mul3A_2, %add3A_50 : i32
    %slice3A_52 = vector.extract_strided_slice %sub3A {offsets = [3], sizes = [1], strides = [1]} : vector<16xi32> to vector<1xi32>
    %squeeze3A_53 = vector.extract %slice3A_52[0] : i32 from vector<1xi32>
    %multiple_of3A_54 = tpu.assume_multiple %squeeze3A_53, 128 : i32
    %dma_start3A_55 = arith.constant 3 : i32
    %dma_start3A_56 = arith.constant 0 : i32
    %dma_start3A_57 = arith.constant 0 : i32
    %dma_start3A_58 = tpu.memref_slice %arg6[%dma_start3A_55, %dma_start3A_56, %dma_start3A_57] : memref<64x8x128xf32, #tpu.memory_space<vmem>> -> memref<1x8x128xf32, #tpu.memory_space<vmem>>
    %dma_start3A_59 = tpu.memref_squeeze %dma_start3A_58 : memref<1x8x128xf32, #tpu.memory_space<vmem>> -> memref<8x128xf32, #tpu.memory_space<vmem>>
    %dma_start3A_60 = tpu.memref_slice %arg2[%add3A_51, %multiple_of3A_54] : memref<2048x32000xf32, #tpu.memory_space<hbm>> -> memref<8x128xf32, #tpu.memory_space<hbm>>
    %dma_start3A_61 = arith.constant 0 : i32
    %dma_start3A_62 = arith.constant 0 : i32
    %dma_start3A_63 = tpu.memref_slice %arg6[%dma_start3A_55, %dma_start3A_61, %dma_start3A_62] : memref<64x8x128xf32, #tpu.memory_space<vmem>> -> memref<1x8x128xf32, #tpu.memory_space<vmem>>
    %dma_start3A_64 = tpu.memref_squeeze %dma_start3A_63 : memref<1x8x128xf32, #tpu.memory_space<vmem>> -> memref<8x128xf32, #tpu.memory_space<vmem>>
    %dma_start3A_65 = tpu.memref_slice %arg2[%add3A_51, %multiple_of3A_54] : memref<2048x32000xf32, #tpu.memory_space<hbm>> -> memref<8x128xf32, #tpu.memory_space<hbm>>
    tpu.enqueue_dma source(%dma_start3A_65 : memref<8x128xf32, #tpu.memory_space<hbm>>) target(%dma_start3A_64 : memref<8x128xf32, #tpu.memory_space<vmem>>) target_semaphore(%arg8 : memref<!tpu.dma_semaphore, #tpu.memory_space<semaphore_mem>>)
    %add3A_66 = arith.constant 0 : i32
    %add3A_67 = arith.addi %mul3A_2, %add3A_66 : i32
    %slice3A_68 = vector.extract_strided_slice %sub3A {offsets = [4], sizes = [1], strides = [1]} : vector<16xi32> to vector<1xi32>
    %squeeze3A_69 = vector.extract %slice3A_68[0] : i32 from vector<1xi32>
    %multiple_of3A_70 = tpu.assume_multiple %squeeze3A_69, 128 : i32
    %dma_start3A_71 = arith.constant 4 : i32
    %dma_start3A_72 = arith.constant 0 : i32
    %dma_start3A_73 = arith.constant 0 : i32
    %dma_start3A_74 = tpu.memref_slice %arg6[%dma_start3A_71, %dma_start3A_72, %dma_start3A_73] : memref<64x8x128xf32, #tpu.memory_space<vmem>> -> memref<1x8x128xf32, #tpu.memory_space<vmem>>
    %dma_start3A_75 = tpu.memref_squeeze %dma_start3A_74 : memref<1x8x128xf32, #tpu.memory_space<vmem>> -> memref<8x128xf32, #tpu.memory_space<vmem>>
    %dma_start3A_76 = tpu.memref_slice %arg2[%add3A_67, %multiple_of3A_70] : memref<2048x32000xf32, #tpu.memory_space<hbm>> -> memref<8x128xf32, #tpu.memory_space<hbm>>
    %dma_start3A_77 = arith.constant 0 : i32
    %dma_start3A_78 = arith.constant 0 : i32
    %dma_start3A_79 = tpu.memref_slice %arg6[%dma_start3A_71, %dma_start3A_77, %dma_start3A_78] : memref<64x8x128xf32, #tpu.memory_space<vmem>> -> memref<1x8x128xf32, #tpu.memory_space<vmem>>
    %dma_start3A_80 = tpu.memref_squeeze %dma_start3A_79 : memref<1x8x128xf32, #tpu.memory_space<vmem>> -> memref<8x128xf32, #tpu.memory_space<vmem>>
    %dma_start3A_81 = tpu.memref_slice %arg2[%add3A_67, %multiple_of3A_70] : memref<2048x32000xf32, #tpu.memory_space<hbm>> -> memref<8x128xf32, #tpu.memory_space<hbm>>
    tpu.enqueue_dma source(%dma_start3A_81 : memref<8x128xf32, #tpu.memory_space<hbm>>) target(%dma_start3A_80 : memref<8x128xf32, #tpu.memory_space<vmem>>) target_semaphore(%arg8 : memref<!tpu.dma_semaphore, #tpu.memory_space<semaphore_mem>>)
    %add3A_82 = arith.constant 0 : i32
    %add3A_83 = arith.addi %mul3A_2, %add3A_82 : i32
    %slice3A_84 = vector.extract_strided_slice %sub3A {offsets = [5], sizes = [1], strides = [1]} : vector<16xi32> to vector<1xi32>
    %squeeze3A_85 = vector.extract %slice3A_84[0] : i32 from vector<1xi32>
    %multiple_of3A_86 = tpu.assume_multiple %squeeze3A_85, 128 : i32
    %dma_start3A_87 = arith.constant 5 : i32
    %dma_start3A_88 = arith.constant 0 : i32
    %dma_start3A_89 = arith.constant 0 : i32
    %dma_start3A_90 = tpu.memref_slice %arg6[%dma_start3A_87, %dma_start3A_88, %dma_start3A_89] : memref<64x8x128xf32, #tpu.memory_space<vmem>> -> memref<1x8x128xf32, #tpu.memory_space<vmem>>
    %dma_start3A_91 = tpu.memref_squeeze %dma_start3A_90 : memref<1x8x128xf32, #tpu.memory_space<vmem>> -> memref<8x128xf32, #tpu.memory_space<vmem>>
    %dma_start3A_92 = tpu.memref_slice %arg2[%add3A_83, %multiple_of3A_86] : memref<2048x32000xf32, #tpu.memory_space<hbm>> -> memref<8x128xf32, #tpu.memory_space<hbm>>
    %dma_start3A_93 = arith.constant 0 : i32
    %dma_start3A_94 = arith.constant 0 : i32
    %dma_start3A_95 = tpu.memref_slice %arg6[%dma_start3A_87, %dma_start3A_93, %dma_start3A_94] : memref<64x8x128xf32, #tpu.memory_space<vmem>> -> memref<1x8x128xf32, #tpu.memory_space<vmem>>
    %dma_start3A_96 = tpu.memref_squeeze %dma_start3A_95 : memref<1x8x128xf32, #tpu.memory_space<vmem>> -> memref<8x128xf32, #tpu.memory_space<vmem>>
    %dma_start3A_97 = tpu.memref_slice %arg2[%add3A_83, %multiple_of3A_86] : memref<2048x32000xf32, #tpu.memory_space<hbm>> -> memref<8x128xf32, #tpu.memory_space<hbm>>
    tpu.enqueue_dma source(%dma_start3A_97 : memref<8x128xf32, #tpu.memory_space<hbm>>) target(%dma_start3A_96 : memref<8x128xf32, #tpu.memory_space<vmem>>) target_semaphore(%arg8 : memref<!tpu.dma_semaphore, #tpu.memory_space<semaphore_mem>>)
    %add3A_98 = arith.constant 0 : i32
    %add3A_99 = arith.addi %mul3A_2, %add3A_98 : i32
    %slice3A_100 = vector.extract_strided_slice %sub3A {offsets = [6], sizes = [1], strides = [1]} : vector<16xi32> to vector<1xi32>
    %squeeze3A_101 = vector.extract %slice3A_100[0] : i32 from vector<1xi32>
    %multiple_of3A_102 = tpu.assume_multiple %squeeze3A_101, 128 : i32
    %dma_start3A_103 = arith.constant 6 : i32
    %dma_start3A_104 = arith.constant 0 : i32
    %dma_start3A_105 = arith.constant 0 : i32
    %dma_start3A_106 = tpu.memref_slice %arg6[%dma_start3A_103, %dma_start3A_104, %dma_start3A_105] : memref<64x8x128xf32, #tpu.memory_space<vmem>> -> memref<1x8x128xf32, #tpu.memory_space<vmem>>
    %dma_start3A_107 = tpu.memref_squeeze %dma_start3A_106 : memref<1x8x128xf32, #tpu.memory_space<vmem>> -> memref<8x128xf32, #tpu.memory_space<vmem>>
    %dma_start3A_108 = tpu.memref_slice %arg2[%add3A_99, %multiple_of3A_102] : memref<2048x32000xf32, #tpu.memory_space<hbm>> -> memref<8x128xf32, #tpu.memory_space<hbm>>
    %dma_start3A_109 = arith.constant 0 : i32
    %dma_start3A_110 = arith.constant 0 : i32
    %dma_start3A_111 = tpu.memref_slice %arg6[%dma_start3A_103, %dma_start3A_109, %dma_start3A_110] : memref<64x8x128xf32, #tpu.memory_space<vmem>> -> memref<1x8x128xf32, #tpu.memory_space<vmem>>
    %dma_start3A_112 = tpu.memref_squeeze %dma_start3A_111 : memref<1x8x128xf32, #tpu.memory_space<vmem>> -> memref<8x128xf32, #tpu.memory_space<vmem>>
    %dma_start3A_113 = tpu.memref_slice %arg2[%add3A_99, %multiple_of3A_102] : memref<2048x32000xf32, #tpu.memory_space<hbm>> -> memref<8x128xf32, #tpu.memory_space<hbm>>
    tpu.enqueue_dma source(%dma_start3A_113 : memref<8x128xf32, #tpu.memory_space<hbm>>) target(%dma_start3A_112 : memref<8x128xf32, #tpu.memory_space<vmem>>) target_semaphore(%arg8 : memref<!tpu.dma_semaphore, #tpu.memory_space<semaphore_mem>>)
    %add3A_114 = arith.constant 0 : i32
    %add3A_115 = arith.addi %mul3A_2, %add3A_114 : i32
    %slice3A_116 = vector.extract_strided_slice %sub3A {offsets = [7], sizes = [1], strides = [1]} : vector<16xi32> to vector<1xi32>
    %squeeze3A_117 = vector.extract %slice3A_116[0] : i32 from vector<1xi32>
    %multiple_of3A_118 = tpu.assume_multiple %squeeze3A_117, 128 : i32
    %dma_start3A_119 = arith.constant 7 : i32
    %dma_start3A_120 = arith.constant 0 : i32
    %dma_start3A_121 = arith.constant 0 : i32
    %dma_start3A_122 = tpu.memref_slice %arg6[%dma_start3A_119, %dma_start3A_120, %dma_start3A_121] : memref<64x8x128xf32, #tpu.memory_space<vmem>> -> memref<1x8x128xf32, #tpu.memory_space<vmem>>
    %dma_start3A_123 = tpu.memref_squeeze %dma_start3A_122 : memref<1x8x128xf32, #tpu.memory_space<vmem>> -> memref<8x128xf32, #tpu.memory_space<vmem>>
    %dma_start3A_124 = tpu.memref_slice %arg2[%add3A_115, %multiple_of3A_118] : memref<2048x32000xf32, #tpu.memory_space<hbm>> -> memref<8x128xf32, #tpu.memory_space<hbm>>
    %dma_start3A_125 = arith.constant 0 : i32
    %dma_start3A_126 = arith.constant 0 : i32
    %dma_start3A_127 = tpu.memref_slice %arg6[%dma_start3A_119, %dma_start3A_125, %dma_start3A_126] : memref<64x8x128xf32, #tpu.memory_space<vmem>> -> memref<1x8x128xf32, #tpu.memory_space<vmem>>
    %dma_start3A_128 = tpu.memref_squeeze %dma_start3A_127 : memref<1x8x128xf32, #tpu.memory_space<vmem>> -> memref<8x128xf32, #tpu.memory_space<vmem>>
    %dma_start3A_129 = tpu.memref_slice %arg2[%add3A_115, %multiple_of3A_118] : memref<2048x32000xf32, #tpu.memory_space<hbm>> -> memref<8x128xf32, #tpu.memory_space<hbm>>
    tpu.enqueue_dma source(%dma_start3A_129 : memref<8x128xf32, #tpu.memory_space<hbm>>) target(%dma_start3A_128 : memref<8x128xf32, #tpu.memory_space<vmem>>) target_semaphore(%arg8 : memref<!tpu.dma_semaphore, #tpu.memory_space<semaphore_mem>>)
    %add3A_130 = arith.constant 8 : i32
    %add3A_131 = arith.addi %mul3A_2, %add3A_130 : i32
    %slice3A_132 = vector.extract_strided_slice %sub3A {offsets = [8], sizes = [1], strides = [1]} : vector<16xi32> to vector<1xi32>
    %squeeze3A_133 = vector.extract %slice3A_132[0] : i32 from vector<1xi32>
    %multiple_of3A_134 = tpu.assume_multiple %squeeze3A_133, 128 : i32
    %dma_start3A_135 = arith.constant 8 : i32
    %dma_start3A_136 = arith.constant 0 : i32
    %dma_start3A_137 = arith.constant 0 : i32
    %dma_start3A_138 = tpu.memref_slice %arg6[%dma_start3A_135, %dma_start3A_136, %dma_start3A_137] : memref<64x8x128xf32, #tpu.memory_space<vmem>> -> memref<1x8x128xf32, #tpu.memory_space<vmem>>
    %dma_start3A_139 = tpu.memref_squeeze %dma_start3A_138 : memref<1x8x128xf32, #tpu.memory_space<vmem>> -> memref<8x128xf32, #tpu.memory_space<vmem>>
    %dma_start3A_140 = tpu.memref_slice %arg2[%add3A_131, %multiple_of3A_134] : memref<2048x32000xf32, #tpu.memory_space<hbm>> -> memref<8x128xf32, #tpu.memory_space<hbm>>
    %dma_start3A_141 = arith.constant 0 : i32
    %dma_start3A_142 = arith.constant 0 : i32
    %dma_start3A_143 = tpu.memref_slice %arg6[%dma_start3A_135, %dma_start3A_141, %dma_start3A_142] : memref<64x8x128xf32, #tpu.memory_space<vmem>> -> memref<1x8x128xf32, #tpu.memory_space<vmem>>
    %dma_start3A_144 = tpu.memref_squeeze %dma_start3A_143 : memref<1x8x128xf32, #tpu.memory_space<vmem>> -> memref<8x128xf32, #tpu.memory_space<vmem>>
    %dma_start3A_145 = tpu.memref_slice %arg2[%add3A_131, %multiple_of3A_134] : memref<2048x32000xf32, #tpu.memory_space<hbm>> -> memref<8x128xf32, #tpu.memory_space<hbm>>
    tpu.enqueue_dma source(%dma_start3A_145 : memref<8x128xf32, #tpu.memory_space<hbm>>) target(%dma_start3A_144 : memref<8x128xf32, #tpu.memory_space<vmem>>) target_semaphore(%arg8 : memref<!tpu.dma_semaphore, #tpu.memory_space<semaphore_mem>>)
    %add3A_146 = arith.constant 8 : i32
    %add3A_147 = arith.addi %mul3A_2, %add3A_146 : i32
    %slice3A_148 = vector.extract_strided_slice %sub3A {offsets = [9], sizes = [1], strides = [1]} : vector<16xi32> to vector<1xi32>
    %squeeze3A_149 = vector.extract %slice3A_148[0] : i32 from vector<1xi32>
    %multiple_of3A_150 = tpu.assume_multiple %squeeze3A_149, 128 : i32
    %dma_start3A_151 = arith.constant 9 : i32
    %dma_start3A_152 = arith.constant 0 : i32
    %dma_start3A_153 = arith.constant 0 : i32
    %dma_start3A_154 = tpu.memref_slice %arg6[%dma_start3A_151, %dma_start3A_152, %dma_start3A_153] : memref<64x8x128xf32, #tpu.memory_space<vmem>> -> memref<1x8x128xf32, #tpu.memory_space<vmem>>
    %dma_start3A_155 = tpu.memref_squeeze %dma_start3A_154 : memref<1x8x128xf32, #tpu.memory_space<vmem>> -> memref<8x128xf32, #tpu.memory_space<vmem>>
    %dma_start3A_156 = tpu.memref_slice %arg2[%add3A_147, %multiple_of3A_150] : memref<2048x32000xf32, #tpu.memory_space<hbm>> -> memref<8x128xf32, #tpu.memory_space<hbm>>
    %dma_start3A_157 = arith.constant 0 : i32
    %dma_start3A_158 = arith.constant 0 : i32
    %dma_start3A_159 = tpu.memref_slice %arg6[%dma_start3A_151, %dma_start3A_157, %dma_start3A_158] : memref<64x8x128xf32, #tpu.memory_space<vmem>> -> memref<1x8x128xf32, #tpu.memory_space<vmem>>
    %dma_start3A_160 = tpu.memref_squeeze %dma_start3A_159 : memref<1x8x128xf32, #tpu.memory_space<vmem>> -> memref<8x128xf32, #tpu.memory_space<vmem>>
    %dma_start3A_161 = tpu.memref_slice %arg2[%add3A_147, %multiple_of3A_150] : memref<2048x32000xf32, #tpu.memory_space<hbm>> -> memref<8x128xf32, #tpu.memory_space<hbm>>
    tpu.enqueue_dma source(%dma_start3A_161 : memref<8x128xf32, #tpu.memory_space<hbm>>) target(%dma_start3A_160 : memref<8x128xf32, #tpu.memory_space<vmem>>) target_semaphore(%arg8 : memref<!tpu.dma_semaphore, #tpu.memory_space<semaphore_mem>>)
    %add3A_162 = arith.constant 8 : i32
    %add3A_163 = arith.addi %mul3A_2, %add3A_162 : i32
    %slice3A_164 = vector.extract_strided_slice %sub3A {offsets = [10], sizes = [1], strides = [1]} : vector<16xi32> to vector<1xi32>
    %squeeze3A_165 = vector.extract %slice3A_164[0] : i32 from vector<1xi32>
    %multiple_of3A_166 = tpu.assume_multiple %squeeze3A_165, 128 : i32
    %dma_start3A_167 = arith.constant 10 : i32
    %dma_start3A_168 = arith.constant 0 : i32
    %dma_start3A_169 = arith.constant 0 : i32
    %dma_start3A_170 = tpu.memref_slice %arg6[%dma_start3A_167, %dma_start3A_168, %dma_start3A_169] : memref<64x8x128xf32, #tpu.memory_space<vmem>> -> memref<1x8x128xf32, #tpu.memory_space<vmem>>
    %dma_start3A_171 = tpu.memref_squeeze %dma_start3A_170 : memref<1x8x128xf32, #tpu.memory_space<vmem>> -> memref<8x128xf32, #tpu.memory_space<vmem>>
    %dma_start3A_172 = tpu.memref_slice %arg2[%add3A_163, %multiple_of3A_166] : memref<2048x32000xf32, #tpu.memory_space<hbm>> -> memref<8x128xf32, #tpu.memory_space<hbm>>
    %dma_start3A_173 = arith.constant 0 : i32
    %dma_start3A_174 = arith.constant 0 : i32
    %dma_start3A_175 = tpu.memref_slice %arg6[%dma_start3A_167, %dma_start3A_173, %dma_start3A_174] : memref<64x8x128xf32, #tpu.memory_space<vmem>> -> memref<1x8x128xf32, #tpu.memory_space<vmem>>
    %dma_start3A_176 = tpu.memref_squeeze %dma_start3A_175 : memref<1x8x128xf32, #tpu.memory_space<vmem>> -> memref<8x128xf32, #tpu.memory_space<vmem>>
    %dma_start3A_177 = tpu.memref_slice %arg2[%add3A_163, %multiple_of3A_166] : memref<2048x32000xf32, #tpu.memory_space<hbm>> -> memref<8x128xf32, #tpu.memory_space<hbm>>
    tpu.enqueue_dma source(%dma_start3A_177 : memref<8x128xf32, #tpu.memory_space<hbm>>) target(%dma_start3A_176 : memref<8x128xf32, #tpu.memory_space<vmem>>) target_semaphore(%arg8 : memref<!tpu.dma_semaphore, #tpu.memory_space<semaphore_mem>>)
    %add3A_178 = arith.constant 8 : i32
    %add3A_179 = arith.addi %mul3A_2, %add3A_178 : i32
    %slice3A_180 = vector.extract_strided_slice %sub3A {offsets = [11], sizes = [1], strides = [1]} : vector<16xi32> to vector<1xi32>
    %squeeze3A_181 = vector.extract %slice3A_180[0] : i32 from vector<1xi32>
    %multiple_of3A_182 = tpu.assume_multiple %squeeze3A_181, 128 : i32
    %dma_start3A_183 = arith.constant 11 : i32
    %dma_start3A_184 = arith.constant 0 : i32
    %dma_start3A_185 = arith.constant 0 : i32
    %dma_start3A_186 = tpu.memref_slice %arg6[%dma_start3A_183, %dma_start3A_184, %dma_start3A_185] : memref<64x8x128xf32, #tpu.memory_space<vmem>> -> memref<1x8x128xf32, #tpu.memory_space<vmem>>
    %dma_start3A_187 = tpu.memref_squeeze %dma_start3A_186 : memref<1x8x128xf32, #tpu.memory_space<vmem>> -> memref<8x128xf32, #tpu.memory_space<vmem>>
    %dma_start3A_188 = tpu.memref_slice %arg2[%add3A_179, %multiple_of3A_182] : memref<2048x32000xf32, #tpu.memory_space<hbm>> -> memref<8x128xf32, #tpu.memory_space<hbm>>
    %dma_start3A_189 = arith.constant 0 : i32
    %dma_start3A_190 = arith.constant 0 : i32
    %dma_start3A_191 = tpu.memref_slice %arg6[%dma_start3A_183, %dma_start3A_189, %dma_start3A_190] : memref<64x8x128xf32, #tpu.memory_space<vmem>> -> memref<1x8x128xf32, #tpu.memory_space<vmem>>
    %dma_start3A_192 = tpu.memref_squeeze %dma_start3A_191 : memref<1x8x128xf32, #tpu.memory_space<vmem>> -> memref<8x128xf32, #tpu.memory_space<vmem>>
    %dma_start3A_193 = tpu.memref_slice %arg2[%add3A_179, %multiple_of3A_182] : memref<2048x32000xf32, #tpu.memory_space<hbm>> -> memref<8x128xf32, #tpu.memory_space<hbm>>
    tpu.enqueue_dma source(%dma_start3A_193 : memref<8x128xf32, #tpu.memory_space<hbm>>) target(%dma_start3A_192 : memref<8x128xf32, #tpu.memory_space<vmem>>) target_semaphore(%arg8 : memref<!tpu.dma_semaphore, #tpu.memory_space<semaphore_mem>>)
    %add3A_194 = arith.constant 8 : i32
    %add3A_195 = arith.addi %mul3A_2, %add3A_194 : i32
    %slice3A_196 = vector.extract_strided_slice %sub3A {offsets = [12], sizes = [1], strides = [1]} : vector<16xi32> to vector<1xi32>
    %squeeze3A_197 = vector.extract %slice3A_196[0] : i32 from vector<1xi32>
    %multiple_of3A_198 = tpu.assume_multiple %squeeze3A_197, 128 : i32
    %dma_start3A_199 = arith.constant 12 : i32
    %dma_start3A_200 = arith.constant 0 : i32
    %dma_start3A_201 = arith.constant 0 : i32
    %dma_start3A_202 = tpu.memref_slice %arg6[%dma_start3A_199, %dma_start3A_200, %dma_start3A_201] : memref<64x8x128xf32, #tpu.memory_space<vmem>> -> memref<1x8x128xf32, #tpu.memory_space<vmem>>
    %dma_start3A_203 = tpu.memref_squeeze %dma_start3A_202 : memref<1x8x128xf32, #tpu.memory_space<vmem>> -> memref<8x128xf32, #tpu.memory_space<vmem>>
    %dma_start3A_204 = tpu.memref_slice %arg2[%add3A_195, %multiple_of3A_198] : memref<2048x32000xf32, #tpu.memory_space<hbm>> -> memref<8x128xf32, #tpu.memory_space<hbm>>
    %dma_start3A_205 = arith.constant 0 : i32
    %dma_start3A_206 = arith.constant 0 : i32
    %dma_start3A_207 = tpu.memref_slice %arg6[%dma_start3A_199, %dma_start3A_205, %dma_start3A_206] : memref<64x8x128xf32, #tpu.memory_space<vmem>> -> memref<1x8x128xf32, #tpu.memory_space<vmem>>
    %dma_start3A_208 = tpu.memref_squeeze %dma_start3A_207 : memref<1x8x128xf32, #tpu.memory_space<vmem>> -> memref<8x128xf32, #tpu.memory_space<vmem>>
    %dma_start3A_209 = tpu.memref_slice %arg2[%add3A_195, %multiple_of3A_198] : memref<2048x32000xf32, #tpu.memory_space<hbm>> -> memref<8x128xf32, #tpu.memory_space<hbm>>
    tpu.enqueue_dma source(%dma_start3A_209 : memref<8x128xf32, #tpu.memory_space<hbm>>) target(%dma_start3A_208 : memref<8x128xf32, #tpu.memory_space<vmem>>) target_semaphore(%arg8 : memref<!tpu.dma_semaphore, #tpu.memory_space<semaphore_mem>>)
    %add3A_210 = arith.constant 8 : i32
    %add3A_211 = arith.addi %mul3A_2, %add3A_210 : i32
    %slice3A_212 = vector.extract_strided_slice %sub3A {offsets = [13], sizes = [1], strides = [1]} : vector<16xi32> to vector<1xi32>
    %squeeze3A_213 = vector.extract %slice3A_212[0] : i32 from vector<1xi32>
    %multiple_of3A_214 = tpu.assume_multiple %squeeze3A_213, 128 : i32
    %dma_start3A_215 = arith.constant 13 : i32
    %dma_start3A_216 = arith.constant 0 : i32
    %dma_start3A_217 = arith.constant 0 : i32
    %dma_start3A_218 = tpu.memref_slice %arg6[%dma_start3A_215, %dma_start3A_216, %dma_start3A_217] : memref<64x8x128xf32, #tpu.memory_space<vmem>> -> memref<1x8x128xf32, #tpu.memory_space<vmem>>
    %dma_start3A_219 = tpu.memref_squeeze %dma_start3A_218 : memref<1x8x128xf32, #tpu.memory_space<vmem>> -> memref<8x128xf32, #tpu.memory_space<vmem>>
    %dma_start3A_220 = tpu.memref_slice %arg2[%add3A_211, %multiple_of3A_214] : memref<2048x32000xf32, #tpu.memory_space<hbm>> -> memref<8x128xf32, #tpu.memory_space<hbm>>
    %dma_start3A_221 = arith.constant 0 : i32
    %dma_start3A_222 = arith.constant 0 : i32
    %dma_start3A_223 = tpu.memref_slice %arg6[%dma_start3A_215, %dma_start3A_221, %dma_start3A_222] : memref<64x8x128xf32, #tpu.memory_space<vmem>> -> memref<1x8x128xf32, #tpu.memory_space<vmem>>
    %dma_start3A_224 = tpu.memref_squeeze %dma_start3A_223 : memref<1x8x128xf32, #tpu.memory_space<vmem>> -> memref<8x128xf32, #tpu.memory_space<vmem>>
    %dma_start3A_225 = tpu.memref_slice %arg2[%add3A_211, %multiple_of3A_214] : memref<2048x32000xf32, #tpu.memory_space<hbm>> -> memref<8x128xf32, #tpu.memory_space<hbm>>
    tpu.enqueue_dma source(%dma_start3A_225 : memref<8x128xf32, #tpu.memory_space<hbm>>) target(%dma_start3A_224 : memref<8x128xf32, #tpu.memory_space<vmem>>) target_semaphore(%arg8 : memref<!tpu.dma_semaphore, #tpu.memory_space<semaphore_mem>>)
    %add3A_226 = arith.constant 8 : i32
    %add3A_227 = arith.addi %mul3A_2, %add3A_226 : i32
    %slice3A_228 = vector.extract_strided_slice %sub3A {offsets = [14], sizes = [1], strides = [1]} : vector<16xi32> to vector<1xi32>
    %squeeze3A_229 = vector.extract %slice3A_228[0] : i32 from vector<1xi32>
    %multiple_of3A_230 = tpu.assume_multiple %squeeze3A_229, 128 : i32
    %dma_start3A_231 = arith.constant 14 : i32
    %dma_start3A_232 = arith.constant 0 : i32
    %dma_start3A_233 = arith.constant 0 : i32
    %dma_start3A_234 = tpu.memref_slice %arg6[%dma_start3A_231, %dma_start3A_232, %dma_start3A_233] : memref<64x8x128xf32, #tpu.memory_space<vmem>> -> memref<1x8x128xf32, #tpu.memory_space<vmem>>
    %dma_start3A_235 = tpu.memref_squeeze %dma_start3A_234 : memref<1x8x128xf32, #tpu.memory_space<vmem>> -> memref<8x128xf32, #tpu.memory_space<vmem>>
    %dma_start3A_236 = tpu.memref_slice %arg2[%add3A_227, %multiple_of3A_230] : memref<2048x32000xf32, #tpu.memory_space<hbm>> -> memref<8x128xf32, #tpu.memory_space<hbm>>
    %dma_start3A_237 = arith.constant 0 : i32
    %dma_start3A_238 = arith.constant 0 : i32
    %dma_start3A_239 = tpu.memref_slice %arg6[%dma_start3A_231, %dma_start3A_237, %dma_start3A_238] : memref<64x8x128xf32, #tpu.memory_space<vmem>> -> memref<1x8x128xf32, #tpu.memory_space<vmem>>
    %dma_start3A_240 = tpu.memref_squeeze %dma_start3A_239 : memref<1x8x128xf32, #tpu.memory_space<vmem>> -> memref<8x128xf32, #tpu.memory_space<vmem>>
    %dma_start3A_241 = tpu.memref_slice %arg2[%add3A_227, %multiple_of3A_230] : memref<2048x32000xf32, #tpu.memory_space<hbm>> -> memref<8x128xf32, #tpu.memory_space<hbm>>
    tpu.enqueue_dma source(%dma_start3A_241 : memref<8x128xf32, #tpu.memory_space<hbm>>) target(%dma_start3A_240 : memref<8x128xf32, #tpu.memory_space<vmem>>) target_semaphore(%arg8 : memref<!tpu.dma_semaphore, #tpu.memory_space<semaphore_mem>>)
    %add3A_242 = arith.constant 8 : i32
    %add3A_243 = arith.addi %mul3A_2, %add3A_242 : i32
    %slice3A_244 = vector.extract_strided_slice %sub3A {offsets = [15], sizes = [1], strides = [1]} : vector<16xi32> to vector<1xi32>
    %squeeze3A_245 = vector.extract %slice3A_244[0] : i32 from vector<1xi32>
    %multiple_of3A_246 = tpu.assume_multiple %squeeze3A_245, 128 : i32
    %dma_start3A_247 = arith.constant 15 : i32
    %dma_start3A_248 = arith.constant 0 : i32
    %dma_start3A_249 = arith.constant 0 : i32
    %dma_start3A_250 = tpu.memref_slice %arg6[%dma_start3A_247, %dma_start3A_248, %dma_start3A_249] : memref<64x8x128xf32, #tpu.memory_space<vmem>> -> memref<1x8x128xf32, #tpu.memory_space<vmem>>
    %dma_start3A_251 = tpu.memref_squeeze %dma_start3A_250 : memref<1x8x128xf32, #tpu.memory_space<vmem>> -> memref<8x128xf32, #tpu.memory_space<vmem>>
    %dma_start3A_252 = tpu.memref_slice %arg2[%add3A_243, %multiple_of3A_246] : memref<2048x32000xf32, #tpu.memory_space<hbm>> -> memref<8x128xf32, #tpu.memory_space<hbm>>
    %dma_start3A_253 = arith.constant 0 : i32
    %dma_start3A_254 = arith.constant 0 : i32
    %dma_start3A_255 = tpu.memref_slice %arg6[%dma_start3A_247, %dma_start3A_253, %dma_start3A_254] : memref<64x8x128xf32, #tpu.memory_space<vmem>> -> memref<1x8x128xf32, #tpu.memory_space<vmem>>
    %dma_start3A_256 = tpu.memref_squeeze %dma_start3A_255 : memref<1x8x128xf32, #tpu.memory_space<vmem>> -> memref<8x128xf32, #tpu.memory_space<vmem>>
    %dma_start3A_257 = tpu.memref_slice %arg2[%add3A_243, %multiple_of3A_246] : memref<2048x32000xf32, #tpu.memory_space<hbm>> -> memref<8x128xf32, #tpu.memory_space<hbm>>
    tpu.enqueue_dma source(%dma_start3A_257 : memref<8x128xf32, #tpu.memory_space<hbm>>) target(%dma_start3A_256 : memref<8x128xf32, #tpu.memory_space<vmem>>) target_semaphore(%arg8 : memref<!tpu.dma_semaphore, #tpu.memory_space<semaphore_mem>>)
    %get3A_258 = arith.constant 16 : index
    %get3A_259 = tpu.vector_load %arg5[%get3A_258] {strides = array<i32>} : memref<64xi32, #tpu.memory_space<vmem>>, vector<16xi32>,
    %and3A_260 = arith.constant 127 : i32
    %and3A_261 = vector.broadcast %and3A_260 : i32 to vector<16xi32>
    %and3A_262 = arith.andi %get3A_259, %and3A_261 : vector<16xi32>
    %sub3A_263 = arith.subi %get3A_259, %and3A_262 : vector<16xi32>
    %add3A_264 = arith.constant 16 : i32
    %add3A_265 = arith.addi %mul3A_2, %add3A_264 : i32
    %slice3A_266 = vector.extract_strided_slice %sub3A_263 {offsets = [0], sizes = [1], strides = [1]} : vector<16xi32> to vector<1xi32>
    %squeeze3A_267 = vector.extract %slice3A_266[0] : i32 from vector<1xi32>
    %multiple_of3A_268 = tpu.assume_multiple %squeeze3A_267, 128 : i32
    %dma_start3A_269 = arith.constant 16 : i32
    %dma_start3A_270 = arith.constant 0 : i32
    %dma_start3A_271 = arith.constant 0 : i32
    %dma_start3A_272 = tpu.memref_slice %arg6[%dma_start3A_269, %dma_start3A_270, %dma_start3A_271] : memref<64x8x128xf32, #tpu.memory_space<vmem>> -> memref<1x8x128xf32, #tpu.memory_space<vmem>>
    %dma_start3A_273 = tpu.memref_squeeze %dma_start3A_272 : memref<1x8x128xf32, #tpu.memory_space<vmem>> -> memref<8x128xf32, #tpu.memory_space<vmem>>
    %dma_start3A_274 = tpu.memref_slice %arg2[%add3A_265, %multiple_of3A_268] : memref<2048x32000xf32, #tpu.memory_space<hbm>> -> memref<8x128xf32, #tpu.memory_space<hbm>>
    %dma_start3A_275 = arith.constant 0 : i32
    %dma_start3A_276 = arith.constant 0 : i32
    %dma_start3A_277 = tpu.memref_slice %arg6[%dma_start3A_269, %dma_start3A_275, %dma_start3A_276] : memref<64x8x128xf32, #tpu.memory_space<vmem>> -> memref<1x8x128xf32, #tpu.memory_space<vmem>>
    %dma_start3A_278 = tpu.memref_squeeze %dma_start3A_277 : memref<1x8x128xf32, #tpu.memory_space<vmem>> -> memref<8x128xf32, #tpu.memory_space<vmem>>
    %dma_start3A_279 = tpu.memref_slice %arg2[%add3A_265, %multiple_of3A_268] : memref<2048x32000xf32, #tpu.memory_space<hbm>> -> memref<8x128xf32, #tpu.memory_space<hbm>>
    tpu.enqueue_dma source(%dma_start3A_279 : memref<8x128xf32, #tpu.memory_space<hbm>>) target(%dma_start3A_278 : memref<8x128xf32, #tpu.memory_space<vmem>>) target_semaphore(%arg8 : memref<!tpu.dma_semaphore, #tpu.memory_space<semaphore_mem>>)
    %add3A_280 = arith.constant 16 : i32
    %add3A_281 = arith.addi %mul3A_2, %add3A_280 : i32
    %slice3A_282 = vector.extract_strided_slice %sub3A_263 {offsets = [1], sizes = [1], strides = [1]} : vector<16xi32> to vector<1xi32>
    %squeeze3A_283 = vector.extract %slice3A_282[0] : i32 from vector<1xi32>
    %multiple_of3A_284 = tpu.assume_multiple %squeeze3A_283, 128 : i32
    %dma_start3A_285 = arith.constant 17 : i32
    %dma_start3A_286 = arith.constant 0 : i32
    %dma_start3A_287 = arith.constant 0 : i32
    %dma_start3A_288 = tpu.memref_slice %arg6[%dma_start3A_285, %dma_start3A_286, %dma_start3A_287] : memref<64x8x128xf32, #tpu.memory_space<vmem>> -> memref<1x8x128xf32, #tpu.memory_space<vmem>>
    %dma_start3A_289 = tpu.memref_squeeze %dma_start3A_288 : memref<1x8x128xf32, #tpu.memory_space<vmem>> -> memref<8x128xf32, #tpu.memory_space<vmem>>
    %dma_start3A_290 = tpu.memref_slice %arg2[%add3A_281, %multiple_of3A_284] : memref<2048x32000xf32, #tpu.memory_space<hbm>> -> memref<8x128xf32, #tpu.memory_space<hbm>>
    %dma_start3A_291 = arith.constant 0 : i32
    %dma_start3A_292 = arith.constant 0 : i32
    %dma_start3A_293 = tpu.memref_slice %arg6[%dma_start3A_285, %dma_start3A_291, %dma_start3A_292] : memref<64x8x128xf32, #tpu.memory_space<vmem>> -> memref<1x8x128xf32, #tpu.memory_space<vmem>>
    %dma_start3A_294 = tpu.memref_squeeze %dma_start3A_293 : memref<1x8x128xf32, #tpu.memory_space<vmem>> -> memref<8x128xf32, #tpu.memory_space<vmem>>
    %dma_start3A_295 = tpu.memref_slice %arg2[%add3A_281, %multiple_of3A_284] : memref<2048x32000xf32, #tpu.memory_space<hbm>> -> memref<8x128xf32, #tpu.memory_space<hbm>>
    tpu.enqueue_dma source(%dma_start3A_295 : memref<8x128xf32, #tpu.memory_space<hbm>>) target(%dma_start3A_294 : memref<8x128xf32, #tpu.memory_space<vmem>>) target_semaphore(%arg8 : memref<!tpu.dma_semaphore, #tpu.memory_space<semaphore_mem>>)
    %add3A_296 = arith.constant 16 : i32
    %add3A_297 = arith.addi %mul3A_2, %add3A_296 : i32
    %slice3A_298 = vector.extract_strided_slice %sub3A_263 {offsets = [2], sizes = [1], strides = [1]} : vector<16xi32> to vector<1xi32>
    %squeeze3A_299 = vector.extract %slice3A_298[0] : i32 from vector<1xi32>
    %multiple_of3A_300 = tpu.assume_multiple %squeeze3A_299, 128 : i32
    %dma_start3A_301 = arith.constant 18 : i32
    %dma_start3A_302 = arith.constant 0 : i32
    %dma_start3A_303 = arith.constant 0 : i32
    %dma_start3A_304 = tpu.memref_slice %arg6[%dma_start3A_301, %dma_start3A_302, %dma_start3A_303] : memref<64x8x128xf32, #tpu.memory_space<vmem>> -> memref<1x8x128xf32, #tpu.memory_space<vmem>>
    %dma_start3A_305 = tpu.memref_squeeze %dma_start3A_304 : memref<1x8x128xf32, #tpu.memory_space<vmem>> -> memref<8x128xf32, #tpu.memory_space<vmem>>
    %dma_start3A_306 = tpu.memref_slice %arg2[%add3A_297, %multiple_of3A_300] : memref<2048x32000xf32, #tpu.memory_space<hbm>> -> memref<8x128xf32, #tpu.memory_space<hbm>>
    %dma_start3A_307 = arith.constant 0 : i32
    %dma_start3A_308 = arith.constant 0 : i32
    %dma_start3A_309 = tpu.memref_slice %arg6[%dma_start3A_301, %dma_start3A_307, %dma_start3A_308] : memref<64x8x128xf32, #tpu.memory_space<vmem>> -> memref<1x8x128xf32, #tpu.memory_space<vmem>>
    %dma_start3A_310 = tpu.memref_squeeze %dma_start3A_309 : memref<1x8x128xf32, #tpu.memory_space<vmem>> -> memref<8x128xf32, #tpu.memory_space<vmem>>
    %dma_start3A_311 = tpu.memref_slice %arg2[%add3A_297, %multiple_of3A_300] : memref<2048x32000xf32, #tpu.memory_space<hbm>> -> memref<8x128xf32, #tpu.memory_space<hbm>>
    tpu.enqueue_dma source(%dma_start3A_311 : memref<8x128xf32, #tpu.memory_space<hbm>>) target(%dma_start3A_310 : memref<8x128xf32, #tpu.memory_space<vmem>>) target_semaphore(%arg8 : memref<!tpu.dma_semaphore, #tpu.memory_space<semaphore_mem>>)
    %add3A_312 = arith.constant 16 : i32
    %add3A_313 = arith.addi %mul3A_2, %add3A_312 : i32
    %slice3A_314 = vector.extract_strided_slice %sub3A_263 {offsets = [3], sizes = [1], strides = [1]} : vector<16xi32> to vector<1xi32>
    %squeeze3A_315 = vector.extract %slice3A_314[0] : i32 from vector<1xi32>
    %multiple_of3A_316 = tpu.assume_multiple %squeeze3A_315, 128 : i32
    %dma_start3A_317 = arith.constant 19 : i32
    %dma_start3A_318 = arith.constant 0 : i32
    %dma_start3A_319 = arith.constant 0 : i32
    %dma_start3A_320 = tpu.memref_slice %arg6[%dma_start3A_317, %dma_start3A_318, %dma_start3A_319] : memref<64x8x128xf32, #tpu.memory_space<vmem>> -> memref<1x8x128xf32, #tpu.memory_space<vmem>>
    %dma_start3A_321 = tpu.memref_squeeze %dma_start3A_320 : memref<1x8x128xf32, #tpu.memory_space<vmem>> -> memref<8x128xf32, #tpu.memory_space<vmem>>
    %dma_start3A_322 = tpu.memref_slice %arg2[%add3A_313, %multiple_of3A_316] : memref<2048x32000xf32, #tpu.memory_space<hbm>> -> memref<8x128xf32, #tpu.memory_space<hbm>>
    %dma_start3A_323 = arith.constant 0 : i32
    %dma_start3A_324 = arith.constant 0 : i32
    %dma_start3A_325 = tpu.memref_slice %arg6[%dma_start3A_317, %dma_start3A_323, %dma_start3A_324] : memref<64x8x128xf32, #tpu.memory_space<vmem>> -> memref<1x8x128xf32, #tpu.memory_space<vmem>>
    %dma_start3A_326 = tpu.memref_squeeze %dma_start3A_325 : memref<1x8x128xf32, #tpu.memory_space<vmem>> -> memref<8x128xf32, #tpu.memory_space<vmem>>
    %dma_start3A_327 = tpu.memref_slice %arg2[%add3A_313, %multiple_of3A_316] : memref<2048x32000xf32, #tpu.memory_space<hbm>> -> memref<8x128xf32, #tpu.memory_space<hbm>>
    tpu.enqueue_dma source(%dma_start3A_327 : memref<8x128xf32, #tpu.memory_space<hbm>>) target(%dma_start3A_326 : memref<8x128xf32, #tpu.memory_space<vmem>>) target_semaphore(%arg8 : memref<!tpu.dma_semaphore, #tpu.memory_space<semaphore_mem>>)
    %add3A_328 = arith.constant 16 : i32
    %add3A_329 = arith.addi %mul3A_2, %add3A_328 : i32
    %slice3A_330 = vector.extract_strided_slice %sub3A_263 {offsets = [4], sizes = [1], strides = [1]} : vector<16xi32> to vector<1xi32>
    %squeeze3A_331 = vector.extract %slice3A_330[0] : i32 from vector<1xi32>
    %multiple_of3A_332 = tpu.assume_multiple %squeeze3A_331, 128 : i32
    %dma_start3A_333 = arith.constant 20 : i32
    %dma_start3A_334 = arith.constant 0 : i32
    %dma_start3A_335 = arith.constant 0 : i32
    %dma_start3A_336 = tpu.memref_slice %arg6[%dma_start3A_333, %dma_start3A_334, %dma_start3A_335] : memref<64x8x128xf32, #tpu.memory_space<vmem>> -> memref<1x8x128xf32, #tpu.memory_space<vmem>>
    %dma_start3A_337 = tpu.memref_squeeze %dma_start3A_336 : memref<1x8x128xf32, #tpu.memory_space<vmem>> -> memref<8x128xf32, #tpu.memory_space<vmem>>
    %dma_start3A_338 = tpu.memref_slice %arg2[%add3A_329, %multiple_of3A_332] : memref<2048x32000xf32, #tpu.memory_space<hbm>> -> memref<8x128xf32, #tpu.memory_space<hbm>>
    %dma_start3A_339 = arith.constant 0 : i32
    %dma_start3A_340 = arith.constant 0 : i32
    %dma_start3A_341 = tpu.memref_slice %arg6[%dma_start3A_333, %dma_start3A_339, %dma_start3A_340] : memref<64x8x128xf32, #tpu.memory_space<vmem>> -> memref<1x8x128xf32, #tpu.memory_space<vmem>>
    %dma_start3A_342 = tpu.memref_squeeze %dma_start3A_341 : memref<1x8x128xf32, #tpu.memory_space<vmem>> -> memref<8x128xf32, #tpu.memory_space<vmem>>
    %dma_start3A_343 = tpu.memref_slice %arg2[%add3A_329, %multiple_of3A_332] : memref<2048x32000xf32, #tpu.memory_space<hbm>> -> memref<8x128xf32, #tpu.memory_space<hbm>>
    tpu.enqueue_dma source(%dma_start3A_343 : memref<8x128xf32, #tpu.memory_space<hbm>>) target(%dma_start3A_342 : memref<8x128xf32, #tpu.memory_space<vmem>>) target_semaphore(%arg8 : memref<!tpu.dma_semaphore, #tpu.memory_space<semaphore_mem>>)
    %add3A_344 = arith.constant 16 : i32
    %add3A_345 = arith.addi %mul3A_2, %add3A_344 : i32
    %slice3A_346 = vector.extract_strided_slice %sub3A_263 {offsets = [5], sizes = [1], strides = [1]} : vector<16xi32> to vector<1xi32>
    %squeeze3A_347 = vector.extract %slice3A_346[0] : i32 from vector<1xi32>
    %multiple_of3A_348 = tpu.assume_multiple %squeeze3A_347, 128 : i32
    %dma_start3A_349 = arith.constant 21 : i32
    %dma_start3A_350 = arith.constant 0 : i32
    %dma_start3A_351 = arith.constant 0 : i32
    %dma_start3A_352 = tpu.memref_slice %arg6[%dma_start3A_349, %dma_start3A_350, %dma_start3A_351] : memref<64x8x128xf32, #tpu.memory_space<vmem>> -> memref<1x8x128xf32, #tpu.memory_space<vmem>>
    %dma_start3A_353 = tpu.memref_squeeze %dma_start3A_352 : memref<1x8x128xf32, #tpu.memory_space<vmem>> -> memref<8x128xf32, #tpu.memory_space<vmem>>
    %dma_start3A_354 = tpu.memref_slice %arg2[%add3A_345, %multiple_of3A_348] : memref<2048x32000xf32, #tpu.memory_space<hbm>> -> memref<8x128xf32, #tpu.memory_space<hbm>>
    %dma_start3A_355 = arith.constant 0 : i32
    %dma_start3A_356 = arith.constant 0 : i32
    %dma_start3A_357 = tpu.memref_slice %arg6[%dma_start3A_349, %dma_start3A_355, %dma_start3A_356] : memref<64x8x128xf32, #tpu.memory_space<vmem>> -> memref<1x8x128xf32, #tpu.memory_space<vmem>>
    %dma_start3A_358 = tpu.memref_squeeze %dma_start3A_357 : memref<1x8x128xf32, #tpu.memory_space<vmem>> -> memref<8x128xf32, #tpu.memory_space<vmem>>
    %dma_start3A_359 = tpu.memref_slice %arg2[%add3A_345, %multiple_of3A_348] : memref<2048x32000xf32, #tpu.memory_space<hbm>> -> memref<8x128xf32, #tpu.memory_space<hbm>>
    tpu.enqueue_dma source(%dma_start3A_359 : memref<8x128xf32, #tpu.memory_space<hbm>>) target(%dma_start3A_358 : memref<8x128xf32, #tpu.memory_space<vmem>>) target_semaphore(%arg8 : memref<!tpu.dma_semaphore, #tpu.memory_space<semaphore_mem>>)
    %add3A_360 = arith.constant 16 : i32
    %add3A_361 = arith.addi %mul3A_2, %add3A_360 : i32
    %slice3A_362 = vector.extract_strided_slice %sub3A_263 {offsets = [6], sizes = [1], strides = [1]} : vector<16xi32> to vector<1xi32>
    %squeeze3A_363 = vector.extract %slice3A_362[0] : i32 from vector<1xi32>
    %multiple_of3A_364 = tpu.assume_multiple %squeeze3A_363, 128 : i32
    %dma_start3A_365 = arith.constant 22 : i32
    %dma_start3A_366 = arith.constant 0 : i32
    %dma_start3A_367 = arith.constant 0 : i32
    %dma_start3A_368 = tpu.memref_slice %arg6[%dma_start3A_365, %dma_start3A_366, %dma_start3A_367] : memref<64x8x128xf32, #tpu.memory_space<vmem>> -> memref<1x8x128xf32, #tpu.memory_space<vmem>>
    %dma_start3A_369 = tpu.memref_squeeze %dma_start3A_368 : memref<1x8x128xf32, #tpu.memory_space<vmem>> -> memref<8x128xf32, #tpu.memory_space<vmem>>
    %dma_start3A_370 = tpu.memref_slice %arg2[%add3A_361, %multiple_of3A_364] : memref<2048x32000xf32, #tpu.memory_space<hbm>> -> memref<8x128xf32, #tpu.memory_space<hbm>>
    %dma_start3A_371 = arith.constant 0 : i32
    %dma_start3A_372 = arith.constant 0 : i32
    %dma_start3A_373 = tpu.memref_slice %arg6[%dma_start3A_365, %dma_start3A_371, %dma_start3A_372] : memref<64x8x128xf32, #tpu.memory_space<vmem>> -> memref<1x8x128xf32, #tpu.memory_space<vmem>>
    %dma_start3A_374 = tpu.memref_squeeze %dma_start3A_373 : memref<1x8x128xf32, #tpu.memory_space<vmem>> -> memref<8x128xf32, #tpu.memory_space<vmem>>
    %dma_start3A_375 = tpu.memref_slice %arg2[%add3A_361, %multiple_of3A_364] : memref<2048x32000xf32, #tpu.memory_space<hbm>> -> memref<8x128xf32, #tpu.memory_space<hbm>>
    tpu.enqueue_dma source(%dma_start3A_375 : memref<8x128xf32, #tpu.memory_space<hbm>>) target(%dma_start3A_374 : memref<8x128xf32, #tpu.memory_space<vmem>>) target_semaphore(%arg8 : memref<!tpu.dma_semaphore, #tpu.memory_space<semaphore_mem>>)
    %add3A_376 = arith.constant 16 : i32
    %add3A_377 = arith.addi %mul3A_2, %add3A_376 : i32
    %slice3A_378 = vector.extract_strided_slice %sub3A_263 {offsets = [7], sizes = [1], strides = [1]} : vector<16xi32> to vector<1xi32>
    %squeeze3A_379 = vector.extract %slice3A_378[0] : i32 from vector<1xi32>
    %multiple_of3A_380 = tpu.assume_multiple %squeeze3A_379, 128 : i32
    %dma_start3A_381 = arith.constant 23 : i32
    %dma_start3A_382 = arith.constant 0 : i32
    %dma_start3A_383 = arith.constant 0 : i32
    %dma_start3A_384 = tpu.memref_slice %arg6[%dma_start3A_381, %dma_start3A_382, %dma_start3A_383] : memref<64x8x128xf32, #tpu.memory_space<vmem>> -> memref<1x8x128xf32, #tpu.memory_space<vmem>>
    %dma_start3A_385 = tpu.memref_squeeze %dma_start3A_384 : memref<1x8x128xf32, #tpu.memory_space<vmem>> -> memref<8x128xf32, #tpu.memory_space<vmem>>
    %dma_start3A_386 = tpu.memref_slice %arg2[%add3A_377, %multiple_of3A_380] : memref<2048x32000xf32, #tpu.memory_space<hbm>> -> memref<8x128xf32, #tpu.memory_space<hbm>>
    %dma_start3A_387 = arith.constant 0 : i32
    %dma_start3A_388 = arith.constant 0 : i32
    %dma_start3A_389 = tpu.memref_slice %arg6[%dma_start3A_381, %dma_start3A_387, %dma_start3A_388] : memref<64x8x128xf32, #tpu.memory_space<vmem>> -> memref<1x8x128xf32, #tpu.memory_space<vmem>>
    %dma_start3A_390 = tpu.memref_squeeze %dma_start3A_389 : memref<1x8x128xf32, #tpu.memory_space<vmem>> -> memref<8x128xf32, #tpu.memory_space<vmem>>
    %dma_start3A_391 = tpu.memref_slice %arg2[%add3A_377, %multiple_of3A_380] : memref<2048x32000xf32, #tpu.memory_space<hbm>> -> memref<8x128xf32, #tpu.memory_space<hbm>>
    tpu.enqueue_dma source(%dma_start3A_391 : memref<8x128xf32, #tpu.memory_space<hbm>>) target(%dma_start3A_390 : memref<8x128xf32, #tpu.memory_space<vmem>>) target_semaphore(%arg8 : memref<!tpu.dma_semaphore, #tpu.memory_space<semaphore_mem>>)
    %add3A_392 = arith.constant 24 : i32
    %add3A_393 = arith.addi %mul3A_2, %add3A_392 : i32
    %slice3A_394 = vector.extract_strided_slice %sub3A_263 {offsets = [8], sizes = [1], strides = [1]} : vector<16xi32> to vector<1xi32>
    %squeeze3A_395 = vector.extract %slice3A_394[0] : i32 from vector<1xi32>
    %multiple_of3A_396 = tpu.assume_multiple %squeeze3A_395, 128 : i32
    %dma_start3A_397 = arith.constant 24 : i32
    %dma_start3A_398 = arith.constant 0 : i32
    %dma_start3A_399 = arith.constant 0 : i32
    %dma_start3A_400 = tpu.memref_slice %arg6[%dma_start3A_397, %dma_start3A_398, %dma_start3A_399] : memref<64x8x128xf32, #tpu.memory_space<vmem>> -> memref<1x8x128xf32, #tpu.memory_space<vmem>>
    %dma_start3A_401 = tpu.memref_squeeze %dma_start3A_400 : memref<1x8x128xf32, #tpu.memory_space<vmem>> -> memref<8x128xf32, #tpu.memory_space<vmem>>
    %dma_start3A_402 = tpu.memref_slice %arg2[%add3A_393, %multiple_of3A_396] : memref<2048x32000xf32, #tpu.memory_space<hbm>> -> memref<8x128xf32, #tpu.memory_space<hbm>>
    %dma_start3A_403 = arith.constant 0 : i32
    %dma_start3A_404 = arith.constant 0 : i32
    %dma_start3A_405 = tpu.memref_slice %arg6[%dma_start3A_397, %dma_start3A_403, %dma_start3A_404] : memref<64x8x128xf32, #tpu.memory_space<vmem>> -> memref<1x8x128xf32, #tpu.memory_space<vmem>>
    %dma_start3A_406 = tpu.memref_squeeze %dma_start3A_405 : memref<1x8x128xf32, #tpu.memory_space<vmem>> -> memref<8x128xf32, #tpu.memory_space<vmem>>
    %dma_start3A_407 = tpu.memref_slice %arg2[%add3A_393, %multiple_of3A_396] : memref<2048x32000xf32, #tpu.memory_space<hbm>> -> memref<8x128xf32, #tpu.memory_space<hbm>>
    tpu.enqueue_dma source(%dma_start3A_407 : memref<8x128xf32, #tpu.memory_space<hbm>>) target(%dma_start3A_406 : memref<8x128xf32, #tpu.memory_space<vmem>>) target_semaphore(%arg8 : memref<!tpu.dma_semaphore, #tpu.memory_space<semaphore_mem>>)
    %add3A_408 = arith.constant 24 : i32
    %add3A_409 = arith.addi %mul3A_2, %add3A_408 : i32
    %slice3A_410 = vector.extract_strided_slice %sub3A_263 {offsets = [9], sizes = [1], strides = [1]} : vector<16xi32> to vector<1xi32>
    %squeeze3A_411 = vector.extract %slice3A_410[0] : i32 from vector<1xi32>
    %multiple_of3A_412 = tpu.assume_multiple %squeeze3A_411, 128 : i32
    %dma_start3A_413 = arith.constant 25 : i32
    %dma_start3A_414 = arith.constant 0 : i32
    %dma_start3A_415 = arith.constant 0 : i32
    %dma_start3A_416 = tpu.memref_slice %arg6[%dma_start3A_413, %dma_start3A_414, %dma_start3A_415] : memref<64x8x128xf32, #tpu.memory_space<vmem>> -> memref<1x8x128xf32, #tpu.memory_space<vmem>>
    %dma_start3A_417 = tpu.memref_squeeze %dma_start3A_416 : memref<1x8x128xf32, #tpu.memory_space<vmem>> -> memref<8x128xf32, #tpu.memory_space<vmem>>
    %dma_start3A_418 = tpu.memref_slice %arg2[%add3A_409, %multiple_of3A_412] : memref<2048x32000xf32, #tpu.memory_space<hbm>> -> memref<8x128xf32, #tpu.memory_space<hbm>>
    %dma_start3A_419 = arith.constant 0 : i32
    %dma_start3A_420 = arith.constant 0 : i32
    %dma_start3A_421 = tpu.memref_slice %arg6[%dma_start3A_413, %dma_start3A_419, %dma_start3A_420] : memref<64x8x128xf32, #tpu.memory_space<vmem>> -> memref<1x8x128xf32, #tpu.memory_space<vmem>>
    %dma_start3A_422 = tpu.memref_squeeze %dma_start3A_421 : memref<1x8x128xf32, #tpu.memory_space<vmem>> -> memref<8x128xf32, #tpu.memory_space<vmem>>
    %dma_start3A_423 = tpu.memref_slice %arg2[%add3A_409, %multiple_of3A_412] : memref<2048x32000xf32, #tpu.memory_space<hbm>> -> memref<8x128xf32, #tpu.memory_space<hbm>>
    tpu.enqueue_dma source(%dma_start3A_423 : memref<8x128xf32, #tpu.memory_space<hbm>>) target(%dma_start3A_422 : memref<8x128xf32, #tpu.memory_space<vmem>>) target_semaphore(%arg8 : memref<!tpu.dma_semaphore, #tpu.memory_space<semaphore_mem>>)
    %add3A_424 = arith.constant 24 : i32
    %add3A_425 = arith.addi %mul3A_2, %add3A_424 : i32
    %slice3A_426 = vector.extract_strided_slice %sub3A_263 {offsets = [10], sizes = [1], strides = [1]} : vector<16xi32> to vector<1xi32>
    %squeeze3A_427 = vector.extract %slice3A_426[0] : i32 from vector<1xi32>
    %multiple_of3A_428 = tpu.assume_multiple %squeeze3A_427, 128 : i32
    %dma_start3A_429 = arith.constant 26 : i32
    %dma_start3A_430 = arith.constant 0 : i32
    %dma_start3A_431 = arith.constant 0 : i32
    %dma_start3A_432 = tpu.memref_slice %arg6[%dma_start3A_429, %dma_start3A_430, %dma_start3A_431] : memref<64x8x128xf32, #tpu.memory_space<vmem>> -> memref<1x8x128xf32, #tpu.memory_space<vmem>>
    %dma_start3A_433 = tpu.memref_squeeze %dma_start3A_432 : memref<1x8x128xf32, #tpu.memory_space<vmem>> -> memref<8x128xf32, #tpu.memory_space<vmem>>
    %dma_start3A_434 = tpu.memref_slice %arg2[%add3A_425, %multiple_of3A_428] : memref<2048x32000xf32, #tpu.memory_space<hbm>> -> memref<8x128xf32, #tpu.memory_space<hbm>>
    %dma_start3A_435 = arith.constant 0 : i32
    %dma_start3A_436 = arith.constant 0 : i32
    %dma_start3A_437 = tpu.memref_slice %arg6[%dma_start3A_429, %dma_start3A_435, %dma_start3A_436] : memref<64x8x128xf32, #tpu.memory_space<vmem>> -> memref<1x8x128xf32, #tpu.memory_space<vmem>>
    %dma_start3A_438 = tpu.memref_squeeze %dma_start3A_437 : memref<1x8x128xf32, #tpu.memory_space<vmem>> -> memref<8x128xf32, #tpu.memory_space<vmem>>
    %dma_start3A_439 = tpu.memref_slice %arg2[%add3A_425, %multiple_of3A_428] : memref<2048x32000xf32, #tpu.memory_space<hbm>> -> memref<8x128xf32, #tpu.memory_space<hbm>>
    tpu.enqueue_dma source(%dma_start3A_439 : memref<8x128xf32, #tpu.memory_space<hbm>>) target(%dma_start3A_438 : memref<8x128xf32, #tpu.memory_space<vmem>>) target_semaphore(%arg8 : memref<!tpu.dma_semaphore, #tpu.memory_space<semaphore_mem>>)
    %add3A_440 = arith.constant 24 : i32
    %add3A_441 = arith.addi %mul3A_2, %add3A_440 : i32
    %slice3A_442 = vector.extract_strided_slice %sub3A_263 {offsets = [11], sizes = [1], strides = [1]} : vector<16xi32> to vector<1xi32>
    %squeeze3A_443 = vector.extract %slice3A_442[0] : i32 from vector<1xi32>
    %multiple_of3A_444 = tpu.assume_multiple %squeeze3A_443, 128 : i32
    %dma_start3A_445 = arith.constant 27 : i32
    %dma_start3A_446 = arith.constant 0 : i32
    %dma_start3A_447 = arith.constant 0 : i32
    %dma_start3A_448 = tpu.memref_slice %arg6[%dma_start3A_445, %dma_start3A_446, %dma_start3A_447] : memref<64x8x128xf32, #tpu.memory_space<vmem>> -> memref<1x8x128xf32, #tpu.memory_space<vmem>>
    %dma_start3A_449 = tpu.memref_squeeze %dma_start3A_448 : memref<1x8x128xf32, #tpu.memory_space<vmem>> -> memref<8x128xf32, #tpu.memory_space<vmem>>
    %dma_start3A_450 = tpu.memref_slice %arg2[%add3A_441, %multiple_of3A_444] : memref<2048x32000xf32, #tpu.memory_space<hbm>> -> memref<8x128xf32, #tpu.memory_space<hbm>>
    %dma_start3A_451 = arith.constant 0 : i32
    %dma_start3A_452 = arith.constant 0 : i32
    %dma_start3A_453 = tpu.memref_slice %arg6[%dma_start3A_445, %dma_start3A_451, %dma_start3A_452] : memref<64x8x128xf32, #tpu.memory_space<vmem>> -> memref<1x8x128xf32, #tpu.memory_space<vmem>>
    %dma_start3A_454 = tpu.memref_squeeze %dma_start3A_453 : memref<1x8x128xf32, #tpu.memory_space<vmem>> -> memref<8x128xf32, #tpu.memory_space<vmem>>
    %dma_start3A_455 = tpu.memref_slice %arg2[%add3A_441, %multiple_of3A_444] : memref<2048x32000xf32, #tpu.memory_space<hbm>> -> memref<8x128xf32, #tpu.memory_space<hbm>>
    tpu.enqueue_dma source(%dma_start3A_455 : memref<8x128xf32, #tpu.memory_space<hbm>>) target(%dma_start3A_454 : memref<8x128xf32, #tpu.memory_space<vmem>>) target_semaphore(%arg8 : memref<!tpu.dma_semaphore, #tpu.memory_space<semaphore_mem>>)
    %add3A_456 = arith.constant 24 : i32
    %add3A_457 = arith.addi %mul3A_2, %add3A_456 : i32
    %slice3A_458 = vector.extract_strided_slice %sub3A_263 {offsets = [12], sizes = [1], strides = [1]} : vector<16xi32> to vector<1xi32>
    %squeeze3A_459 = vector.extract %slice3A_458[0] : i32 from vector<1xi32>
    %multiple_of3A_460 = tpu.assume_multiple %squeeze3A_459, 128 : i32
    %dma_start3A_461 = arith.constant 28 : i32
    %dma_start3A_462 = arith.constant 0 : i32
    %dma_start3A_463 = arith.constant 0 : i32
    %dma_start3A_464 = tpu.memref_slice %arg6[%dma_start3A_461, %dma_start3A_462, %dma_start3A_463] : memref<64x8x128xf32, #tpu.memory_space<vmem>> -> memref<1x8x128xf32, #tpu.memory_space<vmem>>
    %dma_start3A_465 = tpu.memref_squeeze %dma_start3A_464 : memref<1x8x128xf32, #tpu.memory_space<vmem>> -> memref<8x128xf32, #tpu.memory_space<vmem>>
    %dma_start3A_466 = tpu.memref_slice %arg2[%add3A_457, %multiple_of3A_460] : memref<2048x32000xf32, #tpu.memory_space<hbm>> -> memref<8x128xf32, #tpu.memory_space<hbm>>
    %dma_start3A_467 = arith.constant 0 : i32
    %dma_start3A_468 = arith.constant 0 : i32
    %dma_start3A_469 = tpu.memref_slice %arg6[%dma_start3A_461, %dma_start3A_467, %dma_start3A_468] : memref<64x8x128xf32, #tpu.memory_space<vmem>> -> memref<1x8x128xf32, #tpu.memory_space<vmem>>
    %dma_start3A_470 = tpu.memref_squeeze %dma_start3A_469 : memref<1x8x128xf32, #tpu.memory_space<vmem>> -> memref<8x128xf32, #tpu.memory_space<vmem>>
    %dma_start3A_471 = tpu.memref_slice %arg2[%add3A_457, %multiple_of3A_460] : memref<2048x32000xf32, #tpu.memory_space<hbm>> -> memref<8x128xf32, #tpu.memory_space<hbm>>
    tpu.enqueue_dma source(%dma_start3A_471 : memref<8x128xf32, #tpu.memory_space<hbm>>) target(%dma_start3A_470 : memref<8x128xf32, #tpu.memory_space<vmem>>) target_semaphore(%arg8 : memref<!tpu.dma_semaphore, #tpu.memory_space<semaphore_mem>>)
    %add3A_472 = arith.constant 24 : i32
    %add3A_473 = arith.addi %mul3A_2, %add3A_472 : i32
    %slice3A_474 = vector.extract_strided_slice %sub3A_263 {offsets = [13], sizes = [1], strides = [1]} : vector<16xi32> to vector<1xi32>
    %squeeze3A_475 = vector.extract %slice3A_474[0] : i32 from vector<1xi32>
    %multiple_of3A_476 = tpu.assume_multiple %squeeze3A_475, 128 : i32
    %dma_start3A_477 = arith.constant 29 : i32
    %dma_start3A_478 = arith.constant 0 : i32
    %dma_start3A_479 = arith.constant 0 : i32
    %dma_start3A_480 = tpu.memref_slice %arg6[%dma_start3A_477, %dma_start3A_478, %dma_start3A_479] : memref<64x8x128xf32, #tpu.memory_space<vmem>> -> memref<1x8x128xf32, #tpu.memory_space<vmem>>
    %dma_start3A_481 = tpu.memref_squeeze %dma_start3A_480 : memref<1x8x128xf32, #tpu.memory_space<vmem>> -> memref<8x128xf32, #tpu.memory_space<vmem>>
    %dma_start3A_482 = tpu.memref_slice %arg2[%add3A_473, %multiple_of3A_476] : memref<2048x32000xf32, #tpu.memory_space<hbm>> -> memref<8x128xf32, #tpu.memory_space<hbm>>
    %dma_start3A_483 = arith.constant 0 : i32
    %dma_start3A_484 = arith.constant 0 : i32
    %dma_start3A_485 = tpu.memref_slice %arg6[%dma_start3A_477, %dma_start3A_483, %dma_start3A_484] : memref<64x8x128xf32, #tpu.memory_space<vmem>> -> memref<1x8x128xf32, #tpu.memory_space<vmem>>
    %dma_start3A_486 = tpu.memref_squeeze %dma_start3A_485 : memref<1x8x128xf32, #tpu.memory_space<vmem>> -> memref<8x128xf32, #tpu.memory_space<vmem>>
    %dma_start3A_487 = tpu.memref_slice %arg2[%add3A_473, %multiple_of3A_476] : memref<2048x32000xf32, #tpu.memory_space<hbm>> -> memref<8x128xf32, #tpu.memory_space<hbm>>
    tpu.enqueue_dma source(%dma_start3A_487 : memref<8x128xf32, #tpu.memory_space<hbm>>) target(%dma_start3A_486 : memref<8x128xf32, #tpu.memory_space<vmem>>) target_semaphore(%arg8 : memref<!tpu.dma_semaphore, #tpu.memory_space<semaphore_mem>>)
    %add3A_488 = arith.constant 24 : i32
    %add3A_489 = arith.addi %mul3A_2, %add3A_488 : i32
    %slice3A_490 = vector.extract_strided_slice %sub3A_263 {offsets = [14], sizes = [1], strides = [1]} : vector<16xi32> to vector<1xi32>
    %squeeze3A_491 = vector.extract %slice3A_490[0] : i32 from vector<1xi32>
    %multiple_of3A_492 = tpu.assume_multiple %squeeze3A_491, 128 : i32
    %dma_start3A_493 = arith.constant 30 : i32
    %dma_start3A_494 = arith.constant 0 : i32
    %dma_start3A_495 = arith.constant 0 : i32
    %dma_start3A_496 = tpu.memref_slice %arg6[%dma_start3A_493, %dma_start3A_494, %dma_start3A_495] : memref<64x8x128xf32, #tpu.memory_space<vmem>> -> memref<1x8x128xf32, #tpu.memory_space<vmem>>
    %dma_start3A_497 = tpu.memref_squeeze %dma_start3A_496 : memref<1x8x128xf32, #tpu.memory_space<vmem>> -> memref<8x128xf32, #tpu.memory_space<vmem>>
    %dma_start3A_498 = tpu.memref_slice %arg2[%add3A_489, %multiple_of3A_492] : memref<2048x32000xf32, #tpu.memory_space<hbm>> -> memref<8x128xf32, #tpu.memory_space<hbm>>
    %dma_start3A_499 = arith.constant 0 : i32
    %dma_start3A_500 = arith.constant 0 : i32
    %dma_start3A_501 = tpu.memref_slice %arg6[%dma_start3A_493, %dma_start3A_499, %dma_start3A_500] : memref<64x8x128xf32, #tpu.memory_space<vmem>> -> memref<1x8x128xf32, #tpu.memory_space<vmem>>
    %dma_start3A_502 = tpu.memref_squeeze %dma_start3A_501 : memref<1x8x128xf32, #tpu.memory_space<vmem>> -> memref<8x128xf32, #tpu.memory_space<vmem>>
    %dma_start3A_503 = tpu.memref_slice %arg2[%add3A_489, %multiple_of3A_492] : memref<2048x32000xf32, #tpu.memory_space<hbm>> -> memref<8x128xf32, #tpu.memory_space<hbm>>
    tpu.enqueue_dma source(%dma_start3A_503 : memref<8x128xf32, #tpu.memory_space<hbm>>) target(%dma_start3A_502 : memref<8x128xf32, #tpu.memory_space<vmem>>) target_semaphore(%arg8 : memref<!tpu.dma_semaphore, #tpu.memory_space<semaphore_mem>>)
    %add3A_504 = arith.constant 24 : i32
    %add3A_505 = arith.addi %mul3A_2, %add3A_504 : i32
    %slice3A_506 = vector.extract_strided_slice %sub3A_263 {offsets = [15], sizes = [1], strides = [1]} : vector<16xi32> to vector<1xi32>
    %squeeze3A_507 = vector.extract %slice3A_506[0] : i32 from vector<1xi32>
    %multiple_of3A_508 = tpu.assume_multiple %squeeze3A_507, 128 : i32
    %dma_start3A_509 = arith.constant 31 : i32
    %dma_start3A_510 = arith.constant 0 : i32
    %dma_start3A_511 = arith.constant 0 : i32
    %dma_start3A_512 = tpu.memref_slice %arg6[%dma_start3A_509, %dma_start3A_510, %dma_start3A_511] : memref<64x8x128xf32, #tpu.memory_space<vmem>> -> memref<1x8x128xf32, #tpu.memory_space<vmem>>
    %dma_start3A_513 = tpu.memref_squeeze %dma_start3A_512 : memref<1x8x128xf32, #tpu.memory_space<vmem>> -> memref<8x128xf32, #tpu.memory_space<vmem>>
    %dma_start3A_514 = tpu.memref_slice %arg2[%add3A_505, %multiple_of3A_508] : memref<2048x32000xf32, #tpu.memory_space<hbm>> -> memref<8x128xf32, #tpu.memory_space<hbm>>
    %dma_start3A_515 = arith.constant 0 : i32
    %dma_start3A_516 = arith.constant 0 : i32
    %dma_start3A_517 = tpu.memref_slice %arg6[%dma_start3A_509, %dma_start3A_515, %dma_start3A_516] : memref<64x8x128xf32, #tpu.memory_space<vmem>> -> memref<1x8x128xf32, #tpu.memory_space<vmem>>
    %dma_start3A_518 = tpu.memref_squeeze %dma_start3A_517 : memref<1x8x128xf32, #tpu.memory_space<vmem>> -> memref<8x128xf32, #tpu.memory_space<vmem>>
    %dma_start3A_519 = tpu.memref_slice %arg2[%add3A_505, %multiple_of3A_508] : memref<2048x32000xf32, #tpu.memory_space<hbm>> -> memref<8x128xf32, #tpu.memory_space<hbm>>
    tpu.enqueue_dma source(%dma_start3A_519 : memref<8x128xf32, #tpu.memory_space<hbm>>) target(%dma_start3A_518 : memref<8x128xf32, #tpu.memory_space<vmem>>) target_semaphore(%arg8 : memref<!tpu.dma_semaphore, #tpu.memory_space<semaphore_mem>>)
    %get3A_520 = arith.constant 32 : index
    %get3A_521 = tpu.vector_load %arg5[%get3A_520] {strides = array<i32>} : memref<64xi32, #tpu.memory_space<vmem>>, vector<16xi32>,
    %and3A_522 = arith.constant 127 : i32
    %and3A_523 = vector.broadcast %and3A_522 : i32 to vector<16xi32>
    %and3A_524 = arith.andi %get3A_521, %and3A_523 : vector<16xi32>
    %sub3A_525 = arith.subi %get3A_521, %and3A_524 : vector<16xi32>
    %add3A_526 = arith.constant 32 : i32
    %add3A_527 = arith.addi %mul3A_2, %add3A_526 : i32
    %slice3A_528 = vector.extract_strided_slice %sub3A_525 {offsets = [0], sizes = [1], strides = [1]} : vector<16xi32> to vector<1xi32>
    %squeeze3A_529 = vector.extract %slice3A_528[0] : i32 from vector<1xi32>
    %multiple_of3A_530 = tpu.assume_multiple %squeeze3A_529, 128 : i32
    %dma_start3A_531 = arith.constant 32 : i32
    %dma_start3A_532 = arith.constant 0 : i32
    %dma_start3A_533 = arith.constant 0 : i32
    %dma_start3A_534 = tpu.memref_slice %arg6[%dma_start3A_531, %dma_start3A_532, %dma_start3A_533] : memref<64x8x128xf32, #tpu.memory_space<vmem>> -> memref<1x8x128xf32, #tpu.memory_space<vmem>>
    %dma_start3A_535 = tpu.memref_squeeze %dma_start3A_534 : memref<1x8x128xf32, #tpu.memory_space<vmem>> -> memref<8x128xf32, #tpu.memory_space<vmem>>
    %dma_start3A_536 = tpu.memref_slice %arg2[%add3A_527, %multiple_of3A_530] : memref<2048x32000xf32, #tpu.memory_space<hbm>> -> memref<8x128xf32, #tpu.memory_space<hbm>>
    %dma_start3A_537 = arith.constant 0 : i32
    %dma_start3A_538 = arith.constant 0 : i32
    %dma_start3A_539 = tpu.memref_slice %arg6[%dma_start3A_531, %dma_start3A_537, %dma_start3A_538] : memref<64x8x128xf32, #tpu.memory_space<vmem>> -> memref<1x8x128xf32, #tpu.memory_space<vmem>>
    %dma_start3A_540 = tpu.memref_squeeze %dma_start3A_539 : memref<1x8x128xf32, #tpu.memory_space<vmem>> -> memref<8x128xf32, #tpu.memory_space<vmem>>
    %dma_start3A_541 = tpu.memref_slice %arg2[%add3A_527, %multiple_of3A_530] : memref<2048x32000xf32, #tpu.memory_space<hbm>> -> memref<8x128xf32, #tpu.memory_space<hbm>>
    tpu.enqueue_dma source(%dma_start3A_541 : memref<8x128xf32, #tpu.memory_space<hbm>>) target(%dma_start3A_540 : memref<8x128xf32, #tpu.memory_space<vmem>>) target_semaphore(%arg8 : memref<!tpu.dma_semaphore, #tpu.memory_space<semaphore_mem>>)
    %add3A_542 = arith.constant 32 : i32
    %add3A_543 = arith.addi %mul3A_2, %add3A_542 : i32
    %slice3A_544 = vector.extract_strided_slice %sub3A_525 {offsets = [1], sizes = [1], strides = [1]} : vector<16xi32> to vector<1xi32>
    %squeeze3A_545 = vector.extract %slice3A_544[0] : i32 from vector<1xi32>
    %multiple_of3A_546 = tpu.assume_multiple %squeeze3A_545, 128 : i32
    %dma_start3A_547 = arith.constant 33 : i32
    %dma_start3A_548 = arith.constant 0 : i32
    %dma_start3A_549 = arith.constant 0 : i32
    %dma_start3A_550 = tpu.memref_slice %arg6[%dma_start3A_547, %dma_start3A_548, %dma_start3A_549] : memref<64x8x128xf32, #tpu.memory_space<vmem>> -> memref<1x8x128xf32, #tpu.memory_space<vmem>>
    %dma_start3A_551 = tpu.memref_squeeze %dma_start3A_550 : memref<1x8x128xf32, #tpu.memory_space<vmem>> -> memref<8x128xf32, #tpu.memory_space<vmem>>
    %dma_start3A_552 = tpu.memref_slice %arg2[%add3A_543, %multiple_of3A_546] : memref<2048x32000xf32, #tpu.memory_space<hbm>> -> memref<8x128xf32, #tpu.memory_space<hbm>>
    %dma_start3A_553 = arith.constant 0 : i32
    %dma_start3A_554 = arith.constant 0 : i32
    %dma_start3A_555 = tpu.memref_slice %arg6[%dma_start3A_547, %dma_start3A_553, %dma_start3A_554] : memref<64x8x128xf32, #tpu.memory_space<vmem>> -> memref<1x8x128xf32, #tpu.memory_space<vmem>>
    %dma_start3A_556 = tpu.memref_squeeze %dma_start3A_555 : memref<1x8x128xf32, #tpu.memory_space<vmem>> -> memref<8x128xf32, #tpu.memory_space<vmem>>
    %dma_start3A_557 = tpu.memref_slice %arg2[%add3A_543, %multiple_of3A_546] : memref<2048x32000xf32, #tpu.memory_space<hbm>> -> memref<8x128xf32, #tpu.memory_space<hbm>>
    tpu.enqueue_dma source(%dma_start3A_557 : memref<8x128xf32, #tpu.memory_space<hbm>>) target(%dma_start3A_556 : memref<8x128xf32, #tpu.memory_space<vmem>>) target_semaphore(%arg8 : memref<!tpu.dma_semaphore, #tpu.memory_space<semaphore_mem>>)
    %add3A_558 = arith.constant 32 : i32
    %add3A_559 = arith.addi %mul3A_2, %add3A_558 : i32
    %slice3A_560 = vector.extract_strided_slice %sub3A_525 {offsets = [2], sizes = [1], strides = [1]} : vector<16xi32> to vector<1xi32>
    %squeeze3A_561 = vector.extract %slice3A_560[0] : i32 from vector<1xi32>
    %multiple_of3A_562 = tpu.assume_multiple %squeeze3A_561, 128 : i32
    %dma_start3A_563 = arith.constant 34 : i32
    %dma_start3A_564 = arith.constant 0 : i32
    %dma_start3A_565 = arith.constant 0 : i32
    %dma_start3A_566 = tpu.memref_slice %arg6[%dma_start3A_563, %dma_start3A_564, %dma_start3A_565] : memref<64x8x128xf32, #tpu.memory_space<vmem>> -> memref<1x8x128xf32, #tpu.memory_space<vmem>>
    %dma_start3A_567 = tpu.memref_squeeze %dma_start3A_566 : memref<1x8x128xf32, #tpu.memory_space<vmem>> -> memref<8x128xf32, #tpu.memory_space<vmem>>
    %dma_start3A_568 = tpu.memref_slice %arg2[%add3A_559, %multiple_of3A_562] : memref<2048x32000xf32, #tpu.memory_space<hbm>> -> memref<8x128xf32, #tpu.memory_space<hbm>>
    %dma_start3A_569 = arith.constant 0 : i32
    %dma_start3A_570 = arith.constant 0 : i32
    %dma_start3A_571 = tpu.memref_slice %arg6[%dma_start3A_563, %dma_start3A_569, %dma_start3A_570] : memref<64x8x128xf32, #tpu.memory_space<vmem>> -> memref<1x8x128xf32, #tpu.memory_space<vmem>>
    %dma_start3A_572 = tpu.memref_squeeze %dma_start3A_571 : memref<1x8x128xf32, #tpu.memory_space<vmem>> -> memref<8x128xf32, #tpu.memory_space<vmem>>
    %dma_start3A_573 = tpu.memref_slice %arg2[%add3A_559, %multiple_of3A_562] : memref<2048x32000xf32, #tpu.memory_space<hbm>> -> memref<8x128xf32, #tpu.memory_space<hbm>>
    tpu.enqueue_dma source(%dma_start3A_573 : memref<8x128xf32, #tpu.memory_space<hbm>>) target(%dma_start3A_572 : memref<8x128xf32, #tpu.memory_space<vmem>>) target_semaphore(%arg8 : memref<!tpu.dma_semaphore, #tpu.memory_space<semaphore_mem>>)
    %add3A_574 = arith.constant 32 : i32
    %add3A_575 = arith.addi %mul3A_2, %add3A_574 : i32
    %slice3A_576 = vector.extract_strided_slice %sub3A_525 {offsets = [3], sizes = [1], strides = [1]} : vector<16xi32> to vector<1xi32>
    %squeeze3A_577 = vector.extract %slice3A_576[0] : i32 from vector<1xi32>
    %multiple_of3A_578 = tpu.assume_multiple %squeeze3A_577, 128 : i32
    %dma_start3A_579 = arith.constant 35 : i32
    %dma_start3A_580 = arith.constant 0 : i32
    %dma_start3A_581 = arith.constant 0 : i32
    %dma_start3A_582 = tpu.memref_slice %arg6[%dma_start3A_579, %dma_start3A_580, %dma_start3A_581] : memref<64x8x128xf32, #tpu.memory_space<vmem>> -> memref<1x8x128xf32, #tpu.memory_space<vmem>>
    %dma_start3A_583 = tpu.memref_squeeze %dma_start3A_582 : memref<1x8x128xf32, #tpu.memory_space<vmem>> -> memref<8x128xf32, #tpu.memory_space<vmem>>
    %dma_start3A_584 = tpu.memref_slice %arg2[%add3A_575, %multiple_of3A_578] : memref<2048x32000xf32, #tpu.memory_space<hbm>> -> memref<8x128xf32, #tpu.memory_space<hbm>>
    %dma_start3A_585 = arith.constant 0 : i32
    %dma_start3A_586 = arith.constant 0 : i32
    %dma_start3A_587 = tpu.memref_slice %arg6[%dma_start3A_579, %dma_start3A_585, %dma_start3A_586] : memref<64x8x128xf32, #tpu.memory_space<vmem>> -> memref<1x8x128xf32, #tpu.memory_space<vmem>>
    %dma_start3A_588 = tpu.memref_squeeze %dma_start3A_587 : memref<1x8x128xf32, #tpu.memory_space<vmem>> -> memref<8x128xf32, #tpu.memory_space<vmem>>
    %dma_start3A_589 = tpu.memref_slice %arg2[%add3A_575, %multiple_of3A_578] : memref<2048x32000xf32, #tpu.memory_space<hbm>> -> memref<8x128xf32, #tpu.memory_space<hbm>>
    tpu.enqueue_dma source(%dma_start3A_589 : memref<8x128xf32, #tpu.memory_space<hbm>>) target(%dma_start3A_588 : memref<8x128xf32, #tpu.memory_space<vmem>>) target_semaphore(%arg8 : memref<!tpu.dma_semaphore, #tpu.memory_space<semaphore_mem>>)
    %add3A_590 = arith.constant 32 : i32
    %add3A_591 = arith.addi %mul3A_2, %add3A_590 : i32
    %slice3A_592 = vector.extract_strided_slice %sub3A_525 {offsets = [4], sizes = [1], strides = [1]} : vector<16xi32> to vector<1xi32>
    %squeeze3A_593 = vector.extract %slice3A_592[0] : i32 from vector<1xi32>
    %multiple_of3A_594 = tpu.assume_multiple %squeeze3A_593, 128 : i32
    %dma_start3A_595 = arith.constant 36 : i32
    %dma_start3A_596 = arith.constant 0 : i32
    %dma_start3A_597 = arith.constant 0 : i32
    %dma_start3A_598 = tpu.memref_slice %arg6[%dma_start3A_595, %dma_start3A_596, %dma_start3A_597] : memref<64x8x128xf32, #tpu.memory_space<vmem>> -> memref<1x8x128xf32, #tpu.memory_space<vmem>>
    %dma_start3A_599 = tpu.memref_squeeze %dma_start3A_598 : memref<1x8x128xf32, #tpu.memory_space<vmem>> -> memref<8x128xf32, #tpu.memory_space<vmem>>
    %dma_start3A_600 = tpu.memref_slice %arg2[%add3A_591, %multiple_of3A_594] : memref<2048x32000xf32, #tpu.memory_space<hbm>> -> memref<8x128xf32, #tpu.memory_space<hbm>>
    %dma_start3A_601 = arith.constant 0 : i32
    %dma_start3A_602 = arith.constant 0 : i32
    %dma_start3A_603 = tpu.memref_slice %arg6[%dma_start3A_595, %dma_start3A_601, %dma_start3A_602] : memref<64x8x128xf32, #tpu.memory_space<vmem>> -> memref<1x8x128xf32, #tpu.memory_space<vmem>>
    %dma_start3A_604 = tpu.memref_squeeze %dma_start3A_603 : memref<1x8x128xf32, #tpu.memory_space<vmem>> -> memref<8x128xf32, #tpu.memory_space<vmem>>
    %dma_start3A_605 = tpu.memref_slice %arg2[%add3A_591, %multiple_of3A_594] : memref<2048x32000xf32, #tpu.memory_space<hbm>> -> memref<8x128xf32, #tpu.memory_space<hbm>>
    tpu.enqueue_dma source(%dma_start3A_605 : memref<8x128xf32, #tpu.memory_space<hbm>>) target(%dma_start3A_604 : memref<8x128xf32, #tpu.memory_space<vmem>>) target_semaphore(%arg8 : memref<!tpu.dma_semaphore, #tpu.memory_space<semaphore_mem>>)
    %add3A_606 = arith.constant 32 : i32
    %add3A_607 = arith.addi %mul3A_2, %add3A_606 : i32
    %slice3A_608 = vector.extract_strided_slice %sub3A_525 {offsets = [5], sizes = [1], strides = [1]} : vector<16xi32> to vector<1xi32>
    %squeeze3A_609 = vector.extract %slice3A_608[0] : i32 from vector<1xi32>
    %multiple_of3A_610 = tpu.assume_multiple %squeeze3A_609, 128 : i32
    %dma_start3A_611 = arith.constant 37 : i32
    %dma_start3A_612 = arith.constant 0 : i32
    %dma_start3A_613 = arith.constant 0 : i32
    %dma_start3A_614 = tpu.memref_slice %arg6[%dma_start3A_611, %dma_start3A_612, %dma_start3A_613] : memref<64x8x128xf32, #tpu.memory_space<vmem>> -> memref<1x8x128xf32, #tpu.memory_space<vmem>>
    %dma_start3A_615 = tpu.memref_squeeze %dma_start3A_614 : memref<1x8x128xf32, #tpu.memory_space<vmem>> -> memref<8x128xf32, #tpu.memory_space<vmem>>
    %dma_start3A_616 = tpu.memref_slice %arg2[%add3A_607, %multiple_of3A_610] : memref<2048x32000xf32, #tpu.memory_space<hbm>> -> memref<8x128xf32, #tpu.memory_space<hbm>>
    %dma_start3A_617 = arith.constant 0 : i32
    %dma_start3A_618 = arith.constant 0 : i32
    %dma_start3A_619 = tpu.memref_slice %arg6[%dma_start3A_611, %dma_start3A_617, %dma_start3A_618] : memref<64x8x128xf32, #tpu.memory_space<vmem>> -> memref<1x8x128xf32, #tpu.memory_space<vmem>>
    %dma_start3A_620 = tpu.memref_squeeze %dma_start3A_619 : memref<1x8x128xf32, #tpu.memory_space<vmem>> -> memref<8x128xf32, #tpu.memory_space<vmem>>
    %dma_start3A_621 = tpu.memref_slice %arg2[%add3A_607, %multiple_of3A_610] : memref<2048x32000xf32, #tpu.memory_space<hbm>> -> memref<8x128xf32, #tpu.memory_space<hbm>>
    tpu.enqueue_dma source(%dma_start3A_621 : memref<8x128xf32, #tpu.memory_space<hbm>>) target(%dma_start3A_620 : memref<8x128xf32, #tpu.memory_space<vmem>>) target_semaphore(%arg8 : memref<!tpu.dma_semaphore, #tpu.memory_space<semaphore_mem>>)
    %add3A_622 = arith.constant 32 : i32
    %add3A_623 = arith.addi %mul3A_2, %add3A_622 : i32
    %slice3A_624 = vector.extract_strided_slice %sub3A_525 {offsets = [6], sizes = [1], strides = [1]} : vector<16xi32> to vector<1xi32>
    %squeeze3A_625 = vector.extract %slice3A_624[0] : i32 from vector<1xi32>
    %multiple_of3A_626 = tpu.assume_multiple %squeeze3A_625, 128 : i32
    %dma_start3A_627 = arith.constant 38 : i32
    %dma_start3A_628 = arith.constant 0 : i32
    %dma_start3A_629 = arith.constant 0 : i32
    %dma_start3A_630 = tpu.memref_slice %arg6[%dma_start3A_627, %dma_start3A_628, %dma_start3A_629] : memref<64x8x128xf32, #tpu.memory_space<vmem>> -> memref<1x8x128xf32, #tpu.memory_space<vmem>>
    %dma_start3A_631 = tpu.memref_squeeze %dma_start3A_630 : memref<1x8x128xf32, #tpu.memory_space<vmem>> -> memref<8x128xf32, #tpu.memory_space<vmem>>
    %dma_start3A_632 = tpu.memref_slice %arg2[%add3A_623, %multiple_of3A_626] : memref<2048x32000xf32, #tpu.memory_space<hbm>> -> memref<8x128xf32, #tpu.memory_space<hbm>>
    %dma_start3A_633 = arith.constant 0 : i32
    %dma_start3A_634 = arith.constant 0 : i32
    %dma_start3A_635 = tpu.memref_slice %arg6[%dma_start3A_627, %dma_start3A_633, %dma_start3A_634] : memref<64x8x128xf32, #tpu.memory_space<vmem>> -> memref<1x8x128xf32, #tpu.memory_space<vmem>>
    %dma_start3A_636 = tpu.memref_squeeze %dma_start3A_635 : memref<1x8x128xf32, #tpu.memory_space<vmem>> -> memref<8x128xf32, #tpu.memory_space<vmem>>
    %dma_start3A_637 = tpu.memref_slice %arg2[%add3A_623, %multiple_of3A_626] : memref<2048x32000xf32, #tpu.memory_space<hbm>> -> memref<8x128xf32, #tpu.memory_space<hbm>>
    tpu.enqueue_dma source(%dma_start3A_637 : memref<8x128xf32, #tpu.memory_space<hbm>>) target(%dma_start3A_636 : memref<8x128xf32, #tpu.memory_space<vmem>>) target_semaphore(%arg8 : memref<!tpu.dma_semaphore, #tpu.memory_space<semaphore_mem>>)
    %add3A_638 = arith.constant 32 : i32
    %add3A_639 = arith.addi %mul3A_2, %add3A_638 : i32
    %slice3A_640 = vector.extract_strided_slice %sub3A_525 {offsets = [7], sizes = [1], strides = [1]} : vector<16xi32> to vector<1xi32>
    %squeeze3A_641 = vector.extract %slice3A_640[0] : i32 from vector<1xi32>
    %multiple_of3A_642 = tpu.assume_multiple %squeeze3A_641, 128 : i32
    %dma_start3A_643 = arith.constant 39 : i32
    %dma_start3A_644 = arith.constant 0 : i32
    %dma_start3A_645 = arith.constant 0 : i32
    %dma_start3A_646 = tpu.memref_slice %arg6[%dma_start3A_643, %dma_start3A_644, %dma_start3A_645] : memref<64x8x128xf32, #tpu.memory_space<vmem>> -> memref<1x8x128xf32, #tpu.memory_space<vmem>>
    %dma_start3A_647 = tpu.memref_squeeze %dma_start3A_646 : memref<1x8x128xf32, #tpu.memory_space<vmem>> -> memref<8x128xf32, #tpu.memory_space<vmem>>
    %dma_start3A_648 = tpu.memref_slice %arg2[%add3A_639, %multiple_of3A_642] : memref<2048x32000xf32, #tpu.memory_space<hbm>> -> memref<8x128xf32, #tpu.memory_space<hbm>>
    %dma_start3A_649 = arith.constant 0 : i32
    %dma_start3A_650 = arith.constant 0 : i32
    %dma_start3A_651 = tpu.memref_slice %arg6[%dma_start3A_643, %dma_start3A_649, %dma_start3A_650] : memref<64x8x128xf32, #tpu.memory_space<vmem>> -> memref<1x8x128xf32, #tpu.memory_space<vmem>>
    %dma_start3A_652 = tpu.memref_squeeze %dma_start3A_651 : memref<1x8x128xf32, #tpu.memory_space<vmem>> -> memref<8x128xf32, #tpu.memory_space<vmem>>
    %dma_start3A_653 = tpu.memref_slice %arg2[%add3A_639, %multiple_of3A_642] : memref<2048x32000xf32, #tpu.memory_space<hbm>> -> memref<8x128xf32, #tpu.memory_space<hbm>>
    tpu.enqueue_dma source(%dma_start3A_653 : memref<8x128xf32, #tpu.memory_space<hbm>>) target(%dma_start3A_652 : memref<8x128xf32, #tpu.memory_space<vmem>>) target_semaphore(%arg8 : memref<!tpu.dma_semaphore, #tpu.memory_space<semaphore_mem>>)
    %add3A_654 = arith.constant 40 : i32
    %add3A_655 = arith.addi %mul3A_2, %add3A_654 : i32
    %slice3A_656 = vector.extract_strided_slice %sub3A_525 {offsets = [8], sizes = [1], strides = [1]} : vector<16xi32> to vector<1xi32>
    %squeeze3A_657 = vector.extract %slice3A_656[0] : i32 from vector<1xi32>
    %multiple_of3A_658 = tpu.assume_multiple %squeeze3A_657, 128 : i32
    %dma_start3A_659 = arith.constant 40 : i32
    %dma_start3A_660 = arith.constant 0 : i32
    %dma_start3A_661 = arith.constant 0 : i32
    %dma_start3A_662 = tpu.memref_slice %arg6[%dma_start3A_659, %dma_start3A_660, %dma_start3A_661] : memref<64x8x128xf32, #tpu.memory_space<vmem>> -> memref<1x8x128xf32, #tpu.memory_space<vmem>>
    %dma_start3A_663 = tpu.memref_squeeze %dma_start3A_662 : memref<1x8x128xf32, #tpu.memory_space<vmem>> -> memref<8x128xf32, #tpu.memory_space<vmem>>
    %dma_start3A_664 = tpu.memref_slice %arg2[%add3A_655, %multiple_of3A_658] : memref<2048x32000xf32, #tpu.memory_space<hbm>> -> memref<8x128xf32, #tpu.memory_space<hbm>>
    %dma_start3A_665 = arith.constant 0 : i32
    %dma_start3A_666 = arith.constant 0 : i32
    %dma_start3A_667 = tpu.memref_slice %arg6[%dma_start3A_659, %dma_start3A_665, %dma_start3A_666] : memref<64x8x128xf32, #tpu.memory_space<vmem>> -> memref<1x8x128xf32, #tpu.memory_space<vmem>>
    %dma_start3A_668 = tpu.memref_squeeze %dma_start3A_667 : memref<1x8x128xf32, #tpu.memory_space<vmem>> -> memref<8x128xf32, #tpu.memory_space<vmem>>
    %dma_start3A_669 = tpu.memref_slice %arg2[%add3A_655, %multiple_of3A_658] : memref<2048x32000xf32, #tpu.memory_space<hbm>> -> memref<8x128xf32, #tpu.memory_space<hbm>>
    tpu.enqueue_dma source(%dma_start3A_669 : memref<8x128xf32, #tpu.memory_space<hbm>>) target(%dma_start3A_668 : memref<8x128xf32, #tpu.memory_space<vmem>>) target_semaphore(%arg8 : memref<!tpu.dma_semaphore, #tpu.memory_space<semaphore_mem>>)
    %add3A_670 = arith.constant 40 : i32
    %add3A_671 = arith.addi %mul3A_2, %add3A_670 : i32
    %slice3A_672 = vector.extract_strided_slice %sub3A_525 {offsets = [9], sizes = [1], strides = [1]} : vector<16xi32> to vector<1xi32>
    %squeeze3A_673 = vector.extract %slice3A_672[0] : i32 from vector<1xi32>
    %multiple_of3A_674 = tpu.assume_multiple %squeeze3A_673, 128 : i32
    %dma_start3A_675 = arith.constant 41 : i32
    %dma_start3A_676 = arith.constant 0 : i32
    %dma_start3A_677 = arith.constant 0 : i32
    %dma_start3A_678 = tpu.memref_slice %arg6[%dma_start3A_675, %dma_start3A_676, %dma_start3A_677] : memref<64x8x128xf32, #tpu.memory_space<vmem>> -> memref<1x8x128xf32, #tpu.memory_space<vmem>>
    %dma_start3A_679 = tpu.memref_squeeze %dma_start3A_678 : memref<1x8x128xf32, #tpu.memory_space<vmem>> -> memref<8x128xf32, #tpu.memory_space<vmem>>
    %dma_start3A_680 = tpu.memref_slice %arg2[%add3A_671, %multiple_of3A_674] : memref<2048x32000xf32, #tpu.memory_space<hbm>> -> memref<8x128xf32, #tpu.memory_space<hbm>>
    %dma_start3A_681 = arith.constant 0 : i32
    %dma_start3A_682 = arith.constant 0 : i32
    %dma_start3A_683 = tpu.memref_slice %arg6[%dma_start3A_675, %dma_start3A_681, %dma_start3A_682] : memref<64x8x128xf32, #tpu.memory_space<vmem>> -> memref<1x8x128xf32, #tpu.memory_space<vmem>>
    %dma_start3A_684 = tpu.memref_squeeze %dma_start3A_683 : memref<1x8x128xf32, #tpu.memory_space<vmem>> -> memref<8x128xf32, #tpu.memory_space<vmem>>
    %dma_start3A_685 = tpu.memref_slice %arg2[%add3A_671, %multiple_of3A_674] : memref<2048x32000xf32, #tpu.memory_space<hbm>> -> memref<8x128xf32, #tpu.memory_space<hbm>>
    tpu.enqueue_dma source(%dma_start3A_685 : memref<8x128xf32, #tpu.memory_space<hbm>>) target(%dma_start3A_684 : memref<8x128xf32, #tpu.memory_space<vmem>>) target_semaphore(%arg8 : memref<!tpu.dma_semaphore, #tpu.memory_space<semaphore_mem>>)
    %add3A_686 = arith.constant 40 : i32
    %add3A_687 = arith.addi %mul3A_2, %add3A_686 : i32
    %slice3A_688 = vector.extract_strided_slice %sub3A_525 {offsets = [10], sizes = [1], strides = [1]} : vector<16xi32> to vector<1xi32>
    %squeeze3A_689 = vector.extract %slice3A_688[0] : i32 from vector<1xi32>
    %multiple_of3A_690 = tpu.assume_multiple %squeeze3A_689, 128 : i32
    %dma_start3A_691 = arith.constant 42 : i32
    %dma_start3A_692 = arith.constant 0 : i32
    %dma_start3A_693 = arith.constant 0 : i32
    %dma_start3A_694 = tpu.memref_slice %arg6[%dma_start3A_691, %dma_start3A_692, %dma_start3A_693] : memref<64x8x128xf32, #tpu.memory_space<vmem>> -> memref<1x8x128xf32, #tpu.memory_space<vmem>>
    %dma_start3A_695 = tpu.memref_squeeze %dma_start3A_694 : memref<1x8x128xf32, #tpu.memory_space<vmem>> -> memref<8x128xf32, #tpu.memory_space<vmem>>
    %dma_start3A_696 = tpu.memref_slice %arg2[%add3A_687, %multiple_of3A_690] : memref<2048x32000xf32, #tpu.memory_space<hbm>> -> memref<8x128xf32, #tpu.memory_space<hbm>>
    %dma_start3A_697 = arith.constant 0 : i32
    %dma_start3A_698 = arith.constant 0 : i32
    %dma_start3A_699 = tpu.memref_slice %arg6[%dma_start3A_691, %dma_start3A_697, %dma_start3A_698] : memref<64x8x128xf32, #tpu.memory_space<vmem>> -> memref<1x8x128xf32, #tpu.memory_space<vmem>>
    %dma_start3A_700 = tpu.memref_squeeze %dma_start3A_699 : memref<1x8x128xf32, #tpu.memory_space<vmem>> -> memref<8x128xf32, #tpu.memory_space<vmem>>
    %dma_start3A_701 = tpu.memref_slice %arg2[%add3A_687, %multiple_of3A_690] : memref<2048x32000xf32, #tpu.memory_space<hbm>> -> memref<8x128xf32, #tpu.memory_space<hbm>>
    tpu.enqueue_dma source(%dma_start3A_701 : memref<8x128xf32, #tpu.memory_space<hbm>>) target(%dma_start3A_700 : memref<8x128xf32, #tpu.memory_space<vmem>>) target_semaphore(%arg8 : memref<!tpu.dma_semaphore, #tpu.memory_space<semaphore_mem>>)
    %add3A_702 = arith.constant 40 : i32
    %add3A_703 = arith.addi %mul3A_2, %add3A_702 : i32
    %slice3A_704 = vector.extract_strided_slice %sub3A_525 {offsets = [11], sizes = [1], strides = [1]} : vector<16xi32> to vector<1xi32>
    %squeeze3A_705 = vector.extract %slice3A_704[0] : i32 from vector<1xi32>
    %multiple_of3A_706 = tpu.assume_multiple %squeeze3A_705, 128 : i32
    %dma_start3A_707 = arith.constant 43 : i32
    %dma_start3A_708 = arith.constant 0 : i32
    %dma_start3A_709 = arith.constant 0 : i32
    %dma_start3A_710 = tpu.memref_slice %arg6[%dma_start3A_707, %dma_start3A_708, %dma_start3A_709] : memref<64x8x128xf32, #tpu.memory_space<vmem>> -> memref<1x8x128xf32, #tpu.memory_space<vmem>>
    %dma_start3A_711 = tpu.memref_squeeze %dma_start3A_710 : memref<1x8x128xf32, #tpu.memory_space<vmem>> -> memref<8x128xf32, #tpu.memory_space<vmem>>
    %dma_start3A_712 = tpu.memref_slice %arg2[%add3A_703, %multiple_of3A_706] : memref<2048x32000xf32, #tpu.memory_space<hbm>> -> memref<8x128xf32, #tpu.memory_space<hbm>>
    %dma_start3A_713 = arith.constant 0 : i32
    %dma_start3A_714 = arith.constant 0 : i32
    %dma_start3A_715 = tpu.memref_slice %arg6[%dma_start3A_707, %dma_start3A_713, %dma_start3A_714] : memref<64x8x128xf32, #tpu.memory_space<vmem>> -> memref<1x8x128xf32, #tpu.memory_space<vmem>>
    %dma_start3A_716 = tpu.memref_squeeze %dma_start3A_715 : memref<1x8x128xf32, #tpu.memory_space<vmem>> -> memref<8x128xf32, #tpu.memory_space<vmem>>
    %dma_start3A_717 = tpu.memref_slice %arg2[%add3A_703, %multiple_of3A_706] : memref<2048x32000xf32, #tpu.memory_space<hbm>> -> memref<8x128xf32, #tpu.memory_space<hbm>>
    tpu.enqueue_dma source(%dma_start3A_717 : memref<8x128xf32, #tpu.memory_space<hbm>>) target(%dma_start3A_716 : memref<8x128xf32, #tpu.memory_space<vmem>>) target_semaphore(%arg8 : memref<!tpu.dma_semaphore, #tpu.memory_space<semaphore_mem>>)
    %add3A_718 = arith.constant 40 : i32
    %add3A_719 = arith.addi %mul3A_2, %add3A_718 : i32
    %slice3A_720 = vector.extract_strided_slice %sub3A_525 {offsets = [12], sizes = [1], strides = [1]} : vector<16xi32> to vector<1xi32>
    %squeeze3A_721 = vector.extract %slice3A_720[0] : i32 from vector<1xi32>
    %multiple_of3A_722 = tpu.assume_multiple %squeeze3A_721, 128 : i32
    %dma_start3A_723 = arith.constant 44 : i32
    %dma_start3A_724 = arith.constant 0 : i32
    %dma_start3A_725 = arith.constant 0 : i32
    %dma_start3A_726 = tpu.memref_slice %arg6[%dma_start3A_723, %dma_start3A_724, %dma_start3A_725] : memref<64x8x128xf32, #tpu.memory_space<vmem>> -> memref<1x8x128xf32, #tpu.memory_space<vmem>>
    %dma_start3A_727 = tpu.memref_squeeze %dma_start3A_726 : memref<1x8x128xf32, #tpu.memory_space<vmem>> -> memref<8x128xf32, #tpu.memory_space<vmem>>
    %dma_start3A_728 = tpu.memref_slice %arg2[%add3A_719, %multiple_of3A_722] : memref<2048x32000xf32, #tpu.memory_space<hbm>> -> memref<8x128xf32, #tpu.memory_space<hbm>>
    %dma_start3A_729 = arith.constant 0 : i32
    %dma_start3A_730 = arith.constant 0 : i32
    %dma_start3A_731 = tpu.memref_slice %arg6[%dma_start3A_723, %dma_start3A_729, %dma_start3A_730] : memref<64x8x128xf32, #tpu.memory_space<vmem>> -> memref<1x8x128xf32, #tpu.memory_space<vmem>>
    %dma_start3A_732 = tpu.memref_squeeze %dma_start3A_731 : memref<1x8x128xf32, #tpu.memory_space<vmem>> -> memref<8x128xf32, #tpu.memory_space<vmem>>
    %dma_start3A_733 = tpu.memref_slice %arg2[%add3A_719, %multiple_of3A_722] : memref<2048x32000xf32, #tpu.memory_space<hbm>> -> memref<8x128xf32, #tpu.memory_space<hbm>>
    tpu.enqueue_dma source(%dma_start3A_733 : memref<8x128xf32, #tpu.memory_space<hbm>>) target(%dma_start3A_732 : memref<8x128xf32, #tpu.memory_space<vmem>>) target_semaphore(%arg8 : memref<!tpu.dma_semaphore, #tpu.memory_space<semaphore_mem>>)
    %add3A_734 = arith.constant 40 : i32
    %add3A_735 = arith.addi %mul3A_2, %add3A_734 : i32
    %slice3A_736 = vector.extract_strided_slice %sub3A_525 {offsets = [13], sizes = [1], strides = [1]} : vector<16xi32> to vector<1xi32>
    %squeeze3A_737 = vector.extract %slice3A_736[0] : i32 from vector<1xi32>
    %multiple_of3A_738 = tpu.assume_multiple %squeeze3A_737, 128 : i32
    %dma_start3A_739 = arith.constant 45 : i32
    %dma_start3A_740 = arith.constant 0 : i32
    %dma_start3A_741 = arith.constant 0 : i32
    %dma_start3A_742 = tpu.memref_slice %arg6[%dma_start3A_739, %dma_start3A_740, %dma_start3A_741] : memref<64x8x128xf32, #tpu.memory_space<vmem>> -> memref<1x8x128xf32, #tpu.memory_space<vmem>>
    %dma_start3A_743 = tpu.memref_squeeze %dma_start3A_742 : memref<1x8x128xf32, #tpu.memory_space<vmem>> -> memref<8x128xf32, #tpu.memory_space<vmem>>
    %dma_start3A_744 = tpu.memref_slice %arg2[%add3A_735, %multiple_of3A_738] : memref<2048x32000xf32, #tpu.memory_space<hbm>> -> memref<8x128xf32, #tpu.memory_space<hbm>>
    %dma_start3A_745 = arith.constant 0 : i32
    %dma_start3A_746 = arith.constant 0 : i32
    %dma_start3A_747 = tpu.memref_slice %arg6[%dma_start3A_739, %dma_start3A_745, %dma_start3A_746] : memref<64x8x128xf32, #tpu.memory_space<vmem>> -> memref<1x8x128xf32, #tpu.memory_space<vmem>>
    %dma_start3A_748 = tpu.memref_squeeze %dma_start3A_747 : memref<1x8x128xf32, #tpu.memory_space<vmem>> -> memref<8x128xf32, #tpu.memory_space<vmem>>
    %dma_start3A_749 = tpu.memref_slice %arg2[%add3A_735, %multiple_of3A_738] : memref<2048x32000xf32, #tpu.memory_space<hbm>> -> memref<8x128xf32, #tpu.memory_space<hbm>>
    tpu.enqueue_dma source(%dma_start3A_749 : memref<8x128xf32, #tpu.memory_space<hbm>>) target(%dma_start3A_748 : memref<8x128xf32, #tpu.memory_space<vmem>>) target_semaphore(%arg8 : memref<!tpu.dma_semaphore, #tpu.memory_space<semaphore_mem>>)
    %add3A_750 = arith.constant 40 : i32
    %add3A_751 = arith.addi %mul3A_2, %add3A_750 : i32
    %slice3A_752 = vector.extract_strided_slice %sub3A_525 {offsets = [14], sizes = [1], strides = [1]} : vector<16xi32> to vector<1xi32>
    %squeeze3A_753 = vector.extract %slice3A_752[0] : i32 from vector<1xi32>
    %multiple_of3A_754 = tpu.assume_multiple %squeeze3A_753, 128 : i32
    %dma_start3A_755 = arith.constant 46 : i32
    %dma_start3A_756 = arith.constant 0 : i32
    %dma_start3A_757 = arith.constant 0 : i32
    %dma_start3A_758 = tpu.memref_slice %arg6[%dma_start3A_755, %dma_start3A_756, %dma_start3A_757] : memref<64x8x128xf32, #tpu.memory_space<vmem>> -> memref<1x8x128xf32, #tpu.memory_space<vmem>>
    %dma_start3A_759 = tpu.memref_squeeze %dma_start3A_758 : memref<1x8x128xf32, #tpu.memory_space<vmem>> -> memref<8x128xf32, #tpu.memory_space<vmem>>
    %dma_start3A_760 = tpu.memref_slice %arg2[%add3A_751, %multiple_of3A_754] : memref<2048x32000xf32, #tpu.memory_space<hbm>> -> memref<8x128xf32, #tpu.memory_space<hbm>>
    %dma_start3A_761 = arith.constant 0 : i32
    %dma_start3A_762 = arith.constant 0 : i32
    %dma_start3A_763 = tpu.memref_slice %arg6[%dma_start3A_755, %dma_start3A_761, %dma_start3A_762] : memref<64x8x128xf32, #tpu.memory_space<vmem>> -> memref<1x8x128xf32, #tpu.memory_space<vmem>>
    %dma_start3A_764 = tpu.memref_squeeze %dma_start3A_763 : memref<1x8x128xf32, #tpu.memory_space<vmem>> -> memref<8x128xf32, #tpu.memory_space<vmem>>
    %dma_start3A_765 = tpu.memref_slice %arg2[%add3A_751, %multiple_of3A_754] : memref<2048x32000xf32, #tpu.memory_space<hbm>> -> memref<8x128xf32, #tpu.memory_space<hbm>>
    tpu.enqueue_dma source(%dma_start3A_765 : memref<8x128xf32, #tpu.memory_space<hbm>>) target(%dma_start3A_764 : memref<8x128xf32, #tpu.memory_space<vmem>>) target_semaphore(%arg8 : memref<!tpu.dma_semaphore, #tpu.memory_space<semaphore_mem>>)
    %add3A_766 = arith.constant 40 : i32
    %add3A_767 = arith.addi %mul3A_2, %add3A_766 : i32
    %slice3A_768 = vector.extract_strided_slice %sub3A_525 {offsets = [15], sizes = [1], strides = [1]} : vector<16xi32> to vector<1xi32>
    %squeeze3A_769 = vector.extract %slice3A_768[0] : i32 from vector<1xi32>
    %multiple_of3A_770 = tpu.assume_multiple %squeeze3A_769, 128 : i32
    %dma_start3A_771 = arith.constant 47 : i32
    %dma_start3A_772 = arith.constant 0 : i32
    %dma_start3A_773 = arith.constant 0 : i32
    %dma_start3A_774 = tpu.memref_slice %arg6[%dma_start3A_771, %dma_start3A_772, %dma_start3A_773] : memref<64x8x128xf32, #tpu.memory_space<vmem>> -> memref<1x8x128xf32, #tpu.memory_space<vmem>>
    %dma_start3A_775 = tpu.memref_squeeze %dma_start3A_774 : memref<1x8x128xf32, #tpu.memory_space<vmem>> -> memref<8x128xf32, #tpu.memory_space<vmem>>
    %dma_start3A_776 = tpu.memref_slice %arg2[%add3A_767, %multiple_of3A_770] : memref<2048x32000xf32, #tpu.memory_space<hbm>> -> memref<8x128xf32, #tpu.memory_space<hbm>>
    %dma_start3A_777 = arith.constant 0 : i32
    %dma_start3A_778 = arith.constant 0 : i32
    %dma_start3A_779 = tpu.memref_slice %arg6[%dma_start3A_771, %dma_start3A_777, %dma_start3A_778] : memref<64x8x128xf32, #tpu.memory_space<vmem>> -> memref<1x8x128xf32, #tpu.memory_space<vmem>>
    %dma_start3A_780 = tpu.memref_squeeze %dma_start3A_779 : memref<1x8x128xf32, #tpu.memory_space<vmem>> -> memref<8x128xf32, #tpu.memory_space<vmem>>
    %dma_start3A_781 = tpu.memref_slice %arg2[%add3A_767, %multiple_of3A_770] : memref<2048x32000xf32, #tpu.memory_space<hbm>> -> memref<8x128xf32, #tpu.memory_space<hbm>>
    tpu.enqueue_dma source(%dma_start3A_781 : memref<8x128xf32, #tpu.memory_space<hbm>>) target(%dma_start3A_780 : memref<8x128xf32, #tpu.memory_space<vmem>>) target_semaphore(%arg8 : memref<!tpu.dma_semaphore, #tpu.memory_space<semaphore_mem>>)
    %get3A_782 = arith.constant 48 : index
    %get3A_783 = tpu.vector_load %arg5[%get3A_782] {strides = array<i32>} : memref<64xi32, #tpu.memory_space<vmem>>, vector<16xi32>,
    %and3A_784 = arith.constant 127 : i32
    %and3A_785 = vector.broadcast %and3A_784 : i32 to vector<16xi32>
    %and3A_786 = arith.andi %get3A_783, %and3A_785 : vector<16xi32>
    %sub3A_787 = arith.subi %get3A_783, %and3A_786 : vector<16xi32>
    %add3A_788 = arith.constant 48 : i32
    %add3A_789 = arith.addi %mul3A_2, %add3A_788 : i32
    %slice3A_790 = vector.extract_strided_slice %sub3A_787 {offsets = [0], sizes = [1], strides = [1]} : vector<16xi32> to vector<1xi32>
    %squeeze3A_791 = vector.extract %slice3A_790[0] : i32 from vector<1xi32>
    %multiple_of3A_792 = tpu.assume_multiple %squeeze3A_791, 128 : i32
    %dma_start3A_793 = arith.constant 48 : i32
    %dma_start3A_794 = arith.constant 0 : i32
    %dma_start3A_795 = arith.constant 0 : i32
    %dma_start3A_796 = tpu.memref_slice %arg6[%dma_start3A_793, %dma_start3A_794, %dma_start3A_795] : memref<64x8x128xf32, #tpu.memory_space<vmem>> -> memref<1x8x128xf32, #tpu.memory_space<vmem>>
    %dma_start3A_797 = tpu.memref_squeeze %dma_start3A_796 : memref<1x8x128xf32, #tpu.memory_space<vmem>> -> memref<8x128xf32, #tpu.memory_space<vmem>>
    %dma_start3A_798 = tpu.memref_slice %arg2[%add3A_789, %multiple_of3A_792] : memref<2048x32000xf32, #tpu.memory_space<hbm>> -> memref<8x128xf32, #tpu.memory_space<hbm>>
    %dma_start3A_799 = arith.constant 0 : i32
    %dma_start3A_800 = arith.constant 0 : i32
    %dma_start3A_801 = tpu.memref_slice %arg6[%dma_start3A_793, %dma_start3A_799, %dma_start3A_800] : memref<64x8x128xf32, #tpu.memory_space<vmem>> -> memref<1x8x128xf32, #tpu.memory_space<vmem>>
    %dma_start3A_802 = tpu.memref_squeeze %dma_start3A_801 : memref<1x8x128xf32, #tpu.memory_space<vmem>> -> memref<8x128xf32, #tpu.memory_space<vmem>>
    %dma_start3A_803 = tpu.memref_slice %arg2[%add3A_789, %multiple_of3A_792] : memref<2048x32000xf32, #tpu.memory_space<hbm>> -> memref<8x128xf32, #tpu.memory_space<hbm>>
    tpu.enqueue_dma source(%dma_start3A_803 : memref<8x128xf32, #tpu.memory_space<hbm>>) target(%dma_start3A_802 : memref<8x128xf32, #tpu.memory_space<vmem>>) target_semaphore(%arg8 : memref<!tpu.dma_semaphore, #tpu.memory_space<semaphore_mem>>)
    %add3A_804 = arith.constant 48 : i32
    %add3A_805 = arith.addi %mul3A_2, %add3A_804 : i32
    %slice3A_806 = vector.extract_strided_slice %sub3A_787 {offsets = [1], sizes = [1], strides = [1]} : vector<16xi32> to vector<1xi32>
    %squeeze3A_807 = vector.extract %slice3A_806[0] : i32 from vector<1xi32>
    %multiple_of3A_808 = tpu.assume_multiple %squeeze3A_807, 128 : i32
    %dma_start3A_809 = arith.constant 49 : i32
    %dma_start3A_810 = arith.constant 0 : i32
    %dma_start3A_811 = arith.constant 0 : i32
    %dma_start3A_812 = tpu.memref_slice %arg6[%dma_start3A_809, %dma_start3A_810, %dma_start3A_811] : memref<64x8x128xf32, #tpu.memory_space<vmem>> -> memref<1x8x128xf32, #tpu.memory_space<vmem>>
    %dma_start3A_813 = tpu.memref_squeeze %dma_start3A_812 : memref<1x8x128xf32, #tpu.memory_space<vmem>> -> memref<8x128xf32, #tpu.memory_space<vmem>>
    %dma_start3A_814 = tpu.memref_slice %arg2[%add3A_805, %multiple_of3A_808] : memref<2048x32000xf32, #tpu.memory_space<hbm>> -> memref<8x128xf32, #tpu.memory_space<hbm>>
    %dma_start3A_815 = arith.constant 0 : i32
    %dma_start3A_816 = arith.constant 0 : i32
    %dma_start3A_817 = tpu.memref_slice %arg6[%dma_start3A_809, %dma_start3A_815, %dma_start3A_816] : memref<64x8x128xf32, #tpu.memory_space<vmem>> -> memref<1x8x128xf32, #tpu.memory_space<vmem>>
    %dma_start3A_818 = tpu.memref_squeeze %dma_start3A_817 : memref<1x8x128xf32, #tpu.memory_space<vmem>> -> memref<8x128xf32, #tpu.memory_space<vmem>>
    %dma_start3A_819 = tpu.memref_slice %arg2[%add3A_805, %multiple_of3A_808] : memref<2048x32000xf32, #tpu.memory_space<hbm>> -> memref<8x128xf32, #tpu.memory_space<hbm>>
    tpu.enqueue_dma source(%dma_start3A_819 : memref<8x128xf32, #tpu.memory_space<hbm>>) target(%dma_start3A_818 : memref<8x128xf32, #tpu.memory_space<vmem>>) target_semaphore(%arg8 : memref<!tpu.dma_semaphore, #tpu.memory_space<semaphore_mem>>)
    %add3A_820 = arith.constant 48 : i32
    %add3A_821 = arith.addi %mul3A_2, %add3A_820 : i32
    %slice3A_822 = vector.extract_strided_slice %sub3A_787 {offsets = [2], sizes = [1], strides = [1]} : vector<16xi32> to vector<1xi32>
    %squeeze3A_823 = vector.extract %slice3A_822[0] : i32 from vector<1xi32>
    %multiple_of3A_824 = tpu.assume_multiple %squeeze3A_823, 128 : i32
    %dma_start3A_825 = arith.constant 50 : i32
    %dma_start3A_826 = arith.constant 0 : i32
    %dma_start3A_827 = arith.constant 0 : i32
    %dma_start3A_828 = tpu.memref_slice %arg6[%dma_start3A_825, %dma_start3A_826, %dma_start3A_827] : memref<64x8x128xf32, #tpu.memory_space<vmem>> -> memref<1x8x128xf32, #tpu.memory_space<vmem>>
    %dma_start3A_829 = tpu.memref_squeeze %dma_start3A_828 : memref<1x8x128xf32, #tpu.memory_space<vmem>> -> memref<8x128xf32, #tpu.memory_space<vmem>>
    %dma_start3A_830 = tpu.memref_slice %arg2[%add3A_821, %multiple_of3A_824] : memref<2048x32000xf32, #tpu.memory_space<hbm>> -> memref<8x128xf32, #tpu.memory_space<hbm>>
    %dma_start3A_831 = arith.constant 0 : i32
    %dma_start3A_832 = arith.constant 0 : i32
    %dma_start3A_833 = tpu.memref_slice %arg6[%dma_start3A_825, %dma_start3A_831, %dma_start3A_832] : memref<64x8x128xf32, #tpu.memory_space<vmem>> -> memref<1x8x128xf32, #tpu.memory_space<vmem>>
    %dma_start3A_834 = tpu.memref_squeeze %dma_start3A_833 : memref<1x8x128xf32, #tpu.memory_space<vmem>> -> memref<8x128xf32, #tpu.memory_space<vmem>>
    %dma_start3A_835 = tpu.memref_slice %arg2[%add3A_821, %multiple_of3A_824] : memref<2048x32000xf32, #tpu.memory_space<hbm>> -> memref<8x128xf32, #tpu.memory_space<hbm>>
    tpu.enqueue_dma source(%dma_start3A_835 : memref<8x128xf32, #tpu.memory_space<hbm>>) target(%dma_start3A_834 : memref<8x128xf32, #tpu.memory_space<vmem>>) target_semaphore(%arg8 : memref<!tpu.dma_semaphore, #tpu.memory_space<semaphore_mem>>)
    %add3A_836 = arith.constant 48 : i32
    %add3A_837 = arith.addi %mul3A_2, %add3A_836 : i32
    %slice3A_838 = vector.extract_strided_slice %sub3A_787 {offsets = [3], sizes = [1], strides = [1]} : vector<16xi32> to vector<1xi32>
    %squeeze3A_839 = vector.extract %slice3A_838[0] : i32 from vector<1xi32>
    %multiple_of3A_840 = tpu.assume_multiple %squeeze3A_839, 128 : i32
    %dma_start3A_841 = arith.constant 51 : i32
    %dma_start3A_842 = arith.constant 0 : i32
    %dma_start3A_843 = arith.constant 0 : i32
    %dma_start3A_844 = tpu.memref_slice %arg6[%dma_start3A_841, %dma_start3A_842, %dma_start3A_843] : memref<64x8x128xf32, #tpu.memory_space<vmem>> -> memref<1x8x128xf32, #tpu.memory_space<vmem>>
    %dma_start3A_845 = tpu.memref_squeeze %dma_start3A_844 : memref<1x8x128xf32, #tpu.memory_space<vmem>> -> memref<8x128xf32, #tpu.memory_space<vmem>>
    %dma_start3A_846 = tpu.memref_slice %arg2[%add3A_837, %multiple_of3A_840] : memref<2048x32000xf32, #tpu.memory_space<hbm>> -> memref<8x128xf32, #tpu.memory_space<hbm>>
    %dma_start3A_847 = arith.constant 0 : i32
    %dma_start3A_848 = arith.constant 0 : i32
    %dma_start3A_849 = tpu.memref_slice %arg6[%dma_start3A_841, %dma_start3A_847, %dma_start3A_848] : memref<64x8x128xf32, #tpu.memory_space<vmem>> -> memref<1x8x128xf32, #tpu.memory_space<vmem>>
    %dma_start3A_850 = tpu.memref_squeeze %dma_start3A_849 : memref<1x8x128xf32, #tpu.memory_space<vmem>> -> memref<8x128xf32, #tpu.memory_space<vmem>>
    %dma_start3A_851 = tpu.memref_slice %arg2[%add3A_837, %multiple_of3A_840] : memref<2048x32000xf32, #tpu.memory_space<hbm>> -> memref<8x128xf32, #tpu.memory_space<hbm>>
    tpu.enqueue_dma source(%dma_start3A_851 : memref<8x128xf32, #tpu.memory_space<hbm>>) target(%dma_start3A_850 : memref<8x128xf32, #tpu.memory_space<vmem>>) target_semaphore(%arg8 : memref<!tpu.dma_semaphore, #tpu.memory_space<semaphore_mem>>)
    %add3A_852 = arith.constant 48 : i32
    %add3A_853 = arith.addi %mul3A_2, %add3A_852 : i32
    %slice3A_854 = vector.extract_strided_slice %sub3A_787 {offsets = [4], sizes = [1], strides = [1]} : vector<16xi32> to vector<1xi32>
    %squeeze3A_855 = vector.extract %slice3A_854[0] : i32 from vector<1xi32>
    %multiple_of3A_856 = tpu.assume_multiple %squeeze3A_855, 128 : i32
    %dma_start3A_857 = arith.constant 52 : i32
    %dma_start3A_858 = arith.constant 0 : i32
    %dma_start3A_859 = arith.constant 0 : i32
    %dma_start3A_860 = tpu.memref_slice %arg6[%dma_start3A_857, %dma_start3A_858, %dma_start3A_859] : memref<64x8x128xf32, #tpu.memory_space<vmem>> -> memref<1x8x128xf32, #tpu.memory_space<vmem>>
    %dma_start3A_861 = tpu.memref_squeeze %dma_start3A_860 : memref<1x8x128xf32, #tpu.memory_space<vmem>> -> memref<8x128xf32, #tpu.memory_space<vmem>>
    %dma_start3A_862 = tpu.memref_slice %arg2[%add3A_853, %multiple_of3A_856] : memref<2048x32000xf32, #tpu.memory_space<hbm>> -> memref<8x128xf32, #tpu.memory_space<hbm>>
    %dma_start3A_863 = arith.constant 0 : i32
    %dma_start3A_864 = arith.constant 0 : i32
    %dma_start3A_865 = tpu.memref_slice %arg6[%dma_start3A_857, %dma_start3A_863, %dma_start3A_864] : memref<64x8x128xf32, #tpu.memory_space<vmem>> -> memref<1x8x128xf32, #tpu.memory_space<vmem>>
    %dma_start3A_866 = tpu.memref_squeeze %dma_start3A_865 : memref<1x8x128xf32, #tpu.memory_space<vmem>> -> memref<8x128xf32, #tpu.memory_space<vmem>>
    %dma_start3A_867 = tpu.memref_slice %arg2[%add3A_853, %multiple_of3A_856] : memref<2048x32000xf32, #tpu.memory_space<hbm>> -> memref<8x128xf32, #tpu.memory_space<hbm>>
    tpu.enqueue_dma source(%dma_start3A_867 : memref<8x128xf32, #tpu.memory_space<hbm>>) target(%dma_start3A_866 : memref<8x128xf32, #tpu.memory_space<vmem>>) target_semaphore(%arg8 : memref<!tpu.dma_semaphore, #tpu.memory_space<semaphore_mem>>)
    %add3A_868 = arith.constant 48 : i32
    %add3A_869 = arith.addi %mul3A_2, %add3A_868 : i32
    %slice3A_870 = vector.extract_strided_slice %sub3A_787 {offsets = [5], sizes = [1], strides = [1]} : vector<16xi32> to vector<1xi32>
    %squeeze3A_871 = vector.extract %slice3A_870[0] : i32 from vector<1xi32>
    %multiple_of3A_872 = tpu.assume_multiple %squeeze3A_871, 128 : i32
    %dma_start3A_873 = arith.constant 53 : i32
    %dma_start3A_874 = arith.constant 0 : i32
    %dma_start3A_875 = arith.constant 0 : i32
    %dma_start3A_876 = tpu.memref_slice %arg6[%dma_start3A_873, %dma_start3A_874, %dma_start3A_875] : memref<64x8x128xf32, #tpu.memory_space<vmem>> -> memref<1x8x128xf32, #tpu.memory_space<vmem>>
    %dma_start3A_877 = tpu.memref_squeeze %dma_start3A_876 : memref<1x8x128xf32, #tpu.memory_space<vmem>> -> memref<8x128xf32, #tpu.memory_space<vmem>>
    %dma_start3A_878 = tpu.memref_slice %arg2[%add3A_869, %multiple_of3A_872] : memref<2048x32000xf32, #tpu.memory_space<hbm>> -> memref<8x128xf32, #tpu.memory_space<hbm>>
    %dma_start3A_879 = arith.constant 0 : i32
    %dma_start3A_880 = arith.constant 0 : i32
    %dma_start3A_881 = tpu.memref_slice %arg6[%dma_start3A_873, %dma_start3A_879, %dma_start3A_880] : memref<64x8x128xf32, #tpu.memory_space<vmem>> -> memref<1x8x128xf32, #tpu.memory_space<vmem>>
    %dma_start3A_882 = tpu.memref_squeeze %dma_start3A_881 : memref<1x8x128xf32, #tpu.memory_space<vmem>> -> memref<8x128xf32, #tpu.memory_space<vmem>>
    %dma_start3A_883 = tpu.memref_slice %arg2[%add3A_869, %multiple_of3A_872] : memref<2048x32000xf32, #tpu.memory_space<hbm>> -> memref<8x128xf32, #tpu.memory_space<hbm>>
    tpu.enqueue_dma source(%dma_start3A_883 : memref<8x128xf32, #tpu.memory_space<hbm>>) target(%dma_start3A_882 : memref<8x128xf32, #tpu.memory_space<vmem>>) target_semaphore(%arg8 : memref<!tpu.dma_semaphore, #tpu.memory_space<semaphore_mem>>)
    %add3A_884 = arith.constant 48 : i32
    %add3A_885 = arith.addi %mul3A_2, %add3A_884 : i32
    %slice3A_886 = vector.extract_strided_slice %sub3A_787 {offsets = [6], sizes = [1], strides = [1]} : vector<16xi32> to vector<1xi32>
    %squeeze3A_887 = vector.extract %slice3A_886[0] : i32 from vector<1xi32>
    %multiple_of3A_888 = tpu.assume_multiple %squeeze3A_887, 128 : i32
    %dma_start3A_889 = arith.constant 54 : i32
    %dma_start3A_890 = arith.constant 0 : i32
    %dma_start3A_891 = arith.constant 0 : i32
    %dma_start3A_892 = tpu.memref_slice %arg6[%dma_start3A_889, %dma_start3A_890, %dma_start3A_891] : memref<64x8x128xf32, #tpu.memory_space<vmem>> -> memref<1x8x128xf32, #tpu.memory_space<vmem>>
    %dma_start3A_893 = tpu.memref_squeeze %dma_start3A_892 : memref<1x8x128xf32, #tpu.memory_space<vmem>> -> memref<8x128xf32, #tpu.memory_space<vmem>>
    %dma_start3A_894 = tpu.memref_slice %arg2[%add3A_885, %multiple_of3A_888] : memref<2048x32000xf32, #tpu.memory_space<hbm>> -> memref<8x128xf32, #tpu.memory_space<hbm>>
    %dma_start3A_895 = arith.constant 0 : i32
    %dma_start3A_896 = arith.constant 0 : i32
    %dma_start3A_897 = tpu.memref_slice %arg6[%dma_start3A_889, %dma_start3A_895, %dma_start3A_896] : memref<64x8x128xf32, #tpu.memory_space<vmem>> -> memref<1x8x128xf32, #tpu.memory_space<vmem>>
    %dma_start3A_898 = tpu.memref_squeeze %dma_start3A_897 : memref<1x8x128xf32, #tpu.memory_space<vmem>> -> memref<8x128xf32, #tpu.memory_space<vmem>>
    %dma_start3A_899 = tpu.memref_slice %arg2[%add3A_885, %multiple_of3A_888] : memref<2048x32000xf32, #tpu.memory_space<hbm>> -> memref<8x128xf32, #tpu.memory_space<hbm>>
    tpu.enqueue_dma source(%dma_start3A_899 : memref<8x128xf32, #tpu.memory_space<hbm>>) target(%dma_start3A_898 : memref<8x128xf32, #tpu.memory_space<vmem>>) target_semaphore(%arg8 : memref<!tpu.dma_semaphore, #tpu.memory_space<semaphore_mem>>)
    %add3A_900 = arith.constant 48 : i32
    %add3A_901 = arith.addi %mul3A_2, %add3A_900 : i32
    %slice3A_902 = vector.extract_strided_slice %sub3A_787 {offsets = [7], sizes = [1], strides = [1]} : vector<16xi32> to vector<1xi32>
    %squeeze3A_903 = vector.extract %slice3A_902[0] : i32 from vector<1xi32>
    %multiple_of3A_904 = tpu.assume_multiple %squeeze3A_903, 128 : i32
    %dma_start3A_905 = arith.constant 55 : i32
    %dma_start3A_906 = arith.constant 0 : i32
    %dma_start3A_907 = arith.constant 0 : i32
    %dma_start3A_908 = tpu.memref_slice %arg6[%dma_start3A_905, %dma_start3A_906, %dma_start3A_907] : memref<64x8x128xf32, #tpu.memory_space<vmem>> -> memref<1x8x128xf32, #tpu.memory_space<vmem>>
    %dma_start3A_909 = tpu.memref_squeeze %dma_start3A_908 : memref<1x8x128xf32, #tpu.memory_space<vmem>> -> memref<8x128xf32, #tpu.memory_space<vmem>>
    %dma_start3A_910 = tpu.memref_slice %arg2[%add3A_901, %multiple_of3A_904] : memref<2048x32000xf32, #tpu.memory_space<hbm>> -> memref<8x128xf32, #tpu.memory_space<hbm>>
    %dma_start3A_911 = arith.constant 0 : i32
    %dma_start3A_912 = arith.constant 0 : i32
    %dma_start3A_913 = tpu.memref_slice %arg6[%dma_start3A_905, %dma_start3A_911, %dma_start3A_912] : memref<64x8x128xf32, #tpu.memory_space<vmem>> -> memref<1x8x128xf32, #tpu.memory_space<vmem>>
    %dma_start3A_914 = tpu.memref_squeeze %dma_start3A_913 : memref<1x8x128xf32, #tpu.memory_space<vmem>> -> memref<8x128xf32, #tpu.memory_space<vmem>>
    %dma_start3A_915 = tpu.memref_slice %arg2[%add3A_901, %multiple_of3A_904] : memref<2048x32000xf32, #tpu.memory_space<hbm>> -> memref<8x128xf32, #tpu.memory_space<hbm>>
    tpu.enqueue_dma source(%dma_start3A_915 : memref<8x128xf32, #tpu.memory_space<hbm>>) target(%dma_start3A_914 : memref<8x128xf32, #tpu.memory_space<vmem>>) target_semaphore(%arg8 : memref<!tpu.dma_semaphore, #tpu.memory_space<semaphore_mem>>)
    %add3A_916 = arith.constant 56 : i32
    %add3A_917 = arith.addi %mul3A_2, %add3A_916 : i32
    %slice3A_918 = vector.extract_strided_slice %sub3A_787 {offsets = [8], sizes = [1], strides = [1]} : vector<16xi32> to vector<1xi32>
    %squeeze3A_919 = vector.extract %slice3A_918[0] : i32 from vector<1xi32>
    %multiple_of3A_920 = tpu.assume_multiple %squeeze3A_919, 128 : i32
    %dma_start3A_921 = arith.constant 56 : i32
    %dma_start3A_922 = arith.constant 0 : i32
    %dma_start3A_923 = arith.constant 0 : i32
    %dma_start3A_924 = tpu.memref_slice %arg6[%dma_start3A_921, %dma_start3A_922, %dma_start3A_923] : memref<64x8x128xf32, #tpu.memory_space<vmem>> -> memref<1x8x128xf32, #tpu.memory_space<vmem>>
    %dma_start3A_925 = tpu.memref_squeeze %dma_start3A_924 : memref<1x8x128xf32, #tpu.memory_space<vmem>> -> memref<8x128xf32, #tpu.memory_space<vmem>>
    %dma_start3A_926 = tpu.memref_slice %arg2[%add3A_917, %multiple_of3A_920] : memref<2048x32000xf32, #tpu.memory_space<hbm>> -> memref<8x128xf32, #tpu.memory_space<hbm>>
    %dma_start3A_927 = arith.constant 0 : i32
    %dma_start3A_928 = arith.constant 0 : i32
    %dma_start3A_929 = tpu.memref_slice %arg6[%dma_start3A_921, %dma_start3A_927, %dma_start3A_928] : memref<64x8x128xf32, #tpu.memory_space<vmem>> -> memref<1x8x128xf32, #tpu.memory_space<vmem>>
    %dma_start3A_930 = tpu.memref_squeeze %dma_start3A_929 : memref<1x8x128xf32, #tpu.memory_space<vmem>> -> memref<8x128xf32, #tpu.memory_space<vmem>>
    %dma_start3A_931 = tpu.memref_slice %arg2[%add3A_917, %multiple_of3A_920] : memref<2048x32000xf32, #tpu.memory_space<hbm>> -> memref<8x128xf32, #tpu.memory_space<hbm>>
    tpu.enqueue_dma source(%dma_start3A_931 : memref<8x128xf32, #tpu.memory_space<hbm>>) target(%dma_start3A_930 : memref<8x128xf32, #tpu.memory_space<vmem>>) target_semaphore(%arg8 : memref<!tpu.dma_semaphore, #tpu.memory_space<semaphore_mem>>)
    %add3A_932 = arith.constant 56 : i32
    %add3A_933 = arith.addi %mul3A_2, %add3A_932 : i32
    %slice3A_934 = vector.extract_strided_slice %sub3A_787 {offsets = [9], sizes = [1], strides = [1]} : vector<16xi32> to vector<1xi32>
    %squeeze3A_935 = vector.extract %slice3A_934[0] : i32 from vector<1xi32>
    %multiple_of3A_936 = tpu.assume_multiple %squeeze3A_935, 128 : i32
    %dma_start3A_937 = arith.constant 57 : i32
    %dma_start3A_938 = arith.constant 0 : i32
    %dma_start3A_939 = arith.constant 0 : i32
    %dma_start3A_940 = tpu.memref_slice %arg6[%dma_start3A_937, %dma_start3A_938, %dma_start3A_939] : memref<64x8x128xf32, #tpu.memory_space<vmem>> -> memref<1x8x128xf32, #tpu.memory_space<vmem>>
    %dma_start3A_941 = tpu.memref_squeeze %dma_start3A_940 : memref<1x8x128xf32, #tpu.memory_space<vmem>> -> memref<8x128xf32, #tpu.memory_space<vmem>>
    %dma_start3A_942 = tpu.memref_slice %arg2[%add3A_933, %multiple_of3A_936] : memref<2048x32000xf32, #tpu.memory_space<hbm>> -> memref<8x128xf32, #tpu.memory_space<hbm>>
    %dma_start3A_943 = arith.constant 0 : i32
    %dma_start3A_944 = arith.constant 0 : i32
    %dma_start3A_945 = tpu.memref_slice %arg6[%dma_start3A_937, %dma_start3A_943, %dma_start3A_944] : memref<64x8x128xf32, #tpu.memory_space<vmem>> -> memref<1x8x128xf32, #tpu.memory_space<vmem>>
    %dma_start3A_946 = tpu.memref_squeeze %dma_start3A_945 : memref<1x8x128xf32, #tpu.memory_space<vmem>> -> memref<8x128xf32, #tpu.memory_space<vmem>>
    %dma_start3A_947 = tpu.memref_slice %arg2[%add3A_933, %multiple_of3A_936] : memref<2048x32000xf32, #tpu.memory_space<hbm>> -> memref<8x128xf32, #tpu.memory_space<hbm>>
    tpu.enqueue_dma source(%dma_start3A_947 : memref<8x128xf32, #tpu.memory_space<hbm>>) target(%dma_start3A_946 : memref<8x128xf32, #tpu.memory_space<vmem>>) target_semaphore(%arg8 : memref<!tpu.dma_semaphore, #tpu.memory_space<semaphore_mem>>)
    %add3A_948 = arith.constant 56 : i32
    %add3A_949 = arith.addi %mul3A_2, %add3A_948 : i32
    %slice3A_950 = vector.extract_strided_slice %sub3A_787 {offsets = [10], sizes = [1], strides = [1]} : vector<16xi32> to vector<1xi32>
    %squeeze3A_951 = vector.extract %slice3A_950[0] : i32 from vector<1xi32>
    %multiple_of3A_952 = tpu.assume_multiple %squeeze3A_951, 128 : i32
    %dma_start3A_953 = arith.constant 58 : i32
    %dma_start3A_954 = arith.constant 0 : i32
    %dma_start3A_955 = arith.constant 0 : i32
    %dma_start3A_956 = tpu.memref_slice %arg6[%dma_start3A_953, %dma_start3A_954, %dma_start3A_955] : memref<64x8x128xf32, #tpu.memory_space<vmem>> -> memref<1x8x128xf32, #tpu.memory_space<vmem>>
    %dma_start3A_957 = tpu.memref_squeeze %dma_start3A_956 : memref<1x8x128xf32, #tpu.memory_space<vmem>> -> memref<8x128xf32, #tpu.memory_space<vmem>>
    %dma_start3A_958 = tpu.memref_slice %arg2[%add3A_949, %multiple_of3A_952] : memref<2048x32000xf32, #tpu.memory_space<hbm>> -> memref<8x128xf32, #tpu.memory_space<hbm>>
    %dma_start3A_959 = arith.constant 0 : i32
    %dma_start3A_960 = arith.constant 0 : i32
    %dma_start3A_961 = tpu.memref_slice %arg6[%dma_start3A_953, %dma_start3A_959, %dma_start3A_960] : memref<64x8x128xf32, #tpu.memory_space<vmem>> -> memref<1x8x128xf32, #tpu.memory_space<vmem>>
    %dma_start3A_962 = tpu.memref_squeeze %dma_start3A_961 : memref<1x8x128xf32, #tpu.memory_space<vmem>> -> memref<8x128xf32, #tpu.memory_space<vmem>>
    %dma_start3A_963 = tpu.memref_slice %arg2[%add3A_949, %multiple_of3A_952] : memref<2048x32000xf32, #tpu.memory_space<hbm>> -> memref<8x128xf32, #tpu.memory_space<hbm>>
    tpu.enqueue_dma source(%dma_start3A_963 : memref<8x128xf32, #tpu.memory_space<hbm>>) target(%dma_start3A_962 : memref<8x128xf32, #tpu.memory_space<vmem>>) target_semaphore(%arg8 : memref<!tpu.dma_semaphore, #tpu.memory_space<semaphore_mem>>)
    %add3A_964 = arith.constant 56 : i32
    %add3A_965 = arith.addi %mul3A_2, %add3A_964 : i32
    %slice3A_966 = vector.extract_strided_slice %sub3A_787 {offsets = [11], sizes = [1], strides = [1]} : vector<16xi32> to vector<1xi32>
    %squeeze3A_967 = vector.extract %slice3A_966[0] : i32 from vector<1xi32>
    %multiple_of3A_968 = tpu.assume_multiple %squeeze3A_967, 128 : i32
    %dma_start3A_969 = arith.constant 59 : i32
    %dma_start3A_970 = arith.constant 0 : i32
    %dma_start3A_971 = arith.constant 0 : i32
    %dma_start3A_972 = tpu.memref_slice %arg6[%dma_start3A_969, %dma_start3A_970, %dma_start3A_971] : memref<64x8x128xf32, #tpu.memory_space<vmem>> -> memref<1x8x128xf32, #tpu.memory_space<vmem>>
    %dma_start3A_973 = tpu.memref_squeeze %dma_start3A_972 : memref<1x8x128xf32, #tpu.memory_space<vmem>> -> memref<8x128xf32, #tpu.memory_space<vmem>>
    %dma_start3A_974 = tpu.memref_slice %arg2[%add3A_965, %multiple_of3A_968] : memref<2048x32000xf32, #tpu.memory_space<hbm>> -> memref<8x128xf32, #tpu.memory_space<hbm>>
    %dma_start3A_975 = arith.constant 0 : i32
    %dma_start3A_976 = arith.constant 0 : i32
    %dma_start3A_977 = tpu.memref_slice %arg6[%dma_start3A_969, %dma_start3A_975, %dma_start3A_976] : memref<64x8x128xf32, #tpu.memory_space<vmem>> -> memref<1x8x128xf32, #tpu.memory_space<vmem>>
    %dma_start3A_978 = tpu.memref_squeeze %dma_start3A_977 : memref<1x8x128xf32, #tpu.memory_space<vmem>> -> memref<8x128xf32, #tpu.memory_space<vmem>>
    %dma_start3A_979 = tpu.memref_slice %arg2[%add3A_965, %multiple_of3A_968] : memref<2048x32000xf32, #tpu.memory_space<hbm>> -> memref<8x128xf32, #tpu.memory_space<hbm>>
    tpu.enqueue_dma source(%dma_start3A_979 : memref<8x128xf32, #tpu.memory_space<hbm>>) target(%dma_start3A_978 : memref<8x128xf32, #tpu.memory_space<vmem>>) target_semaphore(%arg8 : memref<!tpu.dma_semaphore, #tpu.memory_space<semaphore_mem>>)
    %add3A_980 = arith.constant 56 : i32
    %add3A_981 = arith.addi %mul3A_2, %add3A_980 : i32
    %slice3A_982 = vector.extract_strided_slice %sub3A_787 {offsets = [12], sizes = [1], strides = [1]} : vector<16xi32> to vector<1xi32>
    %squeeze3A_983 = vector.extract %slice3A_982[0] : i32 from vector<1xi32>
    %multiple_of3A_984 = tpu.assume_multiple %squeeze3A_983, 128 : i32
    %dma_start3A_985 = arith.constant 60 : i32
    %dma_start3A_986 = arith.constant 0 : i32
    %dma_start3A_987 = arith.constant 0 : i32
    %dma_start3A_988 = tpu.memref_slice %arg6[%dma_start3A_985, %dma_start3A_986, %dma_start3A_987] : memref<64x8x128xf32, #tpu.memory_space<vmem>> -> memref<1x8x128xf32, #tpu.memory_space<vmem>>
    %dma_start3A_989 = tpu.memref_squeeze %dma_start3A_988 : memref<1x8x128xf32, #tpu.memory_space<vmem>> -> memref<8x128xf32, #tpu.memory_space<vmem>>
    %dma_start3A_990 = tpu.memref_slice %arg2[%add3A_981, %multiple_of3A_984] : memref<2048x32000xf32, #tpu.memory_space<hbm>> -> memref<8x128xf32, #tpu.memory_space<hbm>>
    %dma_start3A_991 = arith.constant 0 : i32
    %dma_start3A_992 = arith.constant 0 : i32
    %dma_start3A_993 = tpu.memref_slice %arg6[%dma_start3A_985, %dma_start3A_991, %dma_start3A_992] : memref<64x8x128xf32, #tpu.memory_space<vmem>> -> memref<1x8x128xf32, #tpu.memory_space<vmem>>
    %dma_start3A_994 = tpu.memref_squeeze %dma_start3A_993 : memref<1x8x128xf32, #tpu.memory_space<vmem>> -> memref<8x128xf32, #tpu.memory_space<vmem>>
    %dma_start3A_995 = tpu.memref_slice %arg2[%add3A_981, %multiple_of3A_984] : memref<2048x32000xf32, #tpu.memory_space<hbm>> -> memref<8x128xf32, #tpu.memory_space<hbm>>
    tpu.enqueue_dma source(%dma_start3A_995 : memref<8x128xf32, #tpu.memory_space<hbm>>) target(%dma_start3A_994 : memref<8x128xf32, #tpu.memory_space<vmem>>) target_semaphore(%arg8 : memref<!tpu.dma_semaphore, #tpu.memory_space<semaphore_mem>>)
    %add3A_996 = arith.constant 56 : i32
    %add3A_997 = arith.addi %mul3A_2, %add3A_996 : i32
    %slice3A_998 = vector.extract_strided_slice %sub3A_787 {offsets = [13], sizes = [1], strides = [1]} : vector<16xi32> to vector<1xi32>
    %squeeze3A_999 = vector.extract %slice3A_998[0] : i32 from vector<1xi32>
    %multiple_of3A_1000 = tpu.assume_multiple %squeeze3A_999, 128 : i32
    %dma_start3A_1001 = arith.constant 61 : i32
    %dma_start3A_1002 = arith.constant 0 : i32
    %dma_start3A_1003 = arith.constant 0 : i32
    %dma_start3A_1004 = tpu.memref_slice %arg6[%dma_start3A_1001, %dma_start3A_1002, %dma_start3A_1003] : memref<64x8x128xf32, #tpu.memory_space<vmem>> -> memref<1x8x128xf32, #tpu.memory_space<vmem>>
    %dma_start3A_1005 = tpu.memref_squeeze %dma_start3A_1004 : memref<1x8x128xf32, #tpu.memory_space<vmem>> -> memref<8x128xf32, #tpu.memory_space<vmem>>
    %dma_start3A_1006 = tpu.memref_slice %arg2[%add3A_997, %multiple_of3A_1000] : memref<2048x32000xf32, #tpu.memory_space<hbm>> -> memref<8x128xf32, #tpu.memory_space<hbm>>
    %dma_start3A_1007 = arith.constant 0 : i32
    %dma_start3A_1008 = arith.constant 0 : i32
    %dma_start3A_1009 = tpu.memref_slice %arg6[%dma_start3A_1001, %dma_start3A_1007, %dma_start3A_1008] : memref<64x8x128xf32, #tpu.memory_space<vmem>> -> memref<1x8x128xf32, #tpu.memory_space<vmem>>
    %dma_start3A_1010 = tpu.memref_squeeze %dma_start3A_1009 : memref<1x8x128xf32, #tpu.memory_space<vmem>> -> memref<8x128xf32, #tpu.memory_space<vmem>>
    %dma_start3A_1011 = tpu.memref_slice %arg2[%add3A_997, %multiple_of3A_1000] : memref<2048x32000xf32, #tpu.memory_space<hbm>> -> memref<8x128xf32, #tpu.memory_space<hbm>>
    tpu.enqueue_dma source(%dma_start3A_1011 : memref<8x128xf32, #tpu.memory_space<hbm>>) target(%dma_start3A_1010 : memref<8x128xf32, #tpu.memory_space<vmem>>) target_semaphore(%arg8 : memref<!tpu.dma_semaphore, #tpu.memory_space<semaphore_mem>>)
    %add3A_1012 = arith.constant 56 : i32
    %add3A_1013 = arith.addi %mul3A_2, %add3A_1012 : i32
    %slice3A_1014 = vector.extract_strided_slice %sub3A_787 {offsets = [14], sizes = [1], strides = [1]} : vector<16xi32> to vector<1xi32>
    %squeeze3A_1015 = vector.extract %slice3A_1014[0] : i32 from vector<1xi32>
    %multiple_of3A_1016 = tpu.assume_multiple %squeeze3A_1015, 128 : i32
    %dma_start3A_1017 = arith.constant 62 : i32
    %dma_start3A_1018 = arith.constant 0 : i32
    %dma_start3A_1019 = arith.constant 0 : i32
    %dma_start3A_1020 = tpu.memref_slice %arg6[%dma_start3A_1017, %dma_start3A_1018, %dma_start3A_1019] : memref<64x8x128xf32, #tpu.memory_space<vmem>> -> memref<1x8x128xf32, #tpu.memory_space<vmem>>
    %dma_start3A_1021 = tpu.memref_squeeze %dma_start3A_1020 : memref<1x8x128xf32, #tpu.memory_space<vmem>> -> memref<8x128xf32, #tpu.memory_space<vmem>>
    %dma_start3A_1022 = tpu.memref_slice %arg2[%add3A_1013, %multiple_of3A_1016] : memref<2048x32000xf32, #tpu.memory_space<hbm>> -> memref<8x128xf32, #tpu.memory_space<hbm>>
    %dma_start3A_1023 = arith.constant 0 : i32
    %dma_start3A_1024 = arith.constant 0 : i32
    %dma_start3A_1025 = tpu.memref_slice %arg6[%dma_start3A_1017, %dma_start3A_1023, %dma_start3A_1024] : memref<64x8x128xf32, #tpu.memory_space<vmem>> -> memref<1x8x128xf32, #tpu.memory_space<vmem>>
    %dma_start3A_1026 = tpu.memref_squeeze %dma_start3A_1025 : memref<1x8x128xf32, #tpu.memory_space<vmem>> -> memref<8x128xf32, #tpu.memory_space<vmem>>
    %dma_start3A_1027 = tpu.memref_slice %arg2[%add3A_1013, %multiple_of3A_1016] : memref<2048x32000xf32, #tpu.memory_space<hbm>> -> memref<8x128xf32, #tpu.memory_space<hbm>>
    tpu.enqueue_dma source(%dma_start3A_1027 : memref<8x128xf32, #tpu.memory_space<hbm>>) target(%dma_start3A_1026 : memref<8x128xf32, #tpu.memory_space<vmem>>) target_semaphore(%arg8 : memref<!tpu.dma_semaphore, #tpu.memory_space<semaphore_mem>>)
    %add3A_1028 = arith.constant 56 : i32
    %add3A_1029 = arith.addi %mul3A_2, %add3A_1028 : i32
    %slice3A_1030 = vector.extract_strided_slice %sub3A_787 {offsets = [15], sizes = [1], strides = [1]} : vector<16xi32> to vector<1xi32>
    %squeeze3A_1031 = vector.extract %slice3A_1030[0] : i32 from vector<1xi32>
    %multiple_of3A_1032 = tpu.assume_multiple %squeeze3A_1031, 128 : i32
    %dma_start3A_1033 = arith.constant 63 : i32
    %dma_start3A_1034 = arith.constant 0 : i32
    %dma_start3A_1035 = arith.constant 0 : i32
    %dma_start3A_1036 = tpu.memref_slice %arg6[%dma_start3A_1033, %dma_start3A_1034, %dma_start3A_1035] : memref<64x8x128xf32, #tpu.memory_space<vmem>> -> memref<1x8x128xf32, #tpu.memory_space<vmem>>
    %dma_start3A_1037 = tpu.memref_squeeze %dma_start3A_1036 : memref<1x8x128xf32, #tpu.memory_space<vmem>> -> memref<8x128xf32, #tpu.memory_space<vmem>>
    %dma_start3A_1038 = tpu.memref_slice %arg2[%add3A_1029, %multiple_of3A_1032] : memref<2048x32000xf32, #tpu.memory_space<hbm>> -> memref<8x128xf32, #tpu.memory_space<hbm>>
    %dma_start3A_1039 = arith.constant 0 : i32
    %dma_start3A_1040 = arith.constant 0 : i32
    %dma_start3A_1041 = tpu.memref_slice %arg6[%dma_start3A_1033, %dma_start3A_1039, %dma_start3A_1040] : memref<64x8x128xf32, #tpu.memory_space<vmem>> -> memref<1x8x128xf32, #tpu.memory_space<vmem>>
    %dma_start3A_1042 = tpu.memref_squeeze %dma_start3A_1041 : memref<1x8x128xf32, #tpu.memory_space<vmem>> -> memref<8x128xf32, #tpu.memory_space<vmem>>
    %dma_start3A_1043 = tpu.memref_slice %arg2[%add3A_1029, %multiple_of3A_1032] : memref<2048x32000xf32, #tpu.memory_space<hbm>> -> memref<8x128xf32, #tpu.memory_space<hbm>>
    tpu.enqueue_dma source(%dma_start3A_1043 : memref<8x128xf32, #tpu.memory_space<hbm>>) target(%dma_start3A_1042 : memref<8x128xf32, #tpu.memory_space<vmem>>) target_semaphore(%arg8 : memref<!tpu.dma_semaphore, #tpu.memory_space<semaphore_mem>>)
    %dma_wait3A = arith.constant 0 : i32
    %dma_wait3A_1044 = arith.constant 0 : i32
    %dma_wait3A_1045 = arith.constant 0 : i32
    %dma_wait3A_1046 = tpu.memref_slice %arg6[%dma_wait3A, %dma_wait3A_1044, %dma_wait3A_1045] : memref<64x8x128xf32, #tpu.memory_space<vmem>> -> memref<1x8x128xf32, #tpu.memory_space<vmem>>
    %dma_wait3A_1047 = tpu.memref_squeeze %dma_wait3A_1046 : memref<1x8x128xf32, #tpu.memory_space<vmem>> -> memref<8x128xf32, #tpu.memory_space<vmem>>
    %dma_wait3A_1048 = arith.constant 0 : i32
    %dma_wait3A_1049 = arith.constant 0 : i32
    %dma_wait3A_1050 = tpu.memref_slice %arg2[%dma_wait3A_1048, %dma_wait3A_1049] : memref<2048x32000xf32, #tpu.memory_space<hbm>> -> memref<8x128xf32, #tpu.memory_space<hbm>>
    %dma_wait3A_1051 = arith.constant 0 : i32
    %dma_wait3A_1052 = arith.constant 0 : i32
    %dma_wait3A_1053 = tpu.memref_slice %arg6[%dma_wait3A, %dma_wait3A_1051, %dma_wait3A_1052] : memref<64x8x128xf32, #tpu.memory_space<vmem>> -> memref<1x8x128xf32, #tpu.memory_space<vmem>>
    %dma_wait3A_1054 = tpu.memref_squeeze %dma_wait3A_1053 : memref<1x8x128xf32, #tpu.memory_space<vmem>> -> memref<8x128xf32, #tpu.memory_space<vmem>>
    %dma_wait3A_1055 = arith.constant 0 : i32
    %dma_wait3A_1056 = arith.constant 0 : i32
    %dma_wait3A_1057 = tpu.memref_slice %arg2[%dma_wait3A_1055, %dma_wait3A_1056] : memref<2048x32000xf32, #tpu.memory_space<hbm>> -> memref<8x128xf32, #tpu.memory_space<hbm>>
    tpu.wait_dma2 semaphore(%arg8 : memref<!tpu.dma_semaphore, #tpu.memory_space<semaphore_mem>>) src(%dma_wait3A_1057 : memref<8x128xf32, #tpu.memory_space<hbm>>) dst(%dma_wait3A_1054 : memref<8x128xf32, #tpu.memory_space<vmem>>)
    %dma_wait3A_1058 = arith.constant 1 : i32
    %dma_wait3A_1059 = arith.constant 0 : i32
    %dma_wait3A_1060 = arith.constant 0 : i32
    %dma_wait3A_1061 = tpu.memref_slice %arg6[%dma_wait3A_1058, %dma_wait3A_1059, %dma_wait3A_1060] : memref<64x8x128xf32, #tpu.memory_space<vmem>> -> memref<1x8x128xf32, #tpu.memory_space<vmem>>
    %dma_wait3A_1062 = tpu.memref_squeeze %dma_wait3A_1061 : memref<1x8x128xf32, #tpu.memory_space<vmem>> -> memref<8x128xf32, #tpu.memory_space<vmem>>
    %dma_wait3A_1063 = arith.constant 0 : i32
    %dma_wait3A_1064 = arith.constant 0 : i32
    %dma_wait3A_1065 = tpu.memref_slice %arg2[%dma_wait3A_1063, %dma_wait3A_1064] : memref<2048x32000xf32, #tpu.memory_space<hbm>> -> memref<8x128xf32, #tpu.memory_space<hbm>>
    %dma_wait3A_1066 = arith.constant 0 : i32
    %dma_wait3A_1067 = arith.constant 0 : i32
    %dma_wait3A_1068 = tpu.memref_slice %arg6[%dma_wait3A_1058, %dma_wait3A_1066, %dma_wait3A_1067] : memref<64x8x128xf32, #tpu.memory_space<vmem>> -> memref<1x8x128xf32, #tpu.memory_space<vmem>>
    %dma_wait3A_1069 = tpu.memref_squeeze %dma_wait3A_1068 : memref<1x8x128xf32, #tpu.memory_space<vmem>> -> memref<8x128xf32, #tpu.memory_space<vmem>>
    %dma_wait3A_1070 = arith.constant 0 : i32
    %dma_wait3A_1071 = arith.constant 0 : i32
    %dma_wait3A_1072 = tpu.memref_slice %arg2[%dma_wait3A_1070, %dma_wait3A_1071] : memref<2048x32000xf32, #tpu.memory_space<hbm>> -> memref<8x128xf32, #tpu.memory_space<hbm>>
    tpu.wait_dma2 semaphore(%arg8 : memref<!tpu.dma_semaphore, #tpu.memory_space<semaphore_mem>>) src(%dma_wait3A_1072 : memref<8x128xf32, #tpu.memory_space<hbm>>) dst(%dma_wait3A_1069 : memref<8x128xf32, #tpu.memory_space<vmem>>)
    %dma_wait3A_1073 = arith.constant 2 : i32
    %dma_wait3A_1074 = arith.constant 0 : i32
    %dma_wait3A_1075 = arith.constant 0 : i32
    %dma_wait3A_1076 = tpu.memref_slice %arg6[%dma_wait3A_1073, %dma_wait3A_1074, %dma_wait3A_1075] : memref<64x8x128xf32, #tpu.memory_space<vmem>> -> memref<1x8x128xf32, #tpu.memory_space<vmem>>
    %dma_wait3A_1077 = tpu.memref_squeeze %dma_wait3A_1076 : memref<1x8x128xf32, #tpu.memory_space<vmem>> -> memref<8x128xf32, #tpu.memory_space<vmem>>
    %dma_wait3A_1078 = arith.constant 0 : i32
    %dma_wait3A_1079 = arith.constant 0 : i32
    %dma_wait3A_1080 = tpu.memref_slice %arg2[%dma_wait3A_1078, %dma_wait3A_1079] : memref<2048x32000xf32, #tpu.memory_space<hbm>> -> memref<8x128xf32, #tpu.memory_space<hbm>>
    %dma_wait3A_1081 = arith.constant 0 : i32
    %dma_wait3A_1082 = arith.constant 0 : i32
    %dma_wait3A_1083 = tpu.memref_slice %arg6[%dma_wait3A_1073, %dma_wait3A_1081, %dma_wait3A_1082] : memref<64x8x128xf32, #tpu.memory_space<vmem>> -> memref<1x8x128xf32, #tpu.memory_space<vmem>>
    %dma_wait3A_1084 = tpu.memref_squeeze %dma_wait3A_1083 : memref<1x8x128xf32, #tpu.memory_space<vmem>> -> memref<8x128xf32, #tpu.memory_space<vmem>>
    %dma_wait3A_1085 = arith.constant 0 : i32
    %dma_wait3A_1086 = arith.constant 0 : i32
    %dma_wait3A_1087 = tpu.memref_slice %arg2[%dma_wait3A_1085, %dma_wait3A_1086] : memref<2048x32000xf32, #tpu.memory_space<hbm>> -> memref<8x128xf32, #tpu.memory_space<hbm>>
    tpu.wait_dma2 semaphore(%arg8 : memref<!tpu.dma_semaphore, #tpu.memory_space<semaphore_mem>>) src(%dma_wait3A_1087 : memref<8x128xf32, #tpu.memory_space<hbm>>) dst(%dma_wait3A_1084 : memref<8x128xf32, #tpu.memory_space<vmem>>)
    %dma_wait3A_1088 = arith.constant 3 : i32
    %dma_wait3A_1089 = arith.constant 0 : i32
    %dma_wait3A_1090 = arith.constant 0 : i32
    %dma_wait3A_1091 = tpu.memref_slice %arg6[%dma_wait3A_1088, %dma_wait3A_1089, %dma_wait3A_1090] : memref<64x8x128xf32, #tpu.memory_space<vmem>> -> memref<1x8x128xf32, #tpu.memory_space<vmem>>
    %dma_wait3A_1092 = tpu.memref_squeeze %dma_wait3A_1091 : memref<1x8x128xf32, #tpu.memory_space<vmem>> -> memref<8x128xf32, #tpu.memory_space<vmem>>
    %dma_wait3A_1093 = arith.constant 0 : i32
    %dma_wait3A_1094 = arith.constant 0 : i32
    %dma_wait3A_1095 = tpu.memref_slice %arg2[%dma_wait3A_1093, %dma_wait3A_1094] : memref<2048x32000xf32, #tpu.memory_space<hbm>> -> memref<8x128xf32, #tpu.memory_space<hbm>>
    %dma_wait3A_1096 = arith.constant 0 : i32
    %dma_wait3A_1097 = arith.constant 0 : i32
    %dma_wait3A_1098 = tpu.memref_slice %arg6[%dma_wait3A_1088, %dma_wait3A_1096, %dma_wait3A_1097] : memref<64x8x128xf32, #tpu.memory_space<vmem>> -> memref<1x8x128xf32, #tpu.memory_space<vmem>>
    %dma_wait3A_1099 = tpu.memref_squeeze %dma_wait3A_1098 : memref<1x8x128xf32, #tpu.memory_space<vmem>> -> memref<8x128xf32, #tpu.memory_space<vmem>>
    %dma_wait3A_1100 = arith.constant 0 : i32
    %dma_wait3A_1101 = arith.constant 0 : i32
    %dma_wait3A_1102 = tpu.memref_slice %arg2[%dma_wait3A_1100, %dma_wait3A_1101] : memref<2048x32000xf32, #tpu.memory_space<hbm>> -> memref<8x128xf32, #tpu.memory_space<hbm>>
    tpu.wait_dma2 semaphore(%arg8 : memref<!tpu.dma_semaphore, #tpu.memory_space<semaphore_mem>>) src(%dma_wait3A_1102 : memref<8x128xf32, #tpu.memory_space<hbm>>) dst(%dma_wait3A_1099 : memref<8x128xf32, #tpu.memory_space<vmem>>)
    %dma_wait3A_1103 = arith.constant 4 : i32
    %dma_wait3A_1104 = arith.constant 0 : i32
    %dma_wait3A_1105 = arith.constant 0 : i32
    %dma_wait3A_1106 = tpu.memref_slice %arg6[%dma_wait3A_1103, %dma_wait3A_1104, %dma_wait3A_1105] : memref<64x8x128xf32, #tpu.memory_space<vmem>> -> memref<1x8x128xf32, #tpu.memory_space<vmem>>
    %dma_wait3A_1107 = tpu.memref_squeeze %dma_wait3A_1106 : memref<1x8x128xf32, #tpu.memory_space<vmem>> -> memref<8x128xf32, #tpu.memory_space<vmem>>
    %dma_wait3A_1108 = arith.constant 0 : i32
    %dma_wait3A_1109 = arith.constant 0 : i32
    %dma_wait3A_1110 = tpu.memref_slice %arg2[%dma_wait3A_1108, %dma_wait3A_1109] : memref<2048x32000xf32, #tpu.memory_space<hbm>> -> memref<8x128xf32, #tpu.memory_space<hbm>>
    %dma_wait3A_1111 = arith.constant 0 : i32
    %dma_wait3A_1112 = arith.constant 0 : i32
    %dma_wait3A_1113 = tpu.memref_slice %arg6[%dma_wait3A_1103, %dma_wait3A_1111, %dma_wait3A_1112] : memref<64x8x128xf32, #tpu.memory_space<vmem>> -> memref<1x8x128xf32, #tpu.memory_space<vmem>>
    %dma_wait3A_1114 = tpu.memref_squeeze %dma_wait3A_1113 : memref<1x8x128xf32, #tpu.memory_space<vmem>> -> memref<8x128xf32, #tpu.memory_space<vmem>>
    %dma_wait3A_1115 = arith.constant 0 : i32
    %dma_wait3A_1116 = arith.constant 0 : i32
    %dma_wait3A_1117 = tpu.memref_slice %arg2[%dma_wait3A_1115, %dma_wait3A_1116] : memref<2048x32000xf32, #tpu.memory_space<hbm>> -> memref<8x128xf32, #tpu.memory_space<hbm>>
    tpu.wait_dma2 semaphore(%arg8 : memref<!tpu.dma_semaphore, #tpu.memory_space<semaphore_mem>>) src(%dma_wait3A_1117 : memref<8x128xf32, #tpu.memory_space<hbm>>) dst(%dma_wait3A_1114 : memref<8x128xf32, #tpu.memory_space<vmem>>)
    %dma_wait3A_1118 = arith.constant 5 : i32
    %dma_wait3A_1119 = arith.constant 0 : i32
    %dma_wait3A_1120 = arith.constant 0 : i32
    %dma_wait3A_1121 = tpu.memref_slice %arg6[%dma_wait3A_1118, %dma_wait3A_1119, %dma_wait3A_1120] : memref<64x8x128xf32, #tpu.memory_space<vmem>> -> memref<1x8x128xf32, #tpu.memory_space<vmem>>
    %dma_wait3A_1122 = tpu.memref_squeeze %dma_wait3A_1121 : memref<1x8x128xf32, #tpu.memory_space<vmem>> -> memref<8x128xf32, #tpu.memory_space<vmem>>
    %dma_wait3A_1123 = arith.constant 0 : i32
    %dma_wait3A_1124 = arith.constant 0 : i32
    %dma_wait3A_1125 = tpu.memref_slice %arg2[%dma_wait3A_1123, %dma_wait3A_1124] : memref<2048x32000xf32, #tpu.memory_space<hbm>> -> memref<8x128xf32, #tpu.memory_space<hbm>>
    %dma_wait3A_1126 = arith.constant 0 : i32
    %dma_wait3A_1127 = arith.constant 0 : i32
    %dma_wait3A_1128 = tpu.memref_slice %arg6[%dma_wait3A_1118, %dma_wait3A_1126, %dma_wait3A_1127] : memref<64x8x128xf32, #tpu.memory_space<vmem>> -> memref<1x8x128xf32, #tpu.memory_space<vmem>>
    %dma_wait3A_1129 = tpu.memref_squeeze %dma_wait3A_1128 : memref<1x8x128xf32, #tpu.memory_space<vmem>> -> memref<8x128xf32, #tpu.memory_space<vmem>>
    %dma_wait3A_1130 = arith.constant 0 : i32
    %dma_wait3A_1131 = arith.constant 0 : i32
    %dma_wait3A_1132 = tpu.memref_slice %arg2[%dma_wait3A_1130, %dma_wait3A_1131] : memref<2048x32000xf32, #tpu.memory_space<hbm>> -> memref<8x128xf32, #tpu.memory_space<hbm>>
    tpu.wait_dma2 semaphore(%arg8 : memref<!tpu.dma_semaphore, #tpu.memory_space<semaphore_mem>>) src(%dma_wait3A_1132 : memref<8x128xf32, #tpu.memory_space<hbm>>) dst(%dma_wait3A_1129 : memref<8x128xf32, #tpu.memory_space<vmem>>)
    %dma_wait3A_1133 = arith.constant 6 : i32
    %dma_wait3A_1134 = arith.constant 0 : i32
    %dma_wait3A_1135 = arith.constant 0 : i32
    %dma_wait3A_1136 = tpu.memref_slice %arg6[%dma_wait3A_1133, %dma_wait3A_1134, %dma_wait3A_1135] : memref<64x8x128xf32, #tpu.memory_space<vmem>> -> memref<1x8x128xf32, #tpu.memory_space<vmem>>
    %dma_wait3A_1137 = tpu.memref_squeeze %dma_wait3A_1136 : memref<1x8x128xf32, #tpu.memory_space<vmem>> -> memref<8x128xf32, #tpu.memory_space<vmem>>
    %dma_wait3A_1138 = arith.constant 0 : i32
    %dma_wait3A_1139 = arith.constant 0 : i32
    %dma_wait3A_1140 = tpu.memref_slice %arg2[%dma_wait3A_1138, %dma_wait3A_1139] : memref<2048x32000xf32, #tpu.memory_space<hbm>> -> memref<8x128xf32, #tpu.memory_space<hbm>>
    %dma_wait3A_1141 = arith.constant 0 : i32
    %dma_wait3A_1142 = arith.constant 0 : i32
    %dma_wait3A_1143 = tpu.memref_slice %arg6[%dma_wait3A_1133, %dma_wait3A_1141, %dma_wait3A_1142] : memref<64x8x128xf32, #tpu.memory_space<vmem>> -> memref<1x8x128xf32, #tpu.memory_space<vmem>>
    %dma_wait3A_1144 = tpu.memref_squeeze %dma_wait3A_1143 : memref<1x8x128xf32, #tpu.memory_space<vmem>> -> memref<8x128xf32, #tpu.memory_space<vmem>>
    %dma_wait3A_1145 = arith.constant 0 : i32
    %dma_wait3A_1146 = arith.constant 0 : i32
    %dma_wait3A_1147 = tpu.memref_slice %arg2[%dma_wait3A_1145, %dma_wait3A_1146] : memref<2048x32000xf32, #tpu.memory_space<hbm>> -> memref<8x128xf32, #tpu.memory_space<hbm>>
    tpu.wait_dma2 semaphore(%arg8 : memref<!tpu.dma_semaphore, #tpu.memory_space<semaphore_mem>>) src(%dma_wait3A_1147 : memref<8x128xf32, #tpu.memory_space<hbm>>) dst(%dma_wait3A_1144 : memref<8x128xf32, #tpu.memory_space<vmem>>)
    %dma_wait3A_1148 = arith.constant 7 : i32
    %dma_wait3A_1149 = arith.constant 0 : i32
    %dma_wait3A_1150 = arith.constant 0 : i32
    %dma_wait3A_1151 = tpu.memref_slice %arg6[%dma_wait3A_1148, %dma_wait3A_1149, %dma_wait3A_1150] : memref<64x8x128xf32, #tpu.memory_space<vmem>> -> memref<1x8x128xf32, #tpu.memory_space<vmem>>
    %dma_wait3A_1152 = tpu.memref_squeeze %dma_wait3A_1151 : memref<1x8x128xf32, #tpu.memory_space<vmem>> -> memref<8x128xf32, #tpu.memory_space<vmem>>
    %dma_wait3A_1153 = arith.constant 0 : i32
    %dma_wait3A_1154 = arith.constant 0 : i32
    %dma_wait3A_1155 = tpu.memref_slice %arg2[%dma_wait3A_1153, %dma_wait3A_1154] : memref<2048x32000xf32, #tpu.memory_space<hbm>> -> memref<8x128xf32, #tpu.memory_space<hbm>>
    %dma_wait3A_1156 = arith.constant 0 : i32
    %dma_wait3A_1157 = arith.constant 0 : i32
    %dma_wait3A_1158 = tpu.memref_slice %arg6[%dma_wait3A_1148, %dma_wait3A_1156, %dma_wait3A_1157] : memref<64x8x128xf32, #tpu.memory_space<vmem>> -> memref<1x8x128xf32, #tpu.memory_space<vmem>>
    %dma_wait3A_1159 = tpu.memref_squeeze %dma_wait3A_1158 : memref<1x8x128xf32, #tpu.memory_space<vmem>> -> memref<8x128xf32, #tpu.memory_space<vmem>>
    %dma_wait3A_1160 = arith.constant 0 : i32
    %dma_wait3A_1161 = arith.constant 0 : i32
    %dma_wait3A_1162 = tpu.memref_slice %arg2[%dma_wait3A_1160, %dma_wait3A_1161] : memref<2048x32000xf32, #tpu.memory_space<hbm>> -> memref<8x128xf32, #tpu.memory_space<hbm>>
    tpu.wait_dma2 semaphore(%arg8 : memref<!tpu.dma_semaphore, #tpu.memory_space<semaphore_mem>>) src(%dma_wait3A_1162 : memref<8x128xf32, #tpu.memory_space<hbm>>) dst(%dma_wait3A_1159 : memref<8x128xf32, #tpu.memory_space<vmem>>)
    %dma_wait3A_1163 = arith.constant 8 : i32
    %dma_wait3A_1164 = arith.constant 0 : i32
    %dma_wait3A_1165 = arith.constant 0 : i32
    %dma_wait3A_1166 = tpu.memref_slice %arg6[%dma_wait3A_1163, %dma_wait3A_1164, %dma_wait3A_1165] : memref<64x8x128xf32, #tpu.memory_space<vmem>> -> memref<1x8x128xf32, #tpu.memory_space<vmem>>
    %dma_wait3A_1167 = tpu.memref_squeeze %dma_wait3A_1166 : memref<1x8x128xf32, #tpu.memory_space<vmem>> -> memref<8x128xf32, #tpu.memory_space<vmem>>
    %dma_wait3A_1168 = arith.constant 0 : i32
    %dma_wait3A_1169 = arith.constant 0 : i32
    %dma_wait3A_1170 = tpu.memref_slice %arg2[%dma_wait3A_1168, %dma_wait3A_1169] : memref<2048x32000xf32, #tpu.memory_space<hbm>> -> memref<8x128xf32, #tpu.memory_space<hbm>>
    %dma_wait3A_1171 = arith.constant 0 : i32
    %dma_wait3A_1172 = arith.constant 0 : i32
    %dma_wait3A_1173 = tpu.memref_slice %arg6[%dma_wait3A_1163, %dma_wait3A_1171, %dma_wait3A_1172] : memref<64x8x128xf32, #tpu.memory_space<vmem>> -> memref<1x8x128xf32, #tpu.memory_space<vmem>>
    %dma_wait3A_1174 = tpu.memref_squeeze %dma_wait3A_1173 : memref<1x8x128xf32, #tpu.memory_space<vmem>> -> memref<8x128xf32, #tpu.memory_space<vmem>>
    %dma_wait3A_1175 = arith.constant 0 : i32
    %dma_wait3A_1176 = arith.constant 0 : i32
    %dma_wait3A_1177 = tpu.memref_slice %arg2[%dma_wait3A_1175, %dma_wait3A_1176] : memref<2048x32000xf32, #tpu.memory_space<hbm>> -> memref<8x128xf32, #tpu.memory_space<hbm>>
    tpu.wait_dma2 semaphore(%arg8 : memref<!tpu.dma_semaphore, #tpu.memory_space<semaphore_mem>>) src(%dma_wait3A_1177 : memref<8x128xf32, #tpu.memory_space<hbm>>) dst(%dma_wait3A_1174 : memref<8x128xf32, #tpu.memory_space<vmem>>)
    %dma_wait3A_1178 = arith.constant 9 : i32
    %dma_wait3A_1179 = arith.constant 0 : i32
    %dma_wait3A_1180 = arith.constant 0 : i32
    %dma_wait3A_1181 = tpu.memref_slice %arg6[%dma_wait3A_1178, %dma_wait3A_1179, %dma_wait3A_1180] : memref<64x8x128xf32, #tpu.memory_space<vmem>> -> memref<1x8x128xf32, #tpu.memory_space<vmem>>
    %dma_wait3A_1182 = tpu.memref_squeeze %dma_wait3A_1181 : memref<1x8x128xf32, #tpu.memory_space<vmem>> -> memref<8x128xf32, #tpu.memory_space<vmem>>
    %dma_wait3A_1183 = arith.constant 0 : i32
    %dma_wait3A_1184 = arith.constant 0 : i32
    %dma_wait3A_1185 = tpu.memref_slice %arg2[%dma_wait3A_1183, %dma_wait3A_1184] : memref<2048x32000xf32, #tpu.memory_space<hbm>> -> memref<8x128xf32, #tpu.memory_space<hbm>>
    %dma_wait3A_1186 = arith.constant 0 : i32
    %dma_wait3A_1187 = arith.constant 0 : i32
    %dma_wait3A_1188 = tpu.memref_slice %arg6[%dma_wait3A_1178, %dma_wait3A_1186, %dma_wait3A_1187] : memref<64x8x128xf32, #tpu.memory_space<vmem>> -> memref<1x8x128xf32, #tpu.memory_space<vmem>>
    %dma_wait3A_1189 = tpu.memref_squeeze %dma_wait3A_1188 : memref<1x8x128xf32, #tpu.memory_space<vmem>> -> memref<8x128xf32, #tpu.memory_space<vmem>>
    %dma_wait3A_1190 = arith.constant 0 : i32
    %dma_wait3A_1191 = arith.constant 0 : i32
    %dma_wait3A_1192 = tpu.memref_slice %arg2[%dma_wait3A_1190, %dma_wait3A_1191] : memref<2048x32000xf32, #tpu.memory_space<hbm>> -> memref<8x128xf32, #tpu.memory_space<hbm>>
    tpu.wait_dma2 semaphore(%arg8 : memref<!tpu.dma_semaphore, #tpu.memory_space<semaphore_mem>>) src(%dma_wait3A_1192 : memref<8x128xf32, #tpu.memory_space<hbm>>) dst(%dma_wait3A_1189 : memref<8x128xf32, #tpu.memory_space<vmem>>)
    %dma_wait3A_1193 = arith.constant 10 : i32
    %dma_wait3A_1194 = arith.constant 0 : i32
    %dma_wait3A_1195 = arith.constant 0 : i32
    %dma_wait3A_1196 = tpu.memref_slice %arg6[%dma_wait3A_1193, %dma_wait3A_1194, %dma_wait3A_1195] : memref<64x8x128xf32, #tpu.memory_space<vmem>> -> memref<1x8x128xf32, #tpu.memory_space<vmem>>
    %dma_wait3A_1197 = tpu.memref_squeeze %dma_wait3A_1196 : memref<1x8x128xf32, #tpu.memory_space<vmem>> -> memref<8x128xf32, #tpu.memory_space<vmem>>
    %dma_wait3A_1198 = arith.constant 0 : i32
    %dma_wait3A_1199 = arith.constant 0 : i32
    %dma_wait3A_1200 = tpu.memref_slice %arg2[%dma_wait3A_1198, %dma_wait3A_1199] : memref<2048x32000xf32, #tpu.memory_space<hbm>> -> memref<8x128xf32, #tpu.memory_space<hbm>>
    %dma_wait3A_1201 = arith.constant 0 : i32
    %dma_wait3A_1202 = arith.constant 0 : i32
    %dma_wait3A_1203 = tpu.memref_slice %arg6[%dma_wait3A_1193, %dma_wait3A_1201, %dma_wait3A_1202] : memref<64x8x128xf32, #tpu.memory_space<vmem>> -> memref<1x8x128xf32, #tpu.memory_space<vmem>>
    %dma_wait3A_1204 = tpu.memref_squeeze %dma_wait3A_1203 : memref<1x8x128xf32, #tpu.memory_space<vmem>> -> memref<8x128xf32, #tpu.memory_space<vmem>>
    %dma_wait3A_1205 = arith.constant 0 : i32
    %dma_wait3A_1206 = arith.constant 0 : i32
    %dma_wait3A_1207 = tpu.memref_slice %arg2[%dma_wait3A_1205, %dma_wait3A_1206] : memref<2048x32000xf32, #tpu.memory_space<hbm>> -> memref<8x128xf32, #tpu.memory_space<hbm>>
    tpu.wait_dma2 semaphore(%arg8 : memref<!tpu.dma_semaphore, #tpu.memory_space<semaphore_mem>>) src(%dma_wait3A_1207 : memref<8x128xf32, #tpu.memory_space<hbm>>) dst(%dma_wait3A_1204 : memref<8x128xf32, #tpu.memory_space<vmem>>)
    %dma_wait3A_1208 = arith.constant 11 : i32
    %dma_wait3A_1209 = arith.constant 0 : i32
    %dma_wait3A_1210 = arith.constant 0 : i32
    %dma_wait3A_1211 = tpu.memref_slice %arg6[%dma_wait3A_1208, %dma_wait3A_1209, %dma_wait3A_1210] : memref<64x8x128xf32, #tpu.memory_space<vmem>> -> memref<1x8x128xf32, #tpu.memory_space<vmem>>
    %dma_wait3A_1212 = tpu.memref_squeeze %dma_wait3A_1211 : memref<1x8x128xf32, #tpu.memory_space<vmem>> -> memref<8x128xf32, #tpu.memory_space<vmem>>
    %dma_wait3A_1213 = arith.constant 0 : i32
    %dma_wait3A_1214 = arith.constant 0 : i32
    %dma_wait3A_1215 = tpu.memref_slice %arg2[%dma_wait3A_1213, %dma_wait3A_1214] : memref<2048x32000xf32, #tpu.memory_space<hbm>> -> memref<8x128xf32, #tpu.memory_space<hbm>>
    %dma_wait3A_1216 = arith.constant 0 : i32
    %dma_wait3A_1217 = arith.constant 0 : i32
    %dma_wait3A_1218 = tpu.memref_slice %arg6[%dma_wait3A_1208, %dma_wait3A_1216, %dma_wait3A_1217] : memref<64x8x128xf32, #tpu.memory_space<vmem>> -> memref<1x8x128xf32, #tpu.memory_space<vmem>>
    %dma_wait3A_1219 = tpu.memref_squeeze %dma_wait3A_1218 : memref<1x8x128xf32, #tpu.memory_space<vmem>> -> memref<8x128xf32, #tpu.memory_space<vmem>>
    %dma_wait3A_1220 = arith.constant 0 : i32
    %dma_wait3A_1221 = arith.constant 0 : i32
    %dma_wait3A_1222 = tpu.memref_slice %arg2[%dma_wait3A_1220, %dma_wait3A_1221] : memref<2048x32000xf32, #tpu.memory_space<hbm>> -> memref<8x128xf32, #tpu.memory_space<hbm>>
    tpu.wait_dma2 semaphore(%arg8 : memref<!tpu.dma_semaphore, #tpu.memory_space<semaphore_mem>>) src(%dma_wait3A_1222 : memref<8x128xf32, #tpu.memory_space<hbm>>) dst(%dma_wait3A_1219 : memref<8x128xf32, #tpu.memory_space<vmem>>)
    %dma_wait3A_1223 = arith.constant 12 : i32
    %dma_wait3A_1224 = arith.constant 0 : i32
    %dma_wait3A_1225 = arith.constant 0 : i32
    %dma_wait3A_1226 = tpu.memref_slice %arg6[%dma_wait3A_1223, %dma_wait3A_1224, %dma_wait3A_1225] : memref<64x8x128xf32, #tpu.memory_space<vmem>> -> memref<1x8x128xf32, #tpu.memory_space<vmem>>
    %dma_wait3A_1227 = tpu.memref_squeeze %dma_wait3A_1226 : memref<1x8x128xf32, #tpu.memory_space<vmem>> -> memref<8x128xf32, #tpu.memory_space<vmem>>
    %dma_wait3A_1228 = arith.constant 0 : i32
    %dma_wait3A_1229 = arith.constant 0 : i32
    %dma_wait3A_1230 = tpu.memref_slice %arg2[%dma_wait3A_1228, %dma_wait3A_1229] : memref<2048x32000xf32, #tpu.memory_space<hbm>> -> memref<8x128xf32, #tpu.memory_space<hbm>>
    %dma_wait3A_1231 = arith.constant 0 : i32
    %dma_wait3A_1232 = arith.constant 0 : i32
    %dma_wait3A_1233 = tpu.memref_slice %arg6[%dma_wait3A_1223, %dma_wait3A_1231, %dma_wait3A_1232] : memref<64x8x128xf32, #tpu.memory_space<vmem>> -> memref<1x8x128xf32, #tpu.memory_space<vmem>>
    %dma_wait3A_1234 = tpu.memref_squeeze %dma_wait3A_1233 : memref<1x8x128xf32, #tpu.memory_space<vmem>> -> memref<8x128xf32, #tpu.memory_space<vmem>>
    %dma_wait3A_1235 = arith.constant 0 : i32
    %dma_wait3A_1236 = arith.constant 0 : i32
    %dma_wait3A_1237 = tpu.memref_slice %arg2[%dma_wait3A_1235, %dma_wait3A_1236] : memref<2048x32000xf32, #tpu.memory_space<hbm>> -> memref<8x128xf32, #tpu.memory_space<hbm>>
    tpu.wait_dma2 semaphore(%arg8 : memref<!tpu.dma_semaphore, #tpu.memory_space<semaphore_mem>>) src(%dma_wait3A_1237 : memref<8x128xf32, #tpu.memory_space<hbm>>) dst(%dma_wait3A_1234 : memref<8x128xf32, #tpu.memory_space<vmem>>)
    %dma_wait3A_1238 = arith.constant 13 : i32
    %dma_wait3A_1239 = arith.constant 0 : i32
    %dma_wait3A_1240 = arith.constant 0 : i32
    %dma_wait3A_1241 = tpu.memref_slice %arg6[%dma_wait3A_1238, %dma_wait3A_1239, %dma_wait3A_1240] : memref<64x8x128xf32, #tpu.memory_space<vmem>> -> memref<1x8x128xf32, #tpu.memory_space<vmem>>
    %dma_wait3A_1242 = tpu.memref_squeeze %dma_wait3A_1241 : memref<1x8x128xf32, #tpu.memory_space<vmem>> -> memref<8x128xf32, #tpu.memory_space<vmem>>
    %dma_wait3A_1243 = arith.constant 0 : i32
    %dma_wait3A_1244 = arith.constant 0 : i32
    %dma_wait3A_1245 = tpu.memref_slice %arg2[%dma_wait3A_1243, %dma_wait3A_1244] : memref<2048x32000xf32, #tpu.memory_space<hbm>> -> memref<8x128xf32, #tpu.memory_space<hbm>>
    %dma_wait3A_1246 = arith.constant 0 : i32
    %dma_wait3A_1247 = arith.constant 0 : i32
    %dma_wait3A_1248 = tpu.memref_slice %arg6[%dma_wait3A_1238, %dma_wait3A_1246, %dma_wait3A_1247] : memref<64x8x128xf32, #tpu.memory_space<vmem>> -> memref<1x8x128xf32, #tpu.memory_space<vmem>>
    %dma_wait3A_1249 = tpu.memref_squeeze %dma_wait3A_1248 : memref<1x8x128xf32, #tpu.memory_space<vmem>> -> memref<8x128xf32, #tpu.memory_space<vmem>>
    %dma_wait3A_1250 = arith.constant 0 : i32
    %dma_wait3A_1251 = arith.constant 0 : i32
    %dma_wait3A_1252 = tpu.memref_slice %arg2[%dma_wait3A_1250, %dma_wait3A_1251] : memref<2048x32000xf32, #tpu.memory_space<hbm>> -> memref<8x128xf32, #tpu.memory_space<hbm>>
    tpu.wait_dma2 semaphore(%arg8 : memref<!tpu.dma_semaphore, #tpu.memory_space<semaphore_mem>>) src(%dma_wait3A_1252 : memref<8x128xf32, #tpu.memory_space<hbm>>) dst(%dma_wait3A_1249 : memref<8x128xf32, #tpu.memory_space<vmem>>)
    %dma_wait3A_1253 = arith.constant 14 : i32
    %dma_wait3A_1254 = arith.constant 0 : i32
    %dma_wait3A_1255 = arith.constant 0 : i32
    %dma_wait3A_1256 = tpu.memref_slice %arg6[%dma_wait3A_1253, %dma_wait3A_1254, %dma_wait3A_1255] : memref<64x8x128xf32, #tpu.memory_space<vmem>> -> memref<1x8x128xf32, #tpu.memory_space<vmem>>
    %dma_wait3A_1257 = tpu.memref_squeeze %dma_wait3A_1256 : memref<1x8x128xf32, #tpu.memory_space<vmem>> -> memref<8x128xf32, #tpu.memory_space<vmem>>
    %dma_wait3A_1258 = arith.constant 0 : i32
    %dma_wait3A_1259 = arith.constant 0 : i32
    %dma_wait3A_1260 = tpu.memref_slice %arg2[%dma_wait3A_1258, %dma_wait3A_1259] : memref<2048x32000xf32, #tpu.memory_space<hbm>> -> memref<8x128xf32, #tpu.memory_space<hbm>>
    %dma_wait3A_1261 = arith.constant 0 : i32
    %dma_wait3A_1262 = arith.constant 0 : i32
    %dma_wait3A_1263 = tpu.memref_slice %arg6[%dma_wait3A_1253, %dma_wait3A_1261, %dma_wait3A_1262] : memref<64x8x128xf32, #tpu.memory_space<vmem>> -> memref<1x8x128xf32, #tpu.memory_space<vmem>>
    %dma_wait3A_1264 = tpu.memref_squeeze %dma_wait3A_1263 : memref<1x8x128xf32, #tpu.memory_space<vmem>> -> memref<8x128xf32, #tpu.memory_space<vmem>>
    %dma_wait3A_1265 = arith.constant 0 : i32
    %dma_wait3A_1266 = arith.constant 0 : i32
    %dma_wait3A_1267 = tpu.memref_slice %arg2[%dma_wait3A_1265, %dma_wait3A_1266] : memref<2048x32000xf32, #tpu.memory_space<hbm>> -> memref<8x128xf32, #tpu.memory_space<hbm>>
    tpu.wait_dma2 semaphore(%arg8 : memref<!tpu.dma_semaphore, #tpu.memory_space<semaphore_mem>>) src(%dma_wait3A_1267 : memref<8x128xf32, #tpu.memory_space<hbm>>) dst(%dma_wait3A_1264 : memref<8x128xf32, #tpu.memory_space<vmem>>)
    %dma_wait3A_1268 = arith.constant 15 : i32
    %dma_wait3A_1269 = arith.constant 0 : i32
    %dma_wait3A_1270 = arith.constant 0 : i32
    %dma_wait3A_1271 = tpu.memref_slice %arg6[%dma_wait3A_1268, %dma_wait3A_1269, %dma_wait3A_1270] : memref<64x8x128xf32, #tpu.memory_space<vmem>> -> memref<1x8x128xf32, #tpu.memory_space<vmem>>
    %dma_wait3A_1272 = tpu.memref_squeeze %dma_wait3A_1271 : memref<1x8x128xf32, #tpu.memory_space<vmem>> -> memref<8x128xf32, #tpu.memory_space<vmem>>
    %dma_wait3A_1273 = arith.constant 0 : i32
    %dma_wait3A_1274 = arith.constant 0 : i32
    %dma_wait3A_1275 = tpu.memref_slice %arg2[%dma_wait3A_1273, %dma_wait3A_1274] : memref<2048x32000xf32, #tpu.memory_space<hbm>> -> memref<8x128xf32, #tpu.memory_space<hbm>>
    %dma_wait3A_1276 = arith.constant 0 : i32
    %dma_wait3A_1277 = arith.constant 0 : i32
    %dma_wait3A_1278 = tpu.memref_slice %arg6[%dma_wait3A_1268, %dma_wait3A_1276, %dma_wait3A_1277] : memref<64x8x128xf32, #tpu.memory_space<vmem>> -> memref<1x8x128xf32, #tpu.memory_space<vmem>>
    %dma_wait3A_1279 = tpu.memref_squeeze %dma_wait3A_1278 : memref<1x8x128xf32, #tpu.memory_space<vmem>> -> memref<8x128xf32, #tpu.memory_space<vmem>>
    %dma_wait3A_1280 = arith.constant 0 : i32
    %dma_wait3A_1281 = arith.constant 0 : i32
    %dma_wait3A_1282 = tpu.memref_slice %arg2[%dma_wait3A_1280, %dma_wait3A_1281] : memref<2048x32000xf32, #tpu.memory_space<hbm>> -> memref<8x128xf32, #tpu.memory_space<hbm>>
    tpu.wait_dma2 semaphore(%arg8 : memref<!tpu.dma_semaphore, #tpu.memory_space<semaphore_mem>>) src(%dma_wait3A_1282 : memref<8x128xf32, #tpu.memory_space<hbm>>) dst(%dma_wait3A_1279 : memref<8x128xf32, #tpu.memory_space<vmem>>)
    %dma_wait3A_1283 = arith.constant 16 : i32
    %dma_wait3A_1284 = arith.constant 0 : i32
    %dma_wait3A_1285 = arith.constant 0 : i32
    %dma_wait3A_1286 = tpu.memref_slice %arg6[%dma_wait3A_1283, %dma_wait3A_1284, %dma_wait3A_1285] : memref<64x8x128xf32, #tpu.memory_space<vmem>> -> memref<1x8x128xf32, #tpu.memory_space<vmem>>
    %dma_wait3A_1287 = tpu.memref_squeeze %dma_wait3A_1286 : memref<1x8x128xf32, #tpu.memory_space<vmem>> -> memref<8x128xf32, #tpu.memory_space<vmem>>
    %dma_wait3A_1288 = arith.constant 0 : i32
    %dma_wait3A_1289 = arith.constant 0 : i32
    %dma_wait3A_1290 = tpu.memref_slice %arg2[%dma_wait3A_1288, %dma_wait3A_1289] : memref<2048x32000xf32, #tpu.memory_space<hbm>> -> memref<8x128xf32, #tpu.memory_space<hbm>>
    %dma_wait3A_1291 = arith.constant 0 : i32
    %dma_wait3A_1292 = arith.constant 0 : i32
    %dma_wait3A_1293 = tpu.memref_slice %arg6[%dma_wait3A_1283, %dma_wait3A_1291, %dma_wait3A_1292] : memref<64x8x128xf32, #tpu.memory_space<vmem>> -> memref<1x8x128xf32, #tpu.memory_space<vmem>>
    %dma_wait3A_1294 = tpu.memref_squeeze %dma_wait3A_1293 : memref<1x8x128xf32, #tpu.memory_space<vmem>> -> memref<8x128xf32, #tpu.memory_space<vmem>>
    %dma_wait3A_1295 = arith.constant 0 : i32
    %dma_wait3A_1296 = arith.constant 0 : i32
    %dma_wait3A_1297 = tpu.memref_slice %arg2[%dma_wait3A_1295, %dma_wait3A_1296] : memref<2048x32000xf32, #tpu.memory_space<hbm>> -> memref<8x128xf32, #tpu.memory_space<hbm>>
    tpu.wait_dma2 semaphore(%arg8 : memref<!tpu.dma_semaphore, #tpu.memory_space<semaphore_mem>>) src(%dma_wait3A_1297 : memref<8x128xf32, #tpu.memory_space<hbm>>) dst(%dma_wait3A_1294 : memref<8x128xf32, #tpu.memory_space<vmem>>)
    %dma_wait3A_1298 = arith.constant 17 : i32
    %dma_wait3A_1299 = arith.constant 0 : i32
    %dma_wait3A_1300 = arith.constant 0 : i32
    %dma_wait3A_1301 = tpu.memref_slice %arg6[%dma_wait3A_1298, %dma_wait3A_1299, %dma_wait3A_1300] : memref<64x8x128xf32, #tpu.memory_space<vmem>> -> memref<1x8x128xf32, #tpu.memory_space<vmem>>
    %dma_wait3A_1302 = tpu.memref_squeeze %dma_wait3A_1301 : memref<1x8x128xf32, #tpu.memory_space<vmem>> -> memref<8x128xf32, #tpu.memory_space<vmem>>
    %dma_wait3A_1303 = arith.constant 0 : i32
    %dma_wait3A_1304 = arith.constant 0 : i32
    %dma_wait3A_1305 = tpu.memref_slice %arg2[%dma_wait3A_1303, %dma_wait3A_1304] : memref<2048x32000xf32, #tpu.memory_space<hbm>> -> memref<8x128xf32, #tpu.memory_space<hbm>>
    %dma_wait3A_1306 = arith.constant 0 : i32
    %dma_wait3A_1307 = arith.constant 0 : i32
    %dma_wait3A_1308 = tpu.memref_slice %arg6[%dma_wait3A_1298, %dma_wait3A_1306, %dma_wait3A_1307] : memref<64x8x128xf32, #tpu.memory_space<vmem>> -> memref<1x8x128xf32, #tpu.memory_space<vmem>>
    %dma_wait3A_1309 = tpu.memref_squeeze %dma_wait3A_1308 : memref<1x8x128xf32, #tpu.memory_space<vmem>> -> memref<8x128xf32, #tpu.memory_space<vmem>>
    %dma_wait3A_1310 = arith.constant 0 : i32
    %dma_wait3A_1311 = arith.constant 0 : i32
    %dma_wait3A_1312 = tpu.memref_slice %arg2[%dma_wait3A_1310, %dma_wait3A_1311] : memref<2048x32000xf32, #tpu.memory_space<hbm>> -> memref<8x128xf32, #tpu.memory_space<hbm>>
    tpu.wait_dma2 semaphore(%arg8 : memref<!tpu.dma_semaphore, #tpu.memory_space<semaphore_mem>>) src(%dma_wait3A_1312 : memref<8x128xf32, #tpu.memory_space<hbm>>) dst(%dma_wait3A_1309 : memref<8x128xf32, #tpu.memory_space<vmem>>)
    %dma_wait3A_1313 = arith.constant 18 : i32
    %dma_wait3A_1314 = arith.constant 0 : i32
    %dma_wait3A_1315 = arith.constant 0 : i32
    %dma_wait3A_1316 = tpu.memref_slice %arg6[%dma_wait3A_1313, %dma_wait3A_1314, %dma_wait3A_1315] : memref<64x8x128xf32, #tpu.memory_space<vmem>> -> memref<1x8x128xf32, #tpu.memory_space<vmem>>
    %dma_wait3A_1317 = tpu.memref_squeeze %dma_wait3A_1316 : memref<1x8x128xf32, #tpu.memory_space<vmem>> -> memref<8x128xf32, #tpu.memory_space<vmem>>
    %dma_wait3A_1318 = arith.constant 0 : i32
    %dma_wait3A_1319 = arith.constant 0 : i32
    %dma_wait3A_1320 = tpu.memref_slice %arg2[%dma_wait3A_1318, %dma_wait3A_1319] : memref<2048x32000xf32, #tpu.memory_space<hbm>> -> memref<8x128xf32, #tpu.memory_space<hbm>>
    %dma_wait3A_1321 = arith.constant 0 : i32
    %dma_wait3A_1322 = arith.constant 0 : i32
    %dma_wait3A_1323 = tpu.memref_slice %arg6[%dma_wait3A_1313, %dma_wait3A_1321, %dma_wait3A_1322] : memref<64x8x128xf32, #tpu.memory_space<vmem>> -> memref<1x8x128xf32, #tpu.memory_space<vmem>>
    %dma_wait3A_1324 = tpu.memref_squeeze %dma_wait3A_1323 : memref<1x8x128xf32, #tpu.memory_space<vmem>> -> memref<8x128xf32, #tpu.memory_space<vmem>>
    %dma_wait3A_1325 = arith.constant 0 : i32
    %dma_wait3A_1326 = arith.constant 0 : i32
    %dma_wait3A_1327 = tpu.memref_slice %arg2[%dma_wait3A_1325, %dma_wait3A_1326] : memref<2048x32000xf32, #tpu.memory_space<hbm>> -> memref<8x128xf32, #tpu.memory_space<hbm>>
    tpu.wait_dma2 semaphore(%arg8 : memref<!tpu.dma_semaphore, #tpu.memory_space<semaphore_mem>>) src(%dma_wait3A_1327 : memref<8x128xf32, #tpu.memory_space<hbm>>) dst(%dma_wait3A_1324 : memref<8x128xf32, #tpu.memory_space<vmem>>)
    %dma_wait3A_1328 = arith.constant 19 : i32
    %dma_wait3A_1329 = arith.constant 0 : i32
    %dma_wait3A_1330 = arith.constant 0 : i32
    %dma_wait3A_1331 = tpu.memref_slice %arg6[%dma_wait3A_1328, %dma_wait3A_1329, %dma_wait3A_1330] : memref<64x8x128xf32, #tpu.memory_space<vmem>> -> memref<1x8x128xf32, #tpu.memory_space<vmem>>
    %dma_wait3A_1332 = tpu.memref_squeeze %dma_wait3A_1331 : memref<1x8x128xf32, #tpu.memory_space<vmem>> -> memref<8x128xf32, #tpu.memory_space<vmem>>
    %dma_wait3A_1333 = arith.constant 0 : i32
    %dma_wait3A_1334 = arith.constant 0 : i32
    %dma_wait3A_1335 = tpu.memref_slice %arg2[%dma_wait3A_1333, %dma_wait3A_1334] : memref<2048x32000xf32, #tpu.memory_space<hbm>> -> memref<8x128xf32, #tpu.memory_space<hbm>>
    %dma_wait3A_1336 = arith.constant 0 : i32
    %dma_wait3A_1337 = arith.constant 0 : i32
    %dma_wait3A_1338 = tpu.memref_slice %arg6[%dma_wait3A_1328, %dma_wait3A_1336, %dma_wait3A_1337] : memref<64x8x128xf32, #tpu.memory_space<vmem>> -> memref<1x8x128xf32, #tpu.memory_space<vmem>>
    %dma_wait3A_1339 = tpu.memref_squeeze %dma_wait3A_1338 : memref<1x8x128xf32, #tpu.memory_space<vmem>> -> memref<8x128xf32, #tpu.memory_space<vmem>>
    %dma_wait3A_1340 = arith.constant 0 : i32
    %dma_wait3A_1341 = arith.constant 0 : i32
    %dma_wait3A_1342 = tpu.memref_slice %arg2[%dma_wait3A_1340, %dma_wait3A_1341] : memref<2048x32000xf32, #tpu.memory_space<hbm>> -> memref<8x128xf32, #tpu.memory_space<hbm>>
    tpu.wait_dma2 semaphore(%arg8 : memref<!tpu.dma_semaphore, #tpu.memory_space<semaphore_mem>>) src(%dma_wait3A_1342 : memref<8x128xf32, #tpu.memory_space<hbm>>) dst(%dma_wait3A_1339 : memref<8x128xf32, #tpu.memory_space<vmem>>)
    %dma_wait3A_1343 = arith.constant 20 : i32
    %dma_wait3A_1344 = arith.constant 0 : i32
    %dma_wait3A_1345 = arith.constant 0 : i32
    %dma_wait3A_1346 = tpu.memref_slice %arg6[%dma_wait3A_1343, %dma_wait3A_1344, %dma_wait3A_1345] : memref<64x8x128xf32, #tpu.memory_space<vmem>> -> memref<1x8x128xf32, #tpu.memory_space<vmem>>
    %dma_wait3A_1347 = tpu.memref_squeeze %dma_wait3A_1346 : memref<1x8x128xf32, #tpu.memory_space<vmem>> -> memref<8x128xf32, #tpu.memory_space<vmem>>
    %dma_wait3A_1348 = arith.constant 0 : i32
    %dma_wait3A_1349 = arith.constant 0 : i32
    %dma_wait3A_1350 = tpu.memref_slice %arg2[%dma_wait3A_1348, %dma_wait3A_1349] : memref<2048x32000xf32, #tpu.memory_space<hbm>> -> memref<8x128xf32, #tpu.memory_space<hbm>>
    %dma_wait3A_1351 = arith.constant 0 : i32
    %dma_wait3A_1352 = arith.constant 0 : i32
    %dma_wait3A_1353 = tpu.memref_slice %arg6[%dma_wait3A_1343, %dma_wait3A_1351, %dma_wait3A_1352] : memref<64x8x128xf32, #tpu.memory_space<vmem>> -> memref<1x8x128xf32, #tpu.memory_space<vmem>>
    %dma_wait3A_1354 = tpu.memref_squeeze %dma_wait3A_1353 : memref<1x8x128xf32, #tpu.memory_space<vmem>> -> memref<8x128xf32, #tpu.memory_space<vmem>>
    %dma_wait3A_1355 = arith.constant 0 : i32
    %dma_wait3A_1356 = arith.constant 0 : i32
    %dma_wait3A_1357 = tpu.memref_slice %arg2[%dma_wait3A_1355, %dma_wait3A_1356] : memref<2048x32000xf32, #tpu.memory_space<hbm>> -> memref<8x128xf32, #tpu.memory_space<hbm>>
    tpu.wait_dma2 semaphore(%arg8 : memref<!tpu.dma_semaphore, #tpu.memory_space<semaphore_mem>>) src(%dma_wait3A_1357 : memref<8x128xf32, #tpu.memory_space<hbm>>) dst(%dma_wait3A_1354 : memref<8x128xf32, #tpu.memory_space<vmem>>)
    %dma_wait3A_1358 = arith.constant 21 : i32
    %dma_wait3A_1359 = arith.constant 0 : i32
    %dma_wait3A_1360 = arith.constant 0 : i32
    %dma_wait3A_1361 = tpu.memref_slice %arg6[%dma_wait3A_1358, %dma_wait3A_1359, %dma_wait3A_1360] : memref<64x8x128xf32, #tpu.memory_space<vmem>> -> memref<1x8x128xf32, #tpu.memory_space<vmem>>
    %dma_wait3A_1362 = tpu.memref_squeeze %dma_wait3A_1361 : memref<1x8x128xf32, #tpu.memory_space<vmem>> -> memref<8x128xf32, #tpu.memory_space<vmem>>
    %dma_wait3A_1363 = arith.constant 0 : i32
    %dma_wait3A_1364 = arith.constant 0 : i32
    %dma_wait3A_1365 = tpu.memref_slice %arg2[%dma_wait3A_1363, %dma_wait3A_1364] : memref<2048x32000xf32, #tpu.memory_space<hbm>> -> memref<8x128xf32, #tpu.memory_space<hbm>>
    %dma_wait3A_1366 = arith.constant 0 : i32
    %dma_wait3A_1367 = arith.constant 0 : i32
    %dma_wait3A_1368 = tpu.memref_slice %arg6[%dma_wait3A_1358, %dma_wait3A_1366, %dma_wait3A_1367] : memref<64x8x128xf32, #tpu.memory_space<vmem>> -> memref<1x8x128xf32, #tpu.memory_space<vmem>>
    %dma_wait3A_1369 = tpu.memref_squeeze %dma_wait3A_1368 : memref<1x8x128xf32, #tpu.memory_space<vmem>> -> memref<8x128xf32, #tpu.memory_space<vmem>>
    %dma_wait3A_1370 = arith.constant 0 : i32
    %dma_wait3A_1371 = arith.constant 0 : i32
    %dma_wait3A_1372 = tpu.memref_slice %arg2[%dma_wait3A_1370, %dma_wait3A_1371] : memref<2048x32000xf32, #tpu.memory_space<hbm>> -> memref<8x128xf32, #tpu.memory_space<hbm>>
    tpu.wait_dma2 semaphore(%arg8 : memref<!tpu.dma_semaphore, #tpu.memory_space<semaphore_mem>>) src(%dma_wait3A_1372 : memref<8x128xf32, #tpu.memory_space<hbm>>) dst(%dma_wait3A_1369 : memref<8x128xf32, #tpu.memory_space<vmem>>)
    %dma_wait3A_1373 = arith.constant 22 : i32
    %dma_wait3A_1374 = arith.constant 0 : i32
    %dma_wait3A_1375 = arith.constant 0 : i32
    %dma_wait3A_1376 = tpu.memref_slice %arg6[%dma_wait3A_1373, %dma_wait3A_1374, %dma_wait3A_1375] : memref<64x8x128xf32, #tpu.memory_space<vmem>> -> memref<1x8x128xf32, #tpu.memory_space<vmem>>
    %dma_wait3A_1377 = tpu.memref_squeeze %dma_wait3A_1376 : memref<1x8x128xf32, #tpu.memory_space<vmem>> -> memref<8x128xf32, #tpu.memory_space<vmem>>
    %dma_wait3A_1378 = arith.constant 0 : i32
    %dma_wait3A_1379 = arith.constant 0 : i32
    %dma_wait3A_1380 = tpu.memref_slice %arg2[%dma_wait3A_1378, %dma_wait3A_1379] : memref<2048x32000xf32, #tpu.memory_space<hbm>> -> memref<8x128xf32, #tpu.memory_space<hbm>>
    %dma_wait3A_1381 = arith.constant 0 : i32
    %dma_wait3A_1382 = arith.constant 0 : i32
    %dma_wait3A_1383 = tpu.memref_slice %arg6[%dma_wait3A_1373, %dma_wait3A_1381, %dma_wait3A_1382] : memref<64x8x128xf32, #tpu.memory_space<vmem>> -> memref<1x8x128xf32, #tpu.memory_space<vmem>>
    %dma_wait3A_1384 = tpu.memref_squeeze %dma_wait3A_1383 : memref<1x8x128xf32, #tpu.memory_space<vmem>> -> memref<8x128xf32, #tpu.memory_space<vmem>>
    %dma_wait3A_1385 = arith.constant 0 : i32
    %dma_wait3A_1386 = arith.constant 0 : i32
    %dma_wait3A_1387 = tpu.memref_slice %arg2[%dma_wait3A_1385, %dma_wait3A_1386] : memref<2048x32000xf32, #tpu.memory_space<hbm>> -> memref<8x128xf32, #tpu.memory_space<hbm>>
    tpu.wait_dma2 semaphore(%arg8 : memref<!tpu.dma_semaphore, #tpu.memory_space<semaphore_mem>>) src(%dma_wait3A_1387 : memref<8x128xf32, #tpu.memory_space<hbm>>) dst(%dma_wait3A_1384 : memref<8x128xf32, #tpu.memory_space<vmem>>)
    %dma_wait3A_1388 = arith.constant 23 : i32
    %dma_wait3A_1389 = arith.constant 0 : i32
    %dma_wait3A_1390 = arith.constant 0 : i32
    %dma_wait3A_1391 = tpu.memref_slice %arg6[%dma_wait3A_1388, %dma_wait3A_1389, %dma_wait3A_1390] : memref<64x8x128xf32, #tpu.memory_space<vmem>> -> memref<1x8x128xf32, #tpu.memory_space<vmem>>
    %dma_wait3A_1392 = tpu.memref_squeeze %dma_wait3A_1391 : memref<1x8x128xf32, #tpu.memory_space<vmem>> -> memref<8x128xf32, #tpu.memory_space<vmem>>
    %dma_wait3A_1393 = arith.constant 0 : i32
    %dma_wait3A_1394 = arith.constant 0 : i32
    %dma_wait3A_1395 = tpu.memref_slice %arg2[%dma_wait3A_1393, %dma_wait3A_1394] : memref<2048x32000xf32, #tpu.memory_space<hbm>> -> memref<8x128xf32, #tpu.memory_space<hbm>>
    %dma_wait3A_1396 = arith.constant 0 : i32
    %dma_wait3A_1397 = arith.constant 0 : i32
    %dma_wait3A_1398 = tpu.memref_slice %arg6[%dma_wait3A_1388, %dma_wait3A_1396, %dma_wait3A_1397] : memref<64x8x128xf32, #tpu.memory_space<vmem>> -> memref<1x8x128xf32, #tpu.memory_space<vmem>>
    %dma_wait3A_1399 = tpu.memref_squeeze %dma_wait3A_1398 : memref<1x8x128xf32, #tpu.memory_space<vmem>> -> memref<8x128xf32, #tpu.memory_space<vmem>>
    %dma_wait3A_1400 = arith.constant 0 : i32
    %dma_wait3A_1401 = arith.constant 0 : i32
    %dma_wait3A_1402 = tpu.memref_slice %arg2[%dma_wait3A_1400, %dma_wait3A_1401] : memref<2048x32000xf32, #tpu.memory_space<hbm>> -> memref<8x128xf32, #tpu.memory_space<hbm>>
    tpu.wait_dma2 semaphore(%arg8 : memref<!tpu.dma_semaphore, #tpu.memory_space<semaphore_mem>>) src(%dma_wait3A_1402 : memref<8x128xf32, #tpu.memory_space<hbm>>) dst(%dma_wait3A_1399 : memref<8x128xf32, #tpu.memory_space<vmem>>)
    %dma_wait3A_1403 = arith.constant 24 : i32
    %dma_wait3A_1404 = arith.constant 0 : i32
    %dma_wait3A_1405 = arith.constant 0 : i32
    %dma_wait3A_1406 = tpu.memref_slice %arg6[%dma_wait3A_1403, %dma_wait3A_1404, %dma_wait3A_1405] : memref<64x8x128xf32, #tpu.memory_space<vmem>> -> memref<1x8x128xf32, #tpu.memory_space<vmem>>
    %dma_wait3A_1407 = tpu.memref_squeeze %dma_wait3A_1406 : memref<1x8x128xf32, #tpu.memory_space<vmem>> -> memref<8x128xf32, #tpu.memory_space<vmem>>
    %dma_wait3A_1408 = arith.constant 0 : i32
    %dma_wait3A_1409 = arith.constant 0 : i32
    %dma_wait3A_1410 = tpu.memref_slice %arg2[%dma_wait3A_1408, %dma_wait3A_1409] : memref<2048x32000xf32, #tpu.memory_space<hbm>> -> memref<8x128xf32, #tpu.memory_space<hbm>>
    %dma_wait3A_1411 = arith.constant 0 : i32
    %dma_wait3A_1412 = arith.constant 0 : i32
    %dma_wait3A_1413 = tpu.memref_slice %arg6[%dma_wait3A_1403, %dma_wait3A_1411, %dma_wait3A_1412] : memref<64x8x128xf32, #tpu.memory_space<vmem>> -> memref<1x8x128xf32, #tpu.memory_space<vmem>>
    %dma_wait3A_1414 = tpu.memref_squeeze %dma_wait3A_1413 : memref<1x8x128xf32, #tpu.memory_space<vmem>> -> memref<8x128xf32, #tpu.memory_space<vmem>>
    %dma_wait3A_1415 = arith.constant 0 : i32
    %dma_wait3A_1416 = arith.constant 0 : i32
    %dma_wait3A_1417 = tpu.memref_slice %arg2[%dma_wait3A_1415, %dma_wait3A_1416] : memref<2048x32000xf32, #tpu.memory_space<hbm>> -> memref<8x128xf32, #tpu.memory_space<hbm>>
    tpu.wait_dma2 semaphore(%arg8 : memref<!tpu.dma_semaphore, #tpu.memory_space<semaphore_mem>>) src(%dma_wait3A_1417 : memref<8x128xf32, #tpu.memory_space<hbm>>) dst(%dma_wait3A_1414 : memref<8x128xf32, #tpu.memory_space<vmem>>)
    %dma_wait3A_1418 = arith.constant 25 : i32
    %dma_wait3A_1419 = arith.constant 0 : i32
    %dma_wait3A_1420 = arith.constant 0 : i32
    %dma_wait3A_1421 = tpu.memref_slice %arg6[%dma_wait3A_1418, %dma_wait3A_1419, %dma_wait3A_1420] : memref<64x8x128xf32, #tpu.memory_space<vmem>> -> memref<1x8x128xf32, #tpu.memory_space<vmem>>
    %dma_wait3A_1422 = tpu.memref_squeeze %dma_wait3A_1421 : memref<1x8x128xf32, #tpu.memory_space<vmem>> -> memref<8x128xf32, #tpu.memory_space<vmem>>
    %dma_wait3A_1423 = arith.constant 0 : i32
    %dma_wait3A_1424 = arith.constant 0 : i32
    %dma_wait3A_1425 = tpu.memref_slice %arg2[%dma_wait3A_1423, %dma_wait3A_1424] : memref<2048x32000xf32, #tpu.memory_space<hbm>> -> memref<8x128xf32, #tpu.memory_space<hbm>>
    %dma_wait3A_1426 = arith.constant 0 : i32
    %dma_wait3A_1427 = arith.constant 0 : i32
    %dma_wait3A_1428 = tpu.memref_slice %arg6[%dma_wait3A_1418, %dma_wait3A_1426, %dma_wait3A_1427] : memref<64x8x128xf32, #tpu.memory_space<vmem>> -> memref<1x8x128xf32, #tpu.memory_space<vmem>>
    %dma_wait3A_1429 = tpu.memref_squeeze %dma_wait3A_1428 : memref<1x8x128xf32, #tpu.memory_space<vmem>> -> memref<8x128xf32, #tpu.memory_space<vmem>>
    %dma_wait3A_1430 = arith.constant 0 : i32
    %dma_wait3A_1431 = arith.constant 0 : i32
    %dma_wait3A_1432 = tpu.memref_slice %arg2[%dma_wait3A_1430, %dma_wait3A_1431] : memref<2048x32000xf32, #tpu.memory_space<hbm>> -> memref<8x128xf32, #tpu.memory_space<hbm>>
    tpu.wait_dma2 semaphore(%arg8 : memref<!tpu.dma_semaphore, #tpu.memory_space<semaphore_mem>>) src(%dma_wait3A_1432 : memref<8x128xf32, #tpu.memory_space<hbm>>) dst(%dma_wait3A_1429 : memref<8x128xf32, #tpu.memory_space<vmem>>)
    %dma_wait3A_1433 = arith.constant 26 : i32
    %dma_wait3A_1434 = arith.constant 0 : i32
    %dma_wait3A_1435 = arith.constant 0 : i32
    %dma_wait3A_1436 = tpu.memref_slice %arg6[%dma_wait3A_1433, %dma_wait3A_1434, %dma_wait3A_1435] : memref<64x8x128xf32, #tpu.memory_space<vmem>> -> memref<1x8x128xf32, #tpu.memory_space<vmem>>
    %dma_wait3A_1437 = tpu.memref_squeeze %dma_wait3A_1436 : memref<1x8x128xf32, #tpu.memory_space<vmem>> -> memref<8x128xf32, #tpu.memory_space<vmem>>
    %dma_wait3A_1438 = arith.constant 0 : i32
    %dma_wait3A_1439 = arith.constant 0 : i32
    %dma_wait3A_1440 = tpu.memref_slice %arg2[%dma_wait3A_1438, %dma_wait3A_1439] : memref<2048x32000xf32, #tpu.memory_space<hbm>> -> memref<8x128xf32, #tpu.memory_space<hbm>>
    %dma_wait3A_1441 = arith.constant 0 : i32
    %dma_wait3A_1442 = arith.constant 0 : i32
    %dma_wait3A_1443 = tpu.memref_slice %arg6[%dma_wait3A_1433, %dma_wait3A_1441, %dma_wait3A_1442] : memref<64x8x128xf32, #tpu.memory_space<vmem>> -> memref<1x8x128xf32, #tpu.memory_space<vmem>>
    %dma_wait3A_1444 = tpu.memref_squeeze %dma_wait3A_1443 : memref<1x8x128xf32, #tpu.memory_space<vmem>> -> memref<8x128xf32, #tpu.memory_space<vmem>>
    %dma_wait3A_1445 = arith.constant 0 : i32
    %dma_wait3A_1446 = arith.constant 0 : i32
    %dma_wait3A_1447 = tpu.memref_slice %arg2[%dma_wait3A_1445, %dma_wait3A_1446] : memref<2048x32000xf32, #tpu.memory_space<hbm>> -> memref<8x128xf32, #tpu.memory_space<hbm>>
    tpu.wait_dma2 semaphore(%arg8 : memref<!tpu.dma_semaphore, #tpu.memory_space<semaphore_mem>>) src(%dma_wait3A_1447 : memref<8x128xf32, #tpu.memory_space<hbm>>) dst(%dma_wait3A_1444 : memref<8x128xf32, #tpu.memory_space<vmem>>)
    %dma_wait3A_1448 = arith.constant 27 : i32
    %dma_wait3A_1449 = arith.constant 0 : i32
    %dma_wait3A_1450 = arith.constant 0 : i32
    %dma_wait3A_1451 = tpu.memref_slice %arg6[%dma_wait3A_1448, %dma_wait3A_1449, %dma_wait3A_1450] : memref<64x8x128xf32, #tpu.memory_space<vmem>> -> memref<1x8x128xf32, #tpu.memory_space<vmem>>
    %dma_wait3A_1452 = tpu.memref_squeeze %dma_wait3A_1451 : memref<1x8x128xf32, #tpu.memory_space<vmem>> -> memref<8x128xf32, #tpu.memory_space<vmem>>
    %dma_wait3A_1453 = arith.constant 0 : i32
    %dma_wait3A_1454 = arith.constant 0 : i32
    %dma_wait3A_1455 = tpu.memref_slice %arg2[%dma_wait3A_1453, %dma_wait3A_1454] : memref<2048x32000xf32, #tpu.memory_space<hbm>> -> memref<8x128xf32, #tpu.memory_space<hbm>>
    %dma_wait3A_1456 = arith.constant 0 : i32
    %dma_wait3A_1457 = arith.constant 0 : i32
    %dma_wait3A_1458 = tpu.memref_slice %arg6[%dma_wait3A_1448, %dma_wait3A_1456, %dma_wait3A_1457] : memref<64x8x128xf32, #tpu.memory_space<vmem>> -> memref<1x8x128xf32, #tpu.memory_space<vmem>>
    %dma_wait3A_1459 = tpu.memref_squeeze %dma_wait3A_1458 : memref<1x8x128xf32, #tpu.memory_space<vmem>> -> memref<8x128xf32, #tpu.memory_space<vmem>>
    %dma_wait3A_1460 = arith.constant 0 : i32
    %dma_wait3A_1461 = arith.constant 0 : i32
    %dma_wait3A_1462 = tpu.memref_slice %arg2[%dma_wait3A_1460, %dma_wait3A_1461] : memref<2048x32000xf32, #tpu.memory_space<hbm>> -> memref<8x128xf32, #tpu.memory_space<hbm>>
    tpu.wait_dma2 semaphore(%arg8 : memref<!tpu.dma_semaphore, #tpu.memory_space<semaphore_mem>>) src(%dma_wait3A_1462 : memref<8x128xf32, #tpu.memory_space<hbm>>) dst(%dma_wait3A_1459 : memref<8x128xf32, #tpu.memory_space<vmem>>)
    %dma_wait3A_1463 = arith.constant 28 : i32
    %dma_wait3A_1464 = arith.constant 0 : i32
    %dma_wait3A_1465 = arith.constant 0 : i32
    %dma_wait3A_1466 = tpu.memref_slice %arg6[%dma_wait3A_1463, %dma_wait3A_1464, %dma_wait3A_1465] : memref<64x8x128xf32, #tpu.memory_space<vmem>> -> memref<1x8x128xf32, #tpu.memory_space<vmem>>
    %dma_wait3A_1467 = tpu.memref_squeeze %dma_wait3A_1466 : memref<1x8x128xf32, #tpu.memory_space<vmem>> -> memref<8x128xf32, #tpu.memory_space<vmem>>
    %dma_wait3A_1468 = arith.constant 0 : i32
    %dma_wait3A_1469 = arith.constant 0 : i32
    %dma_wait3A_1470 = tpu.memref_slice %arg2[%dma_wait3A_1468, %dma_wait3A_1469] : memref<2048x32000xf32, #tpu.memory_space<hbm>> -> memref<8x128xf32, #tpu.memory_space<hbm>>
    %dma_wait3A_1471 = arith.constant 0 : i32
    %dma_wait3A_1472 = arith.constant 0 : i32
    %dma_wait3A_1473 = tpu.memref_slice %arg6[%dma_wait3A_1463, %dma_wait3A_1471, %dma_wait3A_1472] : memref<64x8x128xf32, #tpu.memory_space<vmem>> -> memref<1x8x128xf32, #tpu.memory_space<vmem>>
    %dma_wait3A_1474 = tpu.memref_squeeze %dma_wait3A_1473 : memref<1x8x128xf32, #tpu.memory_space<vmem>> -> memref<8x128xf32, #tpu.memory_space<vmem>>
    %dma_wait3A_1475 = arith.constant 0 : i32
    %dma_wait3A_1476 = arith.constant 0 : i32
    %dma_wait3A_1477 = tpu.memref_slice %arg2[%dma_wait3A_1475, %dma_wait3A_1476] : memref<2048x32000xf32, #tpu.memory_space<hbm>> -> memref<8x128xf32, #tpu.memory_space<hbm>>
    tpu.wait_dma2 semaphore(%arg8 : memref<!tpu.dma_semaphore, #tpu.memory_space<semaphore_mem>>) src(%dma_wait3A_1477 : memref<8x128xf32, #tpu.memory_space<hbm>>) dst(%dma_wait3A_1474 : memref<8x128xf32, #tpu.memory_space<vmem>>)
    %dma_wait3A_1478 = arith.constant 29 : i32
    %dma_wait3A_1479 = arith.constant 0 : i32
    %dma_wait3A_1480 = arith.constant 0 : i32
    %dma_wait3A_1481 = tpu.memref_slice %arg6[%dma_wait3A_1478, %dma_wait3A_1479, %dma_wait3A_1480] : memref<64x8x128xf32, #tpu.memory_space<vmem>> -> memref<1x8x128xf32, #tpu.memory_space<vmem>>
    %dma_wait3A_1482 = tpu.memref_squeeze %dma_wait3A_1481 : memref<1x8x128xf32, #tpu.memory_space<vmem>> -> memref<8x128xf32, #tpu.memory_space<vmem>>
    %dma_wait3A_1483 = arith.constant 0 : i32
    %dma_wait3A_1484 = arith.constant 0 : i32
    %dma_wait3A_1485 = tpu.memref_slice %arg2[%dma_wait3A_1483, %dma_wait3A_1484] : memref<2048x32000xf32, #tpu.memory_space<hbm>> -> memref<8x128xf32, #tpu.memory_space<hbm>>
    %dma_wait3A_1486 = arith.constant 0 : i32
    %dma_wait3A_1487 = arith.constant 0 : i32
    %dma_wait3A_1488 = tpu.memref_slice %arg6[%dma_wait3A_1478, %dma_wait3A_1486, %dma_wait3A_1487] : memref<64x8x128xf32, #tpu.memory_space<vmem>> -> memref<1x8x128xf32, #tpu.memory_space<vmem>>
    %dma_wait3A_1489 = tpu.memref_squeeze %dma_wait3A_1488 : memref<1x8x128xf32, #tpu.memory_space<vmem>> -> memref<8x128xf32, #tpu.memory_space<vmem>>
    %dma_wait3A_1490 = arith.constant 0 : i32
    %dma_wait3A_1491 = arith.constant 0 : i32
    %dma_wait3A_1492 = tpu.memref_slice %arg2[%dma_wait3A_1490, %dma_wait3A_1491] : memref<2048x32000xf32, #tpu.memory_space<hbm>> -> memref<8x128xf32, #tpu.memory_space<hbm>>
    tpu.wait_dma2 semaphore(%arg8 : memref<!tpu.dma_semaphore, #tpu.memory_space<semaphore_mem>>) src(%dma_wait3A_1492 : memref<8x128xf32, #tpu.memory_space<hbm>>) dst(%dma_wait3A_1489 : memref<8x128xf32, #tpu.memory_space<vmem>>)
    %dma_wait3A_1493 = arith.constant 30 : i32
    %dma_wait3A_1494 = arith.constant 0 : i32
    %dma_wait3A_1495 = arith.constant 0 : i32
    %dma_wait3A_1496 = tpu.memref_slice %arg6[%dma_wait3A_1493, %dma_wait3A_1494, %dma_wait3A_1495] : memref<64x8x128xf32, #tpu.memory_space<vmem>> -> memref<1x8x128xf32, #tpu.memory_space<vmem>>
    %dma_wait3A_1497 = tpu.memref_squeeze %dma_wait3A_1496 : memref<1x8x128xf32, #tpu.memory_space<vmem>> -> memref<8x128xf32, #tpu.memory_space<vmem>>
    %dma_wait3A_1498 = arith.constant 0 : i32
    %dma_wait3A_1499 = arith.constant 0 : i32
    %dma_wait3A_1500 = tpu.memref_slice %arg2[%dma_wait3A_1498, %dma_wait3A_1499] : memref<2048x32000xf32, #tpu.memory_space<hbm>> -> memref<8x128xf32, #tpu.memory_space<hbm>>
    %dma_wait3A_1501 = arith.constant 0 : i32
    %dma_wait3A_1502 = arith.constant 0 : i32
    %dma_wait3A_1503 = tpu.memref_slice %arg6[%dma_wait3A_1493, %dma_wait3A_1501, %dma_wait3A_1502] : memref<64x8x128xf32, #tpu.memory_space<vmem>> -> memref<1x8x128xf32, #tpu.memory_space<vmem>>
    %dma_wait3A_1504 = tpu.memref_squeeze %dma_wait3A_1503 : memref<1x8x128xf32, #tpu.memory_space<vmem>> -> memref<8x128xf32, #tpu.memory_space<vmem>>
    %dma_wait3A_1505 = arith.constant 0 : i32
    %dma_wait3A_1506 = arith.constant 0 : i32
    %dma_wait3A_1507 = tpu.memref_slice %arg2[%dma_wait3A_1505, %dma_wait3A_1506] : memref<2048x32000xf32, #tpu.memory_space<hbm>> -> memref<8x128xf32, #tpu.memory_space<hbm>>
    tpu.wait_dma2 semaphore(%arg8 : memref<!tpu.dma_semaphore, #tpu.memory_space<semaphore_mem>>) src(%dma_wait3A_1507 : memref<8x128xf32, #tpu.memory_space<hbm>>) dst(%dma_wait3A_1504 : memref<8x128xf32, #tpu.memory_space<vmem>>)
    %dma_wait3A_1508 = arith.constant 31 : i32
    %dma_wait3A_1509 = arith.constant 0 : i32
    %dma_wait3A_1510 = arith.constant 0 : i32
    %dma_wait3A_1511 = tpu.memref_slice %arg6[%dma_wait3A_1508, %dma_wait3A_1509, %dma_wait3A_1510] : memref<64x8x128xf32, #tpu.memory_space<vmem>> -> memref<1x8x128xf32, #tpu.memory_space<vmem>>
    %dma_wait3A_1512 = tpu.memref_squeeze %dma_wait3A_1511 : memref<1x8x128xf32, #tpu.memory_space<vmem>> -> memref<8x128xf32, #tpu.memory_space<vmem>>
    %dma_wait3A_1513 = arith.constant 0 : i32
    %dma_wait3A_1514 = arith.constant 0 : i32
    %dma_wait3A_1515 = tpu.memref_slice %arg2[%dma_wait3A_1513, %dma_wait3A_1514] : memref<2048x32000xf32, #tpu.memory_space<hbm>> -> memref<8x128xf32, #tpu.memory_space<hbm>>
    %dma_wait3A_1516 = arith.constant 0 : i32
    %dma_wait3A_1517 = arith.constant 0 : i32
    %dma_wait3A_1518 = tpu.memref_slice %arg6[%dma_wait3A_1508, %dma_wait3A_1516, %dma_wait3A_1517] : memref<64x8x128xf32, #tpu.memory_space<vmem>> -> memref<1x8x128xf32, #tpu.memory_space<vmem>>
    %dma_wait3A_1519 = tpu.memref_squeeze %dma_wait3A_1518 : memref<1x8x128xf32, #tpu.memory_space<vmem>> -> memref<8x128xf32, #tpu.memory_space<vmem>>
    %dma_wait3A_1520 = arith.constant 0 : i32
    %dma_wait3A_1521 = arith.constant 0 : i32
    %dma_wait3A_1522 = tpu.memref_slice %arg2[%dma_wait3A_1520, %dma_wait3A_1521] : memref<2048x32000xf32, #tpu.memory_space<hbm>> -> memref<8x128xf32, #tpu.memory_space<hbm>>
    tpu.wait_dma2 semaphore(%arg8 : memref<!tpu.dma_semaphore, #tpu.memory_space<semaphore_mem>>) src(%dma_wait3A_1522 : memref<8x128xf32, #tpu.memory_space<hbm>>) dst(%dma_wait3A_1519 : memref<8x128xf32, #tpu.memory_space<vmem>>)
    %dma_wait3A_1523 = arith.constant 32 : i32
    %dma_wait3A_1524 = arith.constant 0 : i32
    %dma_wait3A_1525 = arith.constant 0 : i32
    %dma_wait3A_1526 = tpu.memref_slice %arg6[%dma_wait3A_1523, %dma_wait3A_1524, %dma_wait3A_1525] : memref<64x8x128xf32, #tpu.memory_space<vmem>> -> memref<1x8x128xf32, #tpu.memory_space<vmem>>
    %dma_wait3A_1527 = tpu.memref_squeeze %dma_wait3A_1526 : memref<1x8x128xf32, #tpu.memory_space<vmem>> -> memref<8x128xf32, #tpu.memory_space<vmem>>
    %dma_wait3A_1528 = arith.constant 0 : i32
    %dma_wait3A_1529 = arith.constant 0 : i32
    %dma_wait3A_1530 = tpu.memref_slice %arg2[%dma_wait3A_1528, %dma_wait3A_1529] : memref<2048x32000xf32, #tpu.memory_space<hbm>> -> memref<8x128xf32, #tpu.memory_space<hbm>>
    %dma_wait3A_1531 = arith.constant 0 : i32
    %dma_wait3A_1532 = arith.constant 0 : i32
    %dma_wait3A_1533 = tpu.memref_slice %arg6[%dma_wait3A_1523, %dma_wait3A_1531, %dma_wait3A_1532] : memref<64x8x128xf32, #tpu.memory_space<vmem>> -> memref<1x8x128xf32, #tpu.memory_space<vmem>>
    %dma_wait3A_1534 = tpu.memref_squeeze %dma_wait3A_1533 : memref<1x8x128xf32, #tpu.memory_space<vmem>> -> memref<8x128xf32, #tpu.memory_space<vmem>>
    %dma_wait3A_1535 = arith.constant 0 : i32
    %dma_wait3A_1536 = arith.constant 0 : i32
    %dma_wait3A_1537 = tpu.memref_slice %arg2[%dma_wait3A_1535, %dma_wait3A_1536] : memref<2048x32000xf32, #tpu.memory_space<hbm>> -> memref<8x128xf32, #tpu.memory_space<hbm>>
    tpu.wait_dma2 semaphore(%arg8 : memref<!tpu.dma_semaphore, #tpu.memory_space<semaphore_mem>>) src(%dma_wait3A_1537 : memref<8x128xf32, #tpu.memory_space<hbm>>) dst(%dma_wait3A_1534 : memref<8x128xf32, #tpu.memory_space<vmem>>)
    %dma_wait3A_1538 = arith.constant 33 : i32
    %dma_wait3A_1539 = arith.constant 0 : i32
    %dma_wait3A_1540 = arith.constant 0 : i32
    %dma_wait3A_1541 = tpu.memref_slice %arg6[%dma_wait3A_1538, %dma_wait3A_1539, %dma_wait3A_1540] : memref<64x8x128xf32, #tpu.memory_space<vmem>> -> memref<1x8x128xf32, #tpu.memory_space<vmem>>
    %dma_wait3A_1542 = tpu.memref_squeeze %dma_wait3A_1541 : memref<1x8x128xf32, #tpu.memory_space<vmem>> -> memref<8x128xf32, #tpu.memory_space<vmem>>
    %dma_wait3A_1543 = arith.constant 0 : i32
    %dma_wait3A_1544 = arith.constant 0 : i32
    %dma_wait3A_1545 = tpu.memref_slice %arg2[%dma_wait3A_1543, %dma_wait3A_1544] : memref<2048x32000xf32, #tpu.memory_space<hbm>> -> memref<8x128xf32, #tpu.memory_space<hbm>>
    %dma_wait3A_1546 = arith.constant 0 : i32
    %dma_wait3A_1547 = arith.constant 0 : i32
    %dma_wait3A_1548 = tpu.memref_slice %arg6[%dma_wait3A_1538, %dma_wait3A_1546, %dma_wait3A_1547] : memref<64x8x128xf32, #tpu.memory_space<vmem>> -> memref<1x8x128xf32, #tpu.memory_space<vmem>>
    %dma_wait3A_1549 = tpu.memref_squeeze %dma_wait3A_1548 : memref<1x8x128xf32, #tpu.memory_space<vmem>> -> memref<8x128xf32, #tpu.memory_space<vmem>>
    %dma_wait3A_1550 = arith.constant 0 : i32
    %dma_wait3A_1551 = arith.constant 0 : i32
    %dma_wait3A_1552 = tpu.memref_slice %arg2[%dma_wait3A_1550, %dma_wait3A_1551] : memref<2048x32000xf32, #tpu.memory_space<hbm>> -> memref<8x128xf32, #tpu.memory_space<hbm>>
    tpu.wait_dma2 semaphore(%arg8 : memref<!tpu.dma_semaphore, #tpu.memory_space<semaphore_mem>>) src(%dma_wait3A_1552 : memref<8x128xf32, #tpu.memory_space<hbm>>) dst(%dma_wait3A_1549 : memref<8x128xf32, #tpu.memory_space<vmem>>)
    %dma_wait3A_1553 = arith.constant 34 : i32
    %dma_wait3A_1554 = arith.constant 0 : i32
    %dma_wait3A_1555 = arith.constant 0 : i32
    %dma_wait3A_1556 = tpu.memref_slice %arg6[%dma_wait3A_1553, %dma_wait3A_1554, %dma_wait3A_1555] : memref<64x8x128xf32, #tpu.memory_space<vmem>> -> memref<1x8x128xf32, #tpu.memory_space<vmem>>
    %dma_wait3A_1557 = tpu.memref_squeeze %dma_wait3A_1556 : memref<1x8x128xf32, #tpu.memory_space<vmem>> -> memref<8x128xf32, #tpu.memory_space<vmem>>
    %dma_wait3A_1558 = arith.constant 0 : i32
    %dma_wait3A_1559 = arith.constant 0 : i32
    %dma_wait3A_1560 = tpu.memref_slice %arg2[%dma_wait3A_1558, %dma_wait3A_1559] : memref<2048x32000xf32, #tpu.memory_space<hbm>> -> memref<8x128xf32, #tpu.memory_space<hbm>>
    %dma_wait3A_1561 = arith.constant 0 : i32
    %dma_wait3A_1562 = arith.constant 0 : i32
    %dma_wait3A_1563 = tpu.memref_slice %arg6[%dma_wait3A_1553, %dma_wait3A_1561, %dma_wait3A_1562] : memref<64x8x128xf32, #tpu.memory_space<vmem>> -> memref<1x8x128xf32, #tpu.memory_space<vmem>>
    %dma_wait3A_1564 = tpu.memref_squeeze %dma_wait3A_1563 : memref<1x8x128xf32, #tpu.memory_space<vmem>> -> memref<8x128xf32, #tpu.memory_space<vmem>>
    %dma_wait3A_1565 = arith.constant 0 : i32
    %dma_wait3A_1566 = arith.constant 0 : i32
    %dma_wait3A_1567 = tpu.memref_slice %arg2[%dma_wait3A_1565, %dma_wait3A_1566] : memref<2048x32000xf32, #tpu.memory_space<hbm>> -> memref<8x128xf32, #tpu.memory_space<hbm>>
    tpu.wait_dma2 semaphore(%arg8 : memref<!tpu.dma_semaphore, #tpu.memory_space<semaphore_mem>>) src(%dma_wait3A_1567 : memref<8x128xf32, #tpu.memory_space<hbm>>) dst(%dma_wait3A_1564 : memref<8x128xf32, #tpu.memory_space<vmem>>)
    %dma_wait3A_1568 = arith.constant 35 : i32
    %dma_wait3A_1569 = arith.constant 0 : i32
    %dma_wait3A_1570 = arith.constant 0 : i32
    %dma_wait3A_1571 = tpu.memref_slice %arg6[%dma_wait3A_1568, %dma_wait3A_1569, %dma_wait3A_1570] : memref<64x8x128xf32, #tpu.memory_space<vmem>> -> memref<1x8x128xf32, #tpu.memory_space<vmem>>
    %dma_wait3A_1572 = tpu.memref_squeeze %dma_wait3A_1571 : memref<1x8x128xf32, #tpu.memory_space<vmem>> -> memref<8x128xf32, #tpu.memory_space<vmem>>
    %dma_wait3A_1573 = arith.constant 0 : i32
    %dma_wait3A_1574 = arith.constant 0 : i32
    %dma_wait3A_1575 = tpu.memref_slice %arg2[%dma_wait3A_1573, %dma_wait3A_1574] : memref<2048x32000xf32, #tpu.memory_space<hbm>> -> memref<8x128xf32, #tpu.memory_space<hbm>>
    %dma_wait3A_1576 = arith.constant 0 : i32
    %dma_wait3A_1577 = arith.constant 0 : i32
    %dma_wait3A_1578 = tpu.memref_slice %arg6[%dma_wait3A_1568, %dma_wait3A_1576, %dma_wait3A_1577] : memref<64x8x128xf32, #tpu.memory_space<vmem>> -> memref<1x8x128xf32, #tpu.memory_space<vmem>>
    %dma_wait3A_1579 = tpu.memref_squeeze %dma_wait3A_1578 : memref<1x8x128xf32, #tpu.memory_space<vmem>> -> memref<8x128xf32, #tpu.memory_space<vmem>>
    %dma_wait3A_1580 = arith.constant 0 : i32
    %dma_wait3A_1581 = arith.constant 0 : i32
    %dma_wait3A_1582 = tpu.memref_slice %arg2[%dma_wait3A_1580, %dma_wait3A_1581] : memref<2048x32000xf32, #tpu.memory_space<hbm>> -> memref<8x128xf32, #tpu.memory_space<hbm>>
    tpu.wait_dma2 semaphore(%arg8 : memref<!tpu.dma_semaphore, #tpu.memory_space<semaphore_mem>>) src(%dma_wait3A_1582 : memref<8x128xf32, #tpu.memory_space<hbm>>) dst(%dma_wait3A_1579 : memref<8x128xf32, #tpu.memory_space<vmem>>)
    %dma_wait3A_1583 = arith.constant 36 : i32
    %dma_wait3A_1584 = arith.constant 0 : i32
    %dma_wait3A_1585 = arith.constant 0 : i32
    %dma_wait3A_1586 = tpu.memref_slice %arg6[%dma_wait3A_1583, %dma_wait3A_1584, %dma_wait3A_1585] : memref<64x8x128xf32, #tpu.memory_space<vmem>> -> memref<1x8x128xf32, #tpu.memory_space<vmem>>
    %dma_wait3A_1587 = tpu.memref_squeeze %dma_wait3A_1586 : memref<1x8x128xf32, #tpu.memory_space<vmem>> -> memref<8x128xf32, #tpu.memory_space<vmem>>
    %dma_wait3A_1588 = arith.constant 0 : i32
    %dma_wait3A_1589 = arith.constant 0 : i32
    %dma_wait3A_1590 = tpu.memref_slice %arg2[%dma_wait3A_1588, %dma_wait3A_1589] : memref<2048x32000xf32, #tpu.memory_space<hbm>> -> memref<8x128xf32, #tpu.memory_space<hbm>>
    %dma_wait3A_1591 = arith.constant 0 : i32
    %dma_wait3A_1592 = arith.constant 0 : i32
    %dma_wait3A_1593 = tpu.memref_slice %arg6[%dma_wait3A_1583, %dma_wait3A_1591, %dma_wait3A_1592] : memref<64x8x128xf32, #tpu.memory_space<vmem>> -> memref<1x8x128xf32, #tpu.memory_space<vmem>>
    %dma_wait3A_1594 = tpu.memref_squeeze %dma_wait3A_1593 : memref<1x8x128xf32, #tpu.memory_space<vmem>> -> memref<8x128xf32, #tpu.memory_space<vmem>>
    %dma_wait3A_1595 = arith.constant 0 : i32
    %dma_wait3A_1596 = arith.constant 0 : i32
    %dma_wait3A_1597 = tpu.memref_slice %arg2[%dma_wait3A_1595, %dma_wait3A_1596] : memref<2048x32000xf32, #tpu.memory_space<hbm>> -> memref<8x128xf32, #tpu.memory_space<hbm>>
    tpu.wait_dma2 semaphore(%arg8 : memref<!tpu.dma_semaphore, #tpu.memory_space<semaphore_mem>>) src(%dma_wait3A_1597 : memref<8x128xf32, #tpu.memory_space<hbm>>) dst(%dma_wait3A_1594 : memref<8x128xf32, #tpu.memory_space<vmem>>)
    %dma_wait3A_1598 = arith.constant 37 : i32
    %dma_wait3A_1599 = arith.constant 0 : i32
    %dma_wait3A_1600 = arith.constant 0 : i32
    %dma_wait3A_1601 = tpu.memref_slice %arg6[%dma_wait3A_1598, %dma_wait3A_1599, %dma_wait3A_1600] : memref<64x8x128xf32, #tpu.memory_space<vmem>> -> memref<1x8x128xf32, #tpu.memory_space<vmem>>
    %dma_wait3A_1602 = tpu.memref_squeeze %dma_wait3A_1601 : memref<1x8x128xf32, #tpu.memory_space<vmem>> -> memref<8x128xf32, #tpu.memory_space<vmem>>
    %dma_wait3A_1603 = arith.constant 0 : i32
    %dma_wait3A_1604 = arith.constant 0 : i32
    %dma_wait3A_1605 = tpu.memref_slice %arg2[%dma_wait3A_1603, %dma_wait3A_1604] : memref<2048x32000xf32, #tpu.memory_space<hbm>> -> memref<8x128xf32, #tpu.memory_space<hbm>>
    %dma_wait3A_1606 = arith.constant 0 : i32
    %dma_wait3A_1607 = arith.constant 0 : i32
    %dma_wait3A_1608 = tpu.memref_slice %arg6[%dma_wait3A_1598, %dma_wait3A_1606, %dma_wait3A_1607] : memref<64x8x128xf32, #tpu.memory_space<vmem>> -> memref<1x8x128xf32, #tpu.memory_space<vmem>>
    %dma_wait3A_1609 = tpu.memref_squeeze %dma_wait3A_1608 : memref<1x8x128xf32, #tpu.memory_space<vmem>> -> memref<8x128xf32, #tpu.memory_space<vmem>>
    %dma_wait3A_1610 = arith.constant 0 : i32
    %dma_wait3A_1611 = arith.constant 0 : i32
    %dma_wait3A_1612 = tpu.memref_slice %arg2[%dma_wait3A_1610, %dma_wait3A_1611] : memref<2048x32000xf32, #tpu.memory_space<hbm>> -> memref<8x128xf32, #tpu.memory_space<hbm>>
    tpu.wait_dma2 semaphore(%arg8 : memref<!tpu.dma_semaphore, #tpu.memory_space<semaphore_mem>>) src(%dma_wait3A_1612 : memref<8x128xf32, #tpu.memory_space<hbm>>) dst(%dma_wait3A_1609 : memref<8x128xf32, #tpu.memory_space<vmem>>)
    %dma_wait3A_1613 = arith.constant 38 : i32
    %dma_wait3A_1614 = arith.constant 0 : i32
    %dma_wait3A_1615 = arith.constant 0 : i32
    %dma_wait3A_1616 = tpu.memref_slice %arg6[%dma_wait3A_1613, %dma_wait3A_1614, %dma_wait3A_1615] : memref<64x8x128xf32, #tpu.memory_space<vmem>> -> memref<1x8x128xf32, #tpu.memory_space<vmem>>
    %dma_wait3A_1617 = tpu.memref_squeeze %dma_wait3A_1616 : memref<1x8x128xf32, #tpu.memory_space<vmem>> -> memref<8x128xf32, #tpu.memory_space<vmem>>
    %dma_wait3A_1618 = arith.constant 0 : i32
    %dma_wait3A_1619 = arith.constant 0 : i32
    %dma_wait3A_1620 = tpu.memref_slice %arg2[%dma_wait3A_1618, %dma_wait3A_1619] : memref<2048x32000xf32, #tpu.memory_space<hbm>> -> memref<8x128xf32, #tpu.memory_space<hbm>>
    %dma_wait3A_1621 = arith.constant 0 : i32
    %dma_wait3A_1622 = arith.constant 0 : i32
    %dma_wait3A_1623 = tpu.memref_slice %arg6[%dma_wait3A_1613, %dma_wait3A_1621, %dma_wait3A_1622] : memref<64x8x128xf32, #tpu.memory_space<vmem>> -> memref<1x8x128xf32, #tpu.memory_space<vmem>>
    %dma_wait3A_1624 = tpu.memref_squeeze %dma_wait3A_1623 : memref<1x8x128xf32, #tpu.memory_space<vmem>> -> memref<8x128xf32, #tpu.memory_space<vmem>>
    %dma_wait3A_1625 = arith.constant 0 : i32
    %dma_wait3A_1626 = arith.constant 0 : i32
    %dma_wait3A_1627 = tpu.memref_slice %arg2[%dma_wait3A_1625, %dma_wait3A_1626] : memref<2048x32000xf32, #tpu.memory_space<hbm>> -> memref<8x128xf32, #tpu.memory_space<hbm>>
    tpu.wait_dma2 semaphore(%arg8 : memref<!tpu.dma_semaphore, #tpu.memory_space<semaphore_mem>>) src(%dma_wait3A_1627 : memref<8x128xf32, #tpu.memory_space<hbm>>) dst(%dma_wait3A_1624 : memref<8x128xf32, #tpu.memory_space<vmem>>)
    %dma_wait3A_1628 = arith.constant 39 : i32
    %dma_wait3A_1629 = arith.constant 0 : i32
    %dma_wait3A_1630 = arith.constant 0 : i32
    %dma_wait3A_1631 = tpu.memref_slice %arg6[%dma_wait3A_1628, %dma_wait3A_1629, %dma_wait3A_1630] : memref<64x8x128xf32, #tpu.memory_space<vmem>> -> memref<1x8x128xf32, #tpu.memory_space<vmem>>
    %dma_wait3A_1632 = tpu.memref_squeeze %dma_wait3A_1631 : memref<1x8x128xf32, #tpu.memory_space<vmem>> -> memref<8x128xf32, #tpu.memory_space<vmem>>
    %dma_wait3A_1633 = arith.constant 0 : i32
    %dma_wait3A_1634 = arith.constant 0 : i32
    %dma_wait3A_1635 = tpu.memref_slice %arg2[%dma_wait3A_1633, %dma_wait3A_1634] : memref<2048x32000xf32, #tpu.memory_space<hbm>> -> memref<8x128xf32, #tpu.memory_space<hbm>>
    %dma_wait3A_1636 = arith.constant 0 : i32
    %dma_wait3A_1637 = arith.constant 0 : i32
    %dma_wait3A_1638 = tpu.memref_slice %arg6[%dma_wait3A_1628, %dma_wait3A_1636, %dma_wait3A_1637] : memref<64x8x128xf32, #tpu.memory_space<vmem>> -> memref<1x8x128xf32, #tpu.memory_space<vmem>>
    %dma_wait3A_1639 = tpu.memref_squeeze %dma_wait3A_1638 : memref<1x8x128xf32, #tpu.memory_space<vmem>> -> memref<8x128xf32, #tpu.memory_space<vmem>>
    %dma_wait3A_1640 = arith.constant 0 : i32
    %dma_wait3A_1641 = arith.constant 0 : i32
    %dma_wait3A_1642 = tpu.memref_slice %arg2[%dma_wait3A_1640, %dma_wait3A_1641] : memref<2048x32000xf32, #tpu.memory_space<hbm>> -> memref<8x128xf32, #tpu.memory_space<hbm>>
    tpu.wait_dma2 semaphore(%arg8 : memref<!tpu.dma_semaphore, #tpu.memory_space<semaphore_mem>>) src(%dma_wait3A_1642 : memref<8x128xf32, #tpu.memory_space<hbm>>) dst(%dma_wait3A_1639 : memref<8x128xf32, #tpu.memory_space<vmem>>)
    %dma_wait3A_1643 = arith.constant 40 : i32
    %dma_wait3A_1644 = arith.constant 0 : i32
    %dma_wait3A_1645 = arith.constant 0 : i32
    %dma_wait3A_1646 = tpu.memref_slice %arg6[%dma_wait3A_1643, %dma_wait3A_1644, %dma_wait3A_1645] : memref<64x8x128xf32, #tpu.memory_space<vmem>> -> memref<1x8x128xf32, #tpu.memory_space<vmem>>
    %dma_wait3A_1647 = tpu.memref_squeeze %dma_wait3A_1646 : memref<1x8x128xf32, #tpu.memory_space<vmem>> -> memref<8x128xf32, #tpu.memory_space<vmem>>
    %dma_wait3A_1648 = arith.constant 0 : i32
    %dma_wait3A_1649 = arith.constant 0 : i32
    %dma_wait3A_1650 = tpu.memref_slice %arg2[%dma_wait3A_1648, %dma_wait3A_1649] : memref<2048x32000xf32, #tpu.memory_space<hbm>> -> memref<8x128xf32, #tpu.memory_space<hbm>>
    %dma_wait3A_1651 = arith.constant 0 : i32
    %dma_wait3A_1652 = arith.constant 0 : i32
    %dma_wait3A_1653 = tpu.memref_slice %arg6[%dma_wait3A_1643, %dma_wait3A_1651, %dma_wait3A_1652] : memref<64x8x128xf32, #tpu.memory_space<vmem>> -> memref<1x8x128xf32, #tpu.memory_space<vmem>>
    %dma_wait3A_1654 = tpu.memref_squeeze %dma_wait3A_1653 : memref<1x8x128xf32, #tpu.memory_space<vmem>> -> memref<8x128xf32, #tpu.memory_space<vmem>>
    %dma_wait3A_1655 = arith.constant 0 : i32
    %dma_wait3A_1656 = arith.constant 0 : i32
    %dma_wait3A_1657 = tpu.memref_slice %arg2[%dma_wait3A_1655, %dma_wait3A_1656] : memref<2048x32000xf32, #tpu.memory_space<hbm>> -> memref<8x128xf32, #tpu.memory_space<hbm>>
    tpu.wait_dma2 semaphore(%arg8 : memref<!tpu.dma_semaphore, #tpu.memory_space<semaphore_mem>>) src(%dma_wait3A_1657 : memref<8x128xf32, #tpu.memory_space<hbm>>) dst(%dma_wait3A_1654 : memref<8x128xf32, #tpu.memory_space<vmem>>)
    %dma_wait3A_1658 = arith.constant 41 : i32
    %dma_wait3A_1659 = arith.constant 0 : i32
    %dma_wait3A_1660 = arith.constant 0 : i32
    %dma_wait3A_1661 = tpu.memref_slice %arg6[%dma_wait3A_1658, %dma_wait3A_1659, %dma_wait3A_1660] : memref<64x8x128xf32, #tpu.memory_space<vmem>> -> memref<1x8x128xf32, #tpu.memory_space<vmem>>
    %dma_wait3A_1662 = tpu.memref_squeeze %dma_wait3A_1661 : memref<1x8x128xf32, #tpu.memory_space<vmem>> -> memref<8x128xf32, #tpu.memory_space<vmem>>
    %dma_wait3A_1663 = arith.constant 0 : i32
    %dma_wait3A_1664 = arith.constant 0 : i32
    %dma_wait3A_1665 = tpu.memref_slice %arg2[%dma_wait3A_1663, %dma_wait3A_1664] : memref<2048x32000xf32, #tpu.memory_space<hbm>> -> memref<8x128xf32, #tpu.memory_space<hbm>>
    %dma_wait3A_1666 = arith.constant 0 : i32
    %dma_wait3A_1667 = arith.constant 0 : i32
    %dma_wait3A_1668 = tpu.memref_slice %arg6[%dma_wait3A_1658, %dma_wait3A_1666, %dma_wait3A_1667] : memref<64x8x128xf32, #tpu.memory_space<vmem>> -> memref<1x8x128xf32, #tpu.memory_space<vmem>>
    %dma_wait3A_1669 = tpu.memref_squeeze %dma_wait3A_1668 : memref<1x8x128xf32, #tpu.memory_space<vmem>> -> memref<8x128xf32, #tpu.memory_space<vmem>>
    %dma_wait3A_1670 = arith.constant 0 : i32
    %dma_wait3A_1671 = arith.constant 0 : i32
    %dma_wait3A_1672 = tpu.memref_slice %arg2[%dma_wait3A_1670, %dma_wait3A_1671] : memref<2048x32000xf32, #tpu.memory_space<hbm>> -> memref<8x128xf32, #tpu.memory_space<hbm>>
    tpu.wait_dma2 semaphore(%arg8 : memref<!tpu.dma_semaphore, #tpu.memory_space<semaphore_mem>>) src(%dma_wait3A_1672 : memref<8x128xf32, #tpu.memory_space<hbm>>) dst(%dma_wait3A_1669 : memref<8x128xf32, #tpu.memory_space<vmem>>)
    %dma_wait3A_1673 = arith.constant 42 : i32
    %dma_wait3A_1674 = arith.constant 0 : i32
    %dma_wait3A_1675 = arith.constant 0 : i32
    %dma_wait3A_1676 = tpu.memref_slice %arg6[%dma_wait3A_1673, %dma_wait3A_1674, %dma_wait3A_1675] : memref<64x8x128xf32, #tpu.memory_space<vmem>> -> memref<1x8x128xf32, #tpu.memory_space<vmem>>
    %dma_wait3A_1677 = tpu.memref_squeeze %dma_wait3A_1676 : memref<1x8x128xf32, #tpu.memory_space<vmem>> -> memref<8x128xf32, #tpu.memory_space<vmem>>
    %dma_wait3A_1678 = arith.constant 0 : i32
    %dma_wait3A_1679 = arith.constant 0 : i32
    %dma_wait3A_1680 = tpu.memref_slice %arg2[%dma_wait3A_1678, %dma_wait3A_1679] : memref<2048x32000xf32, #tpu.memory_space<hbm>> -> memref<8x128xf32, #tpu.memory_space<hbm>>
    %dma_wait3A_1681 = arith.constant 0 : i32
    %dma_wait3A_1682 = arith.constant 0 : i32
    %dma_wait3A_1683 = tpu.memref_slice %arg6[%dma_wait3A_1673, %dma_wait3A_1681, %dma_wait3A_1682] : memref<64x8x128xf32, #tpu.memory_space<vmem>> -> memref<1x8x128xf32, #tpu.memory_space<vmem>>
    %dma_wait3A_1684 = tpu.memref_squeeze %dma_wait3A_1683 : memref<1x8x128xf32, #tpu.memory_space<vmem>> -> memref<8x128xf32, #tpu.memory_space<vmem>>
    %dma_wait3A_1685 = arith.constant 0 : i32
    %dma_wait3A_1686 = arith.constant 0 : i32
    %dma_wait3A_1687 = tpu.memref_slice %arg2[%dma_wait3A_1685, %dma_wait3A_1686] : memref<2048x32000xf32, #tpu.memory_space<hbm>> -> memref<8x128xf32, #tpu.memory_space<hbm>>
    tpu.wait_dma2 semaphore(%arg8 : memref<!tpu.dma_semaphore, #tpu.memory_space<semaphore_mem>>) src(%dma_wait3A_1687 : memref<8x128xf32, #tpu.memory_space<hbm>>) dst(%dma_wait3A_1684 : memref<8x128xf32, #tpu.memory_space<vmem>>)
    %dma_wait3A_1688 = arith.constant 43 : i32
    %dma_wait3A_1689 = arith.constant 0 : i32
    %dma_wait3A_1690 = arith.constant 0 : i32
    %dma_wait3A_1691 = tpu.memref_slice %arg6[%dma_wait3A_1688, %dma_wait3A_1689, %dma_wait3A_1690] : memref<64x8x128xf32, #tpu.memory_space<vmem>> -> memref<1x8x128xf32, #tpu.memory_space<vmem>>
    %dma_wait3A_1692 = tpu.memref_squeeze %dma_wait3A_1691 : memref<1x8x128xf32, #tpu.memory_space<vmem>> -> memref<8x128xf32, #tpu.memory_space<vmem>>
    %dma_wait3A_1693 = arith.constant 0 : i32
    %dma_wait3A_1694 = arith.constant 0 : i32
    %dma_wait3A_1695 = tpu.memref_slice %arg2[%dma_wait3A_1693, %dma_wait3A_1694] : memref<2048x32000xf32, #tpu.memory_space<hbm>> -> memref<8x128xf32, #tpu.memory_space<hbm>>
    %dma_wait3A_1696 = arith.constant 0 : i32
    %dma_wait3A_1697 = arith.constant 0 : i32
    %dma_wait3A_1698 = tpu.memref_slice %arg6[%dma_wait3A_1688, %dma_wait3A_1696, %dma_wait3A_1697] : memref<64x8x128xf32, #tpu.memory_space<vmem>> -> memref<1x8x128xf32, #tpu.memory_space<vmem>>
    %dma_wait3A_1699 = tpu.memref_squeeze %dma_wait3A_1698 : memref<1x8x128xf32, #tpu.memory_space<vmem>> -> memref<8x128xf32, #tpu.memory_space<vmem>>
    %dma_wait3A_1700 = arith.constant 0 : i32
    %dma_wait3A_1701 = arith.constant 0 : i32
    %dma_wait3A_1702 = tpu.memref_slice %arg2[%dma_wait3A_1700, %dma_wait3A_1701] : memref<2048x32000xf32, #tpu.memory_space<hbm>> -> memref<8x128xf32, #tpu.memory_space<hbm>>
    tpu.wait_dma2 semaphore(%arg8 : memref<!tpu.dma_semaphore, #tpu.memory_space<semaphore_mem>>) src(%dma_wait3A_1702 : memref<8x128xf32, #tpu.memory_space<hbm>>) dst(%dma_wait3A_1699 : memref<8x128xf32, #tpu.memory_space<vmem>>)
    %dma_wait3A_1703 = arith.constant 44 : i32
    %dma_wait3A_1704 = arith.constant 0 : i32
    %dma_wait3A_1705 = arith.constant 0 : i32
    %dma_wait3A_1706 = tpu.memref_slice %arg6[%dma_wait3A_1703, %dma_wait3A_1704, %dma_wait3A_1705] : memref<64x8x128xf32, #tpu.memory_space<vmem>> -> memref<1x8x128xf32, #tpu.memory_space<vmem>>
    %dma_wait3A_1707 = tpu.memref_squeeze %dma_wait3A_1706 : memref<1x8x128xf32, #tpu.memory_space<vmem>> -> memref<8x128xf32, #tpu.memory_space<vmem>>
    %dma_wait3A_1708 = arith.constant 0 : i32
    %dma_wait3A_1709 = arith.constant 0 : i32
    %dma_wait3A_1710 = tpu.memref_slice %arg2[%dma_wait3A_1708, %dma_wait3A_1709] : memref<2048x32000xf32, #tpu.memory_space<hbm>> -> memref<8x128xf32, #tpu.memory_space<hbm>>
    %dma_wait3A_1711 = arith.constant 0 : i32
    %dma_wait3A_1712 = arith.constant 0 : i32
    %dma_wait3A_1713 = tpu.memref_slice %arg6[%dma_wait3A_1703, %dma_wait3A_1711, %dma_wait3A_1712] : memref<64x8x128xf32, #tpu.memory_space<vmem>> -> memref<1x8x128xf32, #tpu.memory_space<vmem>>
    %dma_wait3A_1714 = tpu.memref_squeeze %dma_wait3A_1713 : memref<1x8x128xf32, #tpu.memory_space<vmem>> -> memref<8x128xf32, #tpu.memory_space<vmem>>
    %dma_wait3A_1715 = arith.constant 0 : i32
    %dma_wait3A_1716 = arith.constant 0 : i32
    %dma_wait3A_1717 = tpu.memref_slice %arg2[%dma_wait3A_1715, %dma_wait3A_1716] : memref<2048x32000xf32, #tpu.memory_space<hbm>> -> memref<8x128xf32, #tpu.memory_space<hbm>>
    tpu.wait_dma2 semaphore(%arg8 : memref<!tpu.dma_semaphore, #tpu.memory_space<semaphore_mem>>) src(%dma_wait3A_1717 : memref<8x128xf32, #tpu.memory_space<hbm>>) dst(%dma_wait3A_1714 : memref<8x128xf32, #tpu.memory_space<vmem>>)
    %dma_wait3A_1718 = arith.constant 45 : i32
    %dma_wait3A_1719 = arith.constant 0 : i32
    %dma_wait3A_1720 = arith.constant 0 : i32
    %dma_wait3A_1721 = tpu.memref_slice %arg6[%dma_wait3A_1718, %dma_wait3A_1719, %dma_wait3A_1720] : memref<64x8x128xf32, #tpu.memory_space<vmem>> -> memref<1x8x128xf32, #tpu.memory_space<vmem>>
    %dma_wait3A_1722 = tpu.memref_squeeze %dma_wait3A_1721 : memref<1x8x128xf32, #tpu.memory_space<vmem>> -> memref<8x128xf32, #tpu.memory_space<vmem>>
    %dma_wait3A_1723 = arith.constant 0 : i32
    %dma_wait3A_1724 = arith.constant 0 : i32
    %dma_wait3A_1725 = tpu.memref_slice %arg2[%dma_wait3A_1723, %dma_wait3A_1724] : memref<2048x32000xf32, #tpu.memory_space<hbm>> -> memref<8x128xf32, #tpu.memory_space<hbm>>
    %dma_wait3A_1726 = arith.constant 0 : i32
    %dma_wait3A_1727 = arith.constant 0 : i32
    %dma_wait3A_1728 = tpu.memref_slice %arg6[%dma_wait3A_1718, %dma_wait3A_1726, %dma_wait3A_1727] : memref<64x8x128xf32, #tpu.memory_space<vmem>> -> memref<1x8x128xf32, #tpu.memory_space<vmem>>
    %dma_wait3A_1729 = tpu.memref_squeeze %dma_wait3A_1728 : memref<1x8x128xf32, #tpu.memory_space<vmem>> -> memref<8x128xf32, #tpu.memory_space<vmem>>
    %dma_wait3A_1730 = arith.constant 0 : i32
    %dma_wait3A_1731 = arith.constant 0 : i32
    %dma_wait3A_1732 = tpu.memref_slice %arg2[%dma_wait3A_1730, %dma_wait3A_1731] : memref<2048x32000xf32, #tpu.memory_space<hbm>> -> memref<8x128xf32, #tpu.memory_space<hbm>>
    tpu.wait_dma2 semaphore(%arg8 : memref<!tpu.dma_semaphore, #tpu.memory_space<semaphore_mem>>) src(%dma_wait3A_1732 : memref<8x128xf32, #tpu.memory_space<hbm>>) dst(%dma_wait3A_1729 : memref<8x128xf32, #tpu.memory_space<vmem>>)
    %dma_wait3A_1733 = arith.constant 46 : i32
    %dma_wait3A_1734 = arith.constant 0 : i32
    %dma_wait3A_1735 = arith.constant 0 : i32
    %dma_wait3A_1736 = tpu.memref_slice %arg6[%dma_wait3A_1733, %dma_wait3A_1734, %dma_wait3A_1735] : memref<64x8x128xf32, #tpu.memory_space<vmem>> -> memref<1x8x128xf32, #tpu.memory_space<vmem>>
    %dma_wait3A_1737 = tpu.memref_squeeze %dma_wait3A_1736 : memref<1x8x128xf32, #tpu.memory_space<vmem>> -> memref<8x128xf32, #tpu.memory_space<vmem>>
    %dma_wait3A_1738 = arith.constant 0 : i32
    %dma_wait3A_1739 = arith.constant 0 : i32
    %dma_wait3A_1740 = tpu.memref_slice %arg2[%dma_wait3A_1738, %dma_wait3A_1739] : memref<2048x32000xf32, #tpu.memory_space<hbm>> -> memref<8x128xf32, #tpu.memory_space<hbm>>
    %dma_wait3A_1741 = arith.constant 0 : i32
    %dma_wait3A_1742 = arith.constant 0 : i32
    %dma_wait3A_1743 = tpu.memref_slice %arg6[%dma_wait3A_1733, %dma_wait3A_1741, %dma_wait3A_1742] : memref<64x8x128xf32, #tpu.memory_space<vmem>> -> memref<1x8x128xf32, #tpu.memory_space<vmem>>
    %dma_wait3A_1744 = tpu.memref_squeeze %dma_wait3A_1743 : memref<1x8x128xf32, #tpu.memory_space<vmem>> -> memref<8x128xf32, #tpu.memory_space<vmem>>
    %dma_wait3A_1745 = arith.constant 0 : i32
    %dma_wait3A_1746 = arith.constant 0 : i32
    %dma_wait3A_1747 = tpu.memref_slice %arg2[%dma_wait3A_1745, %dma_wait3A_1746] : memref<2048x32000xf32, #tpu.memory_space<hbm>> -> memref<8x128xf32, #tpu.memory_space<hbm>>
    tpu.wait_dma2 semaphore(%arg8 : memref<!tpu.dma_semaphore, #tpu.memory_space<semaphore_mem>>) src(%dma_wait3A_1747 : memref<8x128xf32, #tpu.memory_space<hbm>>) dst(%dma_wait3A_1744 : memref<8x128xf32, #tpu.memory_space<vmem>>)
    %dma_wait3A_1748 = arith.constant 47 : i32
    %dma_wait3A_1749 = arith.constant 0 : i32
    %dma_wait3A_1750 = arith.constant 0 : i32
    %dma_wait3A_1751 = tpu.memref_slice %arg6[%dma_wait3A_1748, %dma_wait3A_1749, %dma_wait3A_1750] : memref<64x8x128xf32, #tpu.memory_space<vmem>> -> memref<1x8x128xf32, #tpu.memory_space<vmem>>
    %dma_wait3A_1752 = tpu.memref_squeeze %dma_wait3A_1751 : memref<1x8x128xf32, #tpu.memory_space<vmem>> -> memref<8x128xf32, #tpu.memory_space<vmem>>
    %dma_wait3A_1753 = arith.constant 0 : i32
    %dma_wait3A_1754 = arith.constant 0 : i32
    %dma_wait3A_1755 = tpu.memref_slice %arg2[%dma_wait3A_1753, %dma_wait3A_1754] : memref<2048x32000xf32, #tpu.memory_space<hbm>> -> memref<8x128xf32, #tpu.memory_space<hbm>>
    %dma_wait3A_1756 = arith.constant 0 : i32
    %dma_wait3A_1757 = arith.constant 0 : i32
    %dma_wait3A_1758 = tpu.memref_slice %arg6[%dma_wait3A_1748, %dma_wait3A_1756, %dma_wait3A_1757] : memref<64x8x128xf32, #tpu.memory_space<vmem>> -> memref<1x8x128xf32, #tpu.memory_space<vmem>>
    %dma_wait3A_1759 = tpu.memref_squeeze %dma_wait3A_1758 : memref<1x8x128xf32, #tpu.memory_space<vmem>> -> memref<8x128xf32, #tpu.memory_space<vmem>>
    %dma_wait3A_1760 = arith.constant 0 : i32
    %dma_wait3A_1761 = arith.constant 0 : i32
    %dma_wait3A_1762 = tpu.memref_slice %arg2[%dma_wait3A_1760, %dma_wait3A_1761] : memref<2048x32000xf32, #tpu.memory_space<hbm>> -> memref<8x128xf32, #tpu.memory_space<hbm>>
    tpu.wait_dma2 semaphore(%arg8 : memref<!tpu.dma_semaphore, #tpu.memory_space<semaphore_mem>>) src(%dma_wait3A_1762 : memref<8x128xf32, #tpu.memory_space<hbm>>) dst(%dma_wait3A_1759 : memref<8x128xf32, #tpu.memory_space<vmem>>)
    %dma_wait3A_1763 = arith.constant 48 : i32
    %dma_wait3A_1764 = arith.constant 0 : i32
    %dma_wait3A_1765 = arith.constant 0 : i32
    %dma_wait3A_1766 = tpu.memref_slice %arg6[%dma_wait3A_1763, %dma_wait3A_1764, %dma_wait3A_1765] : memref<64x8x128xf32, #tpu.memory_space<vmem>> -> memref<1x8x128xf32, #tpu.memory_space<vmem>>
    %dma_wait3A_1767 = tpu.memref_squeeze %dma_wait3A_1766 : memref<1x8x128xf32, #tpu.memory_space<vmem>> -> memref<8x128xf32, #tpu.memory_space<vmem>>
    %dma_wait3A_1768 = arith.constant 0 : i32
    %dma_wait3A_1769 = arith.constant 0 : i32
    %dma_wait3A_1770 = tpu.memref_slice %arg2[%dma_wait3A_1768, %dma_wait3A_1769] : memref<2048x32000xf32, #tpu.memory_space<hbm>> -> memref<8x128xf32, #tpu.memory_space<hbm>>
    %dma_wait3A_1771 = arith.constant 0 : i32
    %dma_wait3A_1772 = arith.constant 0 : i32
    %dma_wait3A_1773 = tpu.memref_slice %arg6[%dma_wait3A_1763, %dma_wait3A_1771, %dma_wait3A_1772] : memref<64x8x128xf32, #tpu.memory_space<vmem>> -> memref<1x8x128xf32, #tpu.memory_space<vmem>>
    %dma_wait3A_1774 = tpu.memref_squeeze %dma_wait3A_1773 : memref<1x8x128xf32, #tpu.memory_space<vmem>> -> memref<8x128xf32, #tpu.memory_space<vmem>>
    %dma_wait3A_1775 = arith.constant 0 : i32
    %dma_wait3A_1776 = arith.constant 0 : i32
    %dma_wait3A_1777 = tpu.memref_slice %arg2[%dma_wait3A_1775, %dma_wait3A_1776] : memref<2048x32000xf32, #tpu.memory_space<hbm>> -> memref<8x128xf32, #tpu.memory_space<hbm>>
    tpu.wait_dma2 semaphore(%arg8 : memref<!tpu.dma_semaphore, #tpu.memory_space<semaphore_mem>>) src(%dma_wait3A_1777 : memref<8x128xf32, #tpu.memory_space<hbm>>) dst(%dma_wait3A_1774 : memref<8x128xf32, #tpu.memory_space<vmem>>)
    %dma_wait3A_1778 = arith.constant 49 : i32
    %dma_wait3A_1779 = arith.constant 0 : i32
    %dma_wait3A_1780 = arith.constant 0 : i32
    %dma_wait3A_1781 = tpu.memref_slice %arg6[%dma_wait3A_1778, %dma_wait3A_1779, %dma_wait3A_1780] : memref<64x8x128xf32, #tpu.memory_space<vmem>> -> memref<1x8x128xf32, #tpu.memory_space<vmem>>
    %dma_wait3A_1782 = tpu.memref_squeeze %dma_wait3A_1781 : memref<1x8x128xf32, #tpu.memory_space<vmem>> -> memref<8x128xf32, #tpu.memory_space<vmem>>
    %dma_wait3A_1783 = arith.constant 0 : i32
    %dma_wait3A_1784 = arith.constant 0 : i32
    %dma_wait3A_1785 = tpu.memref_slice %arg2[%dma_wait3A_1783, %dma_wait3A_1784] : memref<2048x32000xf32, #tpu.memory_space<hbm>> -> memref<8x128xf32, #tpu.memory_space<hbm>>
    %dma_wait3A_1786 = arith.constant 0 : i32
    %dma_wait3A_1787 = arith.constant 0 : i32
    %dma_wait3A_1788 = tpu.memref_slice %arg6[%dma_wait3A_1778, %dma_wait3A_1786, %dma_wait3A_1787] : memref<64x8x128xf32, #tpu.memory_space<vmem>> -> memref<1x8x128xf32, #tpu.memory_space<vmem>>
    %dma_wait3A_1789 = tpu.memref_squeeze %dma_wait3A_1788 : memref<1x8x128xf32, #tpu.memory_space<vmem>> -> memref<8x128xf32, #tpu.memory_space<vmem>>
    %dma_wait3A_1790 = arith.constant 0 : i32
    %dma_wait3A_1791 = arith.constant 0 : i32
    %dma_wait3A_1792 = tpu.memref_slice %arg2[%dma_wait3A_1790, %dma_wait3A_1791] : memref<2048x32000xf32, #tpu.memory_space<hbm>> -> memref<8x128xf32, #tpu.memory_space<hbm>>
    tpu.wait_dma2 semaphore(%arg8 : memref<!tpu.dma_semaphore, #tpu.memory_space<semaphore_mem>>) src(%dma_wait3A_1792 : memref<8x128xf32, #tpu.memory_space<hbm>>) dst(%dma_wait3A_1789 : memref<8x128xf32, #tpu.memory_space<vmem>>)
    %dma_wait3A_1793 = arith.constant 50 : i32
    %dma_wait3A_1794 = arith.constant 0 : i32
    %dma_wait3A_1795 = arith.constant 0 : i32
    %dma_wait3A_1796 = tpu.memref_slice %arg6[%dma_wait3A_1793, %dma_wait3A_1794, %dma_wait3A_1795] : memref<64x8x128xf32, #tpu.memory_space<vmem>> -> memref<1x8x128xf32, #tpu.memory_space<vmem>>
    %dma_wait3A_1797 = tpu.memref_squeeze %dma_wait3A_1796 : memref<1x8x128xf32, #tpu.memory_space<vmem>> -> memref<8x128xf32, #tpu.memory_space<vmem>>
    %dma_wait3A_1798 = arith.constant 0 : i32
    %dma_wait3A_1799 = arith.constant 0 : i32
    %dma_wait3A_1800 = tpu.memref_slice %arg2[%dma_wait3A_1798, %dma_wait3A_1799] : memref<2048x32000xf32, #tpu.memory_space<hbm>> -> memref<8x128xf32, #tpu.memory_space<hbm>>
    %dma_wait3A_1801 = arith.constant 0 : i32
    %dma_wait3A_1802 = arith.constant 0 : i32
    %dma_wait3A_1803 = tpu.memref_slice %arg6[%dma_wait3A_1793, %dma_wait3A_1801, %dma_wait3A_1802] : memref<64x8x128xf32, #tpu.memory_space<vmem>> -> memref<1x8x128xf32, #tpu.memory_space<vmem>>
    %dma_wait3A_1804 = tpu.memref_squeeze %dma_wait3A_1803 : memref<1x8x128xf32, #tpu.memory_space<vmem>> -> memref<8x128xf32, #tpu.memory_space<vmem>>
    %dma_wait3A_1805 = arith.constant 0 : i32
    %dma_wait3A_1806 = arith.constant 0 : i32
    %dma_wait3A_1807 = tpu.memref_slice %arg2[%dma_wait3A_1805, %dma_wait3A_1806] : memref<2048x32000xf32, #tpu.memory_space<hbm>> -> memref<8x128xf32, #tpu.memory_space<hbm>>
    tpu.wait_dma2 semaphore(%arg8 : memref<!tpu.dma_semaphore, #tpu.memory_space<semaphore_mem>>) src(%dma_wait3A_1807 : memref<8x128xf32, #tpu.memory_space<hbm>>) dst(%dma_wait3A_1804 : memref<8x128xf32, #tpu.memory_space<vmem>>)
    %dma_wait3A_1808 = arith.constant 51 : i32
    %dma_wait3A_1809 = arith.constant 0 : i32
    %dma_wait3A_1810 = arith.constant 0 : i32
    %dma_wait3A_1811 = tpu.memref_slice %arg6[%dma_wait3A_1808, %dma_wait3A_1809, %dma_wait3A_1810] : memref<64x8x128xf32, #tpu.memory_space<vmem>> -> memref<1x8x128xf32, #tpu.memory_space<vmem>>
    %dma_wait3A_1812 = tpu.memref_squeeze %dma_wait3A_1811 : memref<1x8x128xf32, #tpu.memory_space<vmem>> -> memref<8x128xf32, #tpu.memory_space<vmem>>
    %dma_wait3A_1813 = arith.constant 0 : i32
    %dma_wait3A_1814 = arith.constant 0 : i32
    %dma_wait3A_1815 = tpu.memref_slice %arg2[%dma_wait3A_1813, %dma_wait3A_1814] : memref<2048x32000xf32, #tpu.memory_space<hbm>> -> memref<8x128xf32, #tpu.memory_space<hbm>>
    %dma_wait3A_1816 = arith.constant 0 : i32
    %dma_wait3A_1817 = arith.constant 0 : i32
    %dma_wait3A_1818 = tpu.memref_slice %arg6[%dma_wait3A_1808, %dma_wait3A_1816, %dma_wait3A_1817] : memref<64x8x128xf32, #tpu.memory_space<vmem>> -> memref<1x8x128xf32, #tpu.memory_space<vmem>>
    %dma_wait3A_1819 = tpu.memref_squeeze %dma_wait3A_1818 : memref<1x8x128xf32, #tpu.memory_space<vmem>> -> memref<8x128xf32, #tpu.memory_space<vmem>>
    %dma_wait3A_1820 = arith.constant 0 : i32
    %dma_wait3A_1821 = arith.constant 0 : i32
    %dma_wait3A_1822 = tpu.memref_slice %arg2[%dma_wait3A_1820, %dma_wait3A_1821] : memref<2048x32000xf32, #tpu.memory_space<hbm>> -> memref<8x128xf32, #tpu.memory_space<hbm>>
    tpu.wait_dma2 semaphore(%arg8 : memref<!tpu.dma_semaphore, #tpu.memory_space<semaphore_mem>>) src(%dma_wait3A_1822 : memref<8x128xf32, #tpu.memory_space<hbm>>) dst(%dma_wait3A_1819 : memref<8x128xf32, #tpu.memory_space<vmem>>)
    %dma_wait3A_1823 = arith.constant 52 : i32
    %dma_wait3A_1824 = arith.constant 0 : i32
    %dma_wait3A_1825 = arith.constant 0 : i32
    %dma_wait3A_1826 = tpu.memref_slice %arg6[%dma_wait3A_1823, %dma_wait3A_1824, %dma_wait3A_1825] : memref<64x8x128xf32, #tpu.memory_space<vmem>> -> memref<1x8x128xf32, #tpu.memory_space<vmem>>
    %dma_wait3A_1827 = tpu.memref_squeeze %dma_wait3A_1826 : memref<1x8x128xf32, #tpu.memory_space<vmem>> -> memref<8x128xf32, #tpu.memory_space<vmem>>
    %dma_wait3A_1828 = arith.constant 0 : i32
    %dma_wait3A_1829 = arith.constant 0 : i32
    %dma_wait3A_1830 = tpu.memref_slice %arg2[%dma_wait3A_1828, %dma_wait3A_1829] : memref<2048x32000xf32, #tpu.memory_space<hbm>> -> memref<8x128xf32, #tpu.memory_space<hbm>>
    %dma_wait3A_1831 = arith.constant 0 : i32
    %dma_wait3A_1832 = arith.constant 0 : i32
    %dma_wait3A_1833 = tpu.memref_slice %arg6[%dma_wait3A_1823, %dma_wait3A_1831, %dma_wait3A_1832] : memref<64x8x128xf32, #tpu.memory_space<vmem>> -> memref<1x8x128xf32, #tpu.memory_space<vmem>>
    %dma_wait3A_1834 = tpu.memref_squeeze %dma_wait3A_1833 : memref<1x8x128xf32, #tpu.memory_space<vmem>> -> memref<8x128xf32, #tpu.memory_space<vmem>>
    %dma_wait3A_1835 = arith.constant 0 : i32
    %dma_wait3A_1836 = arith.constant 0 : i32
    %dma_wait3A_1837 = tpu.memref_slice %arg2[%dma_wait3A_1835, %dma_wait3A_1836] : memref<2048x32000xf32, #tpu.memory_space<hbm>> -> memref<8x128xf32, #tpu.memory_space<hbm>>
    tpu.wait_dma2 semaphore(%arg8 : memref<!tpu.dma_semaphore, #tpu.memory_space<semaphore_mem>>) src(%dma_wait3A_1837 : memref<8x128xf32, #tpu.memory_space<hbm>>) dst(%dma_wait3A_1834 : memref<8x128xf32, #tpu.memory_space<vmem>>)
    %dma_wait3A_1838 = arith.constant 53 : i32
    %dma_wait3A_1839 = arith.constant 0 : i32
    %dma_wait3A_1840 = arith.constant 0 : i32
    %dma_wait3A_1841 = tpu.memref_slice %arg6[%dma_wait3A_1838, %dma_wait3A_1839, %dma_wait3A_1840] : memref<64x8x128xf32, #tpu.memory_space<vmem>> -> memref<1x8x128xf32, #tpu.memory_space<vmem>>
    %dma_wait3A_1842 = tpu.memref_squeeze %dma_wait3A_1841 : memref<1x8x128xf32, #tpu.memory_space<vmem>> -> memref<8x128xf32, #tpu.memory_space<vmem>>
    %dma_wait3A_1843 = arith.constant 0 : i32
    %dma_wait3A_1844 = arith.constant 0 : i32
    %dma_wait3A_1845 = tpu.memref_slice %arg2[%dma_wait3A_1843, %dma_wait3A_1844] : memref<2048x32000xf32, #tpu.memory_space<hbm>> -> memref<8x128xf32, #tpu.memory_space<hbm>>
    %dma_wait3A_1846 = arith.constant 0 : i32
    %dma_wait3A_1847 = arith.constant 0 : i32
    %dma_wait3A_1848 = tpu.memref_slice %arg6[%dma_wait3A_1838, %dma_wait3A_1846, %dma_wait3A_1847] : memref<64x8x128xf32, #tpu.memory_space<vmem>> -> memref<1x8x128xf32, #tpu.memory_space<vmem>>
    %dma_wait3A_1849 = tpu.memref_squeeze %dma_wait3A_1848 : memref<1x8x128xf32, #tpu.memory_space<vmem>> -> memref<8x128xf32, #tpu.memory_space<vmem>>
    %dma_wait3A_1850 = arith.constant 0 : i32
    %dma_wait3A_1851 = arith.constant 0 : i32
    %dma_wait3A_1852 = tpu.memref_slice %arg2[%dma_wait3A_1850, %dma_wait3A_1851] : memref<2048x32000xf32, #tpu.memory_space<hbm>> -> memref<8x128xf32, #tpu.memory_space<hbm>>
    tpu.wait_dma2 semaphore(%arg8 : memref<!tpu.dma_semaphore, #tpu.memory_space<semaphore_mem>>) src(%dma_wait3A_1852 : memref<8x128xf32, #tpu.memory_space<hbm>>) dst(%dma_wait3A_1849 : memref<8x128xf32, #tpu.memory_space<vmem>>)
    %dma_wait3A_1853 = arith.constant 54 : i32
    %dma_wait3A_1854 = arith.constant 0 : i32
    %dma_wait3A_1855 = arith.constant 0 : i32
    %dma_wait3A_1856 = tpu.memref_slice %arg6[%dma_wait3A_1853, %dma_wait3A_1854, %dma_wait3A_1855] : memref<64x8x128xf32, #tpu.memory_space<vmem>> -> memref<1x8x128xf32, #tpu.memory_space<vmem>>
    %dma_wait3A_1857 = tpu.memref_squeeze %dma_wait3A_1856 : memref<1x8x128xf32, #tpu.memory_space<vmem>> -> memref<8x128xf32, #tpu.memory_space<vmem>>
    %dma_wait3A_1858 = arith.constant 0 : i32
    %dma_wait3A_1859 = arith.constant 0 : i32
    %dma_wait3A_1860 = tpu.memref_slice %arg2[%dma_wait3A_1858, %dma_wait3A_1859] : memref<2048x32000xf32, #tpu.memory_space<hbm>> -> memref<8x128xf32, #tpu.memory_space<hbm>>
    %dma_wait3A_1861 = arith.constant 0 : i32
    %dma_wait3A_1862 = arith.constant 0 : i32
    %dma_wait3A_1863 = tpu.memref_slice %arg6[%dma_wait3A_1853, %dma_wait3A_1861, %dma_wait3A_1862] : memref<64x8x128xf32, #tpu.memory_space<vmem>> -> memref<1x8x128xf32, #tpu.memory_space<vmem>>
    %dma_wait3A_1864 = tpu.memref_squeeze %dma_wait3A_1863 : memref<1x8x128xf32, #tpu.memory_space<vmem>> -> memref<8x128xf32, #tpu.memory_space<vmem>>
    %dma_wait3A_1865 = arith.constant 0 : i32
    %dma_wait3A_1866 = arith.constant 0 : i32
    %dma_wait3A_1867 = tpu.memref_slice %arg2[%dma_wait3A_1865, %dma_wait3A_1866] : memref<2048x32000xf32, #tpu.memory_space<hbm>> -> memref<8x128xf32, #tpu.memory_space<hbm>>
    tpu.wait_dma2 semaphore(%arg8 : memref<!tpu.dma_semaphore, #tpu.memory_space<semaphore_mem>>) src(%dma_wait3A_1867 : memref<8x128xf32, #tpu.memory_space<hbm>>) dst(%dma_wait3A_1864 : memref<8x128xf32, #tpu.memory_space<vmem>>)
    %dma_wait3A_1868 = arith.constant 55 : i32
    %dma_wait3A_1869 = arith.constant 0 : i32
    %dma_wait3A_1870 = arith.constant 0 : i32
    %dma_wait3A_1871 = tpu.memref_slice %arg6[%dma_wait3A_1868, %dma_wait3A_1869, %dma_wait3A_1870] : memref<64x8x128xf32, #tpu.memory_space<vmem>> -> memref<1x8x128xf32, #tpu.memory_space<vmem>>
    %dma_wait3A_1872 = tpu.memref_squeeze %dma_wait3A_1871 : memref<1x8x128xf32, #tpu.memory_space<vmem>> -> memref<8x128xf32, #tpu.memory_space<vmem>>
    %dma_wait3A_1873 = arith.constant 0 : i32
    %dma_wait3A_1874 = arith.constant 0 : i32
    %dma_wait3A_1875 = tpu.memref_slice %arg2[%dma_wait3A_1873, %dma_wait3A_1874] : memref<2048x32000xf32, #tpu.memory_space<hbm>> -> memref<8x128xf32, #tpu.memory_space<hbm>>
    %dma_wait3A_1876 = arith.constant 0 : i32
    %dma_wait3A_1877 = arith.constant 0 : i32
    %dma_wait3A_1878 = tpu.memref_slice %arg6[%dma_wait3A_1868, %dma_wait3A_1876, %dma_wait3A_1877] : memref<64x8x128xf32, #tpu.memory_space<vmem>> -> memref<1x8x128xf32, #tpu.memory_space<vmem>>
    %dma_wait3A_1879 = tpu.memref_squeeze %dma_wait3A_1878 : memref<1x8x128xf32, #tpu.memory_space<vmem>> -> memref<8x128xf32, #tpu.memory_space<vmem>>
    %dma_wait3A_1880 = arith.constant 0 : i32
    %dma_wait3A_1881 = arith.constant 0 : i32
    %dma_wait3A_1882 = tpu.memref_slice %arg2[%dma_wait3A_1880, %dma_wait3A_1881] : memref<2048x32000xf32, #tpu.memory_space<hbm>> -> memref<8x128xf32, #tpu.memory_space<hbm>>
    tpu.wait_dma2 semaphore(%arg8 : memref<!tpu.dma_semaphore, #tpu.memory_space<semaphore_mem>>) src(%dma_wait3A_1882 : memref<8x128xf32, #tpu.memory_space<hbm>>) dst(%dma_wait3A_1879 : memref<8x128xf32, #tpu.memory_space<vmem>>)
    %dma_wait3A_1883 = arith.constant 56 : i32
    %dma_wait3A_1884 = arith.constant 0 : i32
    %dma_wait3A_1885 = arith.constant 0 : i32
    %dma_wait3A_1886 = tpu.memref_slice %arg6[%dma_wait3A_1883, %dma_wait3A_1884, %dma_wait3A_1885] : memref<64x8x128xf32, #tpu.memory_space<vmem>> -> memref<1x8x128xf32, #tpu.memory_space<vmem>>
    %dma_wait3A_1887 = tpu.memref_squeeze %dma_wait3A_1886 : memref<1x8x128xf32, #tpu.memory_space<vmem>> -> memref<8x128xf32, #tpu.memory_space<vmem>>
    %dma_wait3A_1888 = arith.constant 0 : i32
    %dma_wait3A_1889 = arith.constant 0 : i32
    %dma_wait3A_1890 = tpu.memref_slice %arg2[%dma_wait3A_1888, %dma_wait3A_1889] : memref<2048x32000xf32, #tpu.memory_space<hbm>> -> memref<8x128xf32, #tpu.memory_space<hbm>>
    %dma_wait3A_1891 = arith.constant 0 : i32
    %dma_wait3A_1892 = arith.constant 0 : i32
    %dma_wait3A_1893 = tpu.memref_slice %arg6[%dma_wait3A_1883, %dma_wait3A_1891, %dma_wait3A_1892] : memref<64x8x128xf32, #tpu.memory_space<vmem>> -> memref<1x8x128xf32, #tpu.memory_space<vmem>>
    %dma_wait3A_1894 = tpu.memref_squeeze %dma_wait3A_1893 : memref<1x8x128xf32, #tpu.memory_space<vmem>> -> memref<8x128xf32, #tpu.memory_space<vmem>>
    %dma_wait3A_1895 = arith.constant 0 : i32
    %dma_wait3A_1896 = arith.constant 0 : i32
    %dma_wait3A_1897 = tpu.memref_slice %arg2[%dma_wait3A_1895, %dma_wait3A_1896] : memref<2048x32000xf32, #tpu.memory_space<hbm>> -> memref<8x128xf32, #tpu.memory_space<hbm>>
    tpu.wait_dma2 semaphore(%arg8 : memref<!tpu.dma_semaphore, #tpu.memory_space<semaphore_mem>>) src(%dma_wait3A_1897 : memref<8x128xf32, #tpu.memory_space<hbm>>) dst(%dma_wait3A_1894 : memref<8x128xf32, #tpu.memory_space<vmem>>)
    %dma_wait3A_1898 = arith.constant 57 : i32
    %dma_wait3A_1899 = arith.constant 0 : i32
    %dma_wait3A_1900 = arith.constant 0 : i32
    %dma_wait3A_1901 = tpu.memref_slice %arg6[%dma_wait3A_1898, %dma_wait3A_1899, %dma_wait3A_1900] : memref<64x8x128xf32, #tpu.memory_space<vmem>> -> memref<1x8x128xf32, #tpu.memory_space<vmem>>
    %dma_wait3A_1902 = tpu.memref_squeeze %dma_wait3A_1901 : memref<1x8x128xf32, #tpu.memory_space<vmem>> -> memref<8x128xf32, #tpu.memory_space<vmem>>
    %dma_wait3A_1903 = arith.constant 0 : i32
    %dma_wait3A_1904 = arith.constant 0 : i32
    %dma_wait3A_1905 = tpu.memref_slice %arg2[%dma_wait3A_1903, %dma_wait3A_1904] : memref<2048x32000xf32, #tpu.memory_space<hbm>> -> memref<8x128xf32, #tpu.memory_space<hbm>>
    %dma_wait3A_1906 = arith.constant 0 : i32
    %dma_wait3A_1907 = arith.constant 0 : i32
    %dma_wait3A_1908 = tpu.memref_slice %arg6[%dma_wait3A_1898, %dma_wait3A_1906, %dma_wait3A_1907] : memref<64x8x128xf32, #tpu.memory_space<vmem>> -> memref<1x8x128xf32, #tpu.memory_space<vmem>>
    %dma_wait3A_1909 = tpu.memref_squeeze %dma_wait3A_1908 : memref<1x8x128xf32, #tpu.memory_space<vmem>> -> memref<8x128xf32, #tpu.memory_space<vmem>>
    %dma_wait3A_1910 = arith.constant 0 : i32
    %dma_wait3A_1911 = arith.constant 0 : i32
    %dma_wait3A_1912 = tpu.memref_slice %arg2[%dma_wait3A_1910, %dma_wait3A_1911] : memref<2048x32000xf32, #tpu.memory_space<hbm>> -> memref<8x128xf32, #tpu.memory_space<hbm>>
    tpu.wait_dma2 semaphore(%arg8 : memref<!tpu.dma_semaphore, #tpu.memory_space<semaphore_mem>>) src(%dma_wait3A_1912 : memref<8x128xf32, #tpu.memory_space<hbm>>) dst(%dma_wait3A_1909 : memref<8x128xf32, #tpu.memory_space<vmem>>)
    %dma_wait3A_1913 = arith.constant 58 : i32
    %dma_wait3A_1914 = arith.constant 0 : i32
    %dma_wait3A_1915 = arith.constant 0 : i32
    %dma_wait3A_1916 = tpu.memref_slice %arg6[%dma_wait3A_1913, %dma_wait3A_1914, %dma_wait3A_1915] : memref<64x8x128xf32, #tpu.memory_space<vmem>> -> memref<1x8x128xf32, #tpu.memory_space<vmem>>
    %dma_wait3A_1917 = tpu.memref_squeeze %dma_wait3A_1916 : memref<1x8x128xf32, #tpu.memory_space<vmem>> -> memref<8x128xf32, #tpu.memory_space<vmem>>
    %dma_wait3A_1918 = arith.constant 0 : i32
    %dma_wait3A_1919 = arith.constant 0 : i32
    %dma_wait3A_1920 = tpu.memref_slice %arg2[%dma_wait3A_1918, %dma_wait3A_1919] : memref<2048x32000xf32, #tpu.memory_space<hbm>> -> memref<8x128xf32, #tpu.memory_space<hbm>>
    %dma_wait3A_1921 = arith.constant 0 : i32
    %dma_wait3A_1922 = arith.constant 0 : i32
    %dma_wait3A_1923 = tpu.memref_slice %arg6[%dma_wait3A_1913, %dma_wait3A_1921, %dma_wait3A_1922] : memref<64x8x128xf32, #tpu.memory_space<vmem>> -> memref<1x8x128xf32, #tpu.memory_space<vmem>>
    %dma_wait3A_1924 = tpu.memref_squeeze %dma_wait3A_1923 : memref<1x8x128xf32, #tpu.memory_space<vmem>> -> memref<8x128xf32, #tpu.memory_space<vmem>>
    %dma_wait3A_1925 = arith.constant 0 : i32
    %dma_wait3A_1926 = arith.constant 0 : i32
    %dma_wait3A_1927 = tpu.memref_slice %arg2[%dma_wait3A_1925, %dma_wait3A_1926] : memref<2048x32000xf32, #tpu.memory_space<hbm>> -> memref<8x128xf32, #tpu.memory_space<hbm>>
    tpu.wait_dma2 semaphore(%arg8 : memref<!tpu.dma_semaphore, #tpu.memory_space<semaphore_mem>>) src(%dma_wait3A_1927 : memref<8x128xf32, #tpu.memory_space<hbm>>) dst(%dma_wait3A_1924 : memref<8x128xf32, #tpu.memory_space<vmem>>)
    %dma_wait3A_1928 = arith.constant 59 : i32
    %dma_wait3A_1929 = arith.constant 0 : i32
    %dma_wait3A_1930 = arith.constant 0 : i32
    %dma_wait3A_1931 = tpu.memref_slice %arg6[%dma_wait3A_1928, %dma_wait3A_1929, %dma_wait3A_1930] : memref<64x8x128xf32, #tpu.memory_space<vmem>> -> memref<1x8x128xf32, #tpu.memory_space<vmem>>
    %dma_wait3A_1932 = tpu.memref_squeeze %dma_wait3A_1931 : memref<1x8x128xf32, #tpu.memory_space<vmem>> -> memref<8x128xf32, #tpu.memory_space<vmem>>
    %dma_wait3A_1933 = arith.constant 0 : i32
    %dma_wait3A_1934 = arith.constant 0 : i32
    %dma_wait3A_1935 = tpu.memref_slice %arg2[%dma_wait3A_1933, %dma_wait3A_1934] : memref<2048x32000xf32, #tpu.memory_space<hbm>> -> memref<8x128xf32, #tpu.memory_space<hbm>>
    %dma_wait3A_1936 = arith.constant 0 : i32
    %dma_wait3A_1937 = arith.constant 0 : i32
    %dma_wait3A_1938 = tpu.memref_slice %arg6[%dma_wait3A_1928, %dma_wait3A_1936, %dma_wait3A_1937] : memref<64x8x128xf32, #tpu.memory_space<vmem>> -> memref<1x8x128xf32, #tpu.memory_space<vmem>>
    %dma_wait3A_1939 = tpu.memref_squeeze %dma_wait3A_1938 : memref<1x8x128xf32, #tpu.memory_space<vmem>> -> memref<8x128xf32, #tpu.memory_space<vmem>>
    %dma_wait3A_1940 = arith.constant 0 : i32
    %dma_wait3A_1941 = arith.constant 0 : i32
    %dma_wait3A_1942 = tpu.memref_slice %arg2[%dma_wait3A_1940, %dma_wait3A_1941] : memref<2048x32000xf32, #tpu.memory_space<hbm>> -> memref<8x128xf32, #tpu.memory_space<hbm>>
    tpu.wait_dma2 semaphore(%arg8 : memref<!tpu.dma_semaphore, #tpu.memory_space<semaphore_mem>>) src(%dma_wait3A_1942 : memref<8x128xf32, #tpu.memory_space<hbm>>) dst(%dma_wait3A_1939 : memref<8x128xf32, #tpu.memory_space<vmem>>)
    %dma_wait3A_1943 = arith.constant 60 : i32
    %dma_wait3A_1944 = arith.constant 0 : i32
    %dma_wait3A_1945 = arith.constant 0 : i32
    %dma_wait3A_1946 = tpu.memref_slice %arg6[%dma_wait3A_1943, %dma_wait3A_1944, %dma_wait3A_1945] : memref<64x8x128xf32, #tpu.memory_space<vmem>> -> memref<1x8x128xf32, #tpu.memory_space<vmem>>
    %dma_wait3A_1947 = tpu.memref_squeeze %dma_wait3A_1946 : memref<1x8x128xf32, #tpu.memory_space<vmem>> -> memref<8x128xf32, #tpu.memory_space<vmem>>
    %dma_wait3A_1948 = arith.constant 0 : i32
    %dma_wait3A_1949 = arith.constant 0 : i32
    %dma_wait3A_1950 = tpu.memref_slice %arg2[%dma_wait3A_1948, %dma_wait3A_1949] : memref<2048x32000xf32, #tpu.memory_space<hbm>> -> memref<8x128xf32, #tpu.memory_space<hbm>>
    %dma_wait3A_1951 = arith.constant 0 : i32
    %dma_wait3A_1952 = arith.constant 0 : i32
    %dma_wait3A_1953 = tpu.memref_slice %arg6[%dma_wait3A_1943, %dma_wait3A_1951, %dma_wait3A_1952] : memref<64x8x128xf32, #tpu.memory_space<vmem>> -> memref<1x8x128xf32, #tpu.memory_space<vmem>>
    %dma_wait3A_1954 = tpu.memref_squeeze %dma_wait3A_1953 : memref<1x8x128xf32, #tpu.memory_space<vmem>> -> memref<8x128xf32, #tpu.memory_space<vmem>>
    %dma_wait3A_1955 = arith.constant 0 : i32
    %dma_wait3A_1956 = arith.constant 0 : i32
    %dma_wait3A_1957 = tpu.memref_slice %arg2[%dma_wait3A_1955, %dma_wait3A_1956] : memref<2048x32000xf32, #tpu.memory_space<hbm>> -> memref<8x128xf32, #tpu.memory_space<hbm>>
    tpu.wait_dma2 semaphore(%arg8 : memref<!tpu.dma_semaphore, #tpu.memory_space<semaphore_mem>>) src(%dma_wait3A_1957 : memref<8x128xf32, #tpu.memory_space<hbm>>) dst(%dma_wait3A_1954 : memref<8x128xf32, #tpu.memory_space<vmem>>)
    %dma_wait3A_1958 = arith.constant 61 : i32
    %dma_wait3A_1959 = arith.constant 0 : i32
    %dma_wait3A_1960 = arith.constant 0 : i32
    %dma_wait3A_1961 = tpu.memref_slice %arg6[%dma_wait3A_1958, %dma_wait3A_1959, %dma_wait3A_1960] : memref<64x8x128xf32, #tpu.memory_space<vmem>> -> memref<1x8x128xf32, #tpu.memory_space<vmem>>
    %dma_wait3A_1962 = tpu.memref_squeeze %dma_wait3A_1961 : memref<1x8x128xf32, #tpu.memory_space<vmem>> -> memref<8x128xf32, #tpu.memory_space<vmem>>
    %dma_wait3A_1963 = arith.constant 0 : i32
    %dma_wait3A_1964 = arith.constant 0 : i32
    %dma_wait3A_1965 = tpu.memref_slice %arg2[%dma_wait3A_1963, %dma_wait3A_1964] : memref<2048x32000xf32, #tpu.memory_space<hbm>> -> memref<8x128xf32, #tpu.memory_space<hbm>>
    %dma_wait3A_1966 = arith.constant 0 : i32
    %dma_wait3A_1967 = arith.constant 0 : i32
    %dma_wait3A_1968 = tpu.memref_slice %arg6[%dma_wait3A_1958, %dma_wait3A_1966, %dma_wait3A_1967] : memref<64x8x128xf32, #tpu.memory_space<vmem>> -> memref<1x8x128xf32, #tpu.memory_space<vmem>>
    %dma_wait3A_1969 = tpu.memref_squeeze %dma_wait3A_1968 : memref<1x8x128xf32, #tpu.memory_space<vmem>> -> memref<8x128xf32, #tpu.memory_space<vmem>>
    %dma_wait3A_1970 = arith.constant 0 : i32
    %dma_wait3A_1971 = arith.constant 0 : i32
    %dma_wait3A_1972 = tpu.memref_slice %arg2[%dma_wait3A_1970, %dma_wait3A_1971] : memref<2048x32000xf32, #tpu.memory_space<hbm>> -> memref<8x128xf32, #tpu.memory_space<hbm>>
    tpu.wait_dma2 semaphore(%arg8 : memref<!tpu.dma_semaphore, #tpu.memory_space<semaphore_mem>>) src(%dma_wait3A_1972 : memref<8x128xf32, #tpu.memory_space<hbm>>) dst(%dma_wait3A_1969 : memref<8x128xf32, #tpu.memory_space<vmem>>)
    %dma_wait3A_1973 = arith.constant 62 : i32
    %dma_wait3A_1974 = arith.constant 0 : i32
    %dma_wait3A_1975 = arith.constant 0 : i32
    %dma_wait3A_1976 = tpu.memref_slice %arg6[%dma_wait3A_1973, %dma_wait3A_1974, %dma_wait3A_1975] : memref<64x8x128xf32, #tpu.memory_space<vmem>> -> memref<1x8x128xf32, #tpu.memory_space<vmem>>
    %dma_wait3A_1977 = tpu.memref_squeeze %dma_wait3A_1976 : memref<1x8x128xf32, #tpu.memory_space<vmem>> -> memref<8x128xf32, #tpu.memory_space<vmem>>
    %dma_wait3A_1978 = arith.constant 0 : i32
    %dma_wait3A_1979 = arith.constant 0 : i32
    %dma_wait3A_1980 = tpu.memref_slice %arg2[%dma_wait3A_1978, %dma_wait3A_1979] : memref<2048x32000xf32, #tpu.memory_space<hbm>> -> memref<8x128xf32, #tpu.memory_space<hbm>>
    %dma_wait3A_1981 = arith.constant 0 : i32
    %dma_wait3A_1982 = arith.constant 0 : i32
    %dma_wait3A_1983 = tpu.memref_slice %arg6[%dma_wait3A_1973, %dma_wait3A_1981, %dma_wait3A_1982] : memref<64x8x128xf32, #tpu.memory_space<vmem>> -> memref<1x8x128xf32, #tpu.memory_space<vmem>>
    %dma_wait3A_1984 = tpu.memref_squeeze %dma_wait3A_1983 : memref<1x8x128xf32, #tpu.memory_space<vmem>> -> memref<8x128xf32, #tpu.memory_space<vmem>>
    %dma_wait3A_1985 = arith.constant 0 : i32
    %dma_wait3A_1986 = arith.constant 0 : i32
    %dma_wait3A_1987 = tpu.memref_slice %arg2[%dma_wait3A_1985, %dma_wait3A_1986] : memref<2048x32000xf32, #tpu.memory_space<hbm>> -> memref<8x128xf32, #tpu.memory_space<hbm>>
    tpu.wait_dma2 semaphore(%arg8 : memref<!tpu.dma_semaphore, #tpu.memory_space<semaphore_mem>>) src(%dma_wait3A_1987 : memref<8x128xf32, #tpu.memory_space<hbm>>) dst(%dma_wait3A_1984 : memref<8x128xf32, #tpu.memory_space<vmem>>)
    %dma_wait3A_1988 = arith.constant 63 : i32
    %dma_wait3A_1989 = arith.constant 0 : i32
    %dma_wait3A_1990 = arith.constant 0 : i32
    %dma_wait3A_1991 = tpu.memref_slice %arg6[%dma_wait3A_1988, %dma_wait3A_1989, %dma_wait3A_1990] : memref<64x8x128xf32, #tpu.memory_space<vmem>> -> memref<1x8x128xf32, #tpu.memory_space<vmem>>
    %dma_wait3A_1992 = tpu.memref_squeeze %dma_wait3A_1991 : memref<1x8x128xf32, #tpu.memory_space<vmem>> -> memref<8x128xf32, #tpu.memory_space<vmem>>
    %dma_wait3A_1993 = arith.constant 0 : i32
    %dma_wait3A_1994 = arith.constant 0 : i32
    %dma_wait3A_1995 = tpu.memref_slice %arg2[%dma_wait3A_1993, %dma_wait3A_1994] : memref<2048x32000xf32, #tpu.memory_space<hbm>> -> memref<8x128xf32, #tpu.memory_space<hbm>>
    %dma_wait3A_1996 = arith.constant 0 : i32
    %dma_wait3A_1997 = arith.constant 0 : i32
    %dma_wait3A_1998 = tpu.memref_slice %arg6[%dma_wait3A_1988, %dma_wait3A_1996, %dma_wait3A_1997] : memref<64x8x128xf32, #tpu.memory_space<vmem>> -> memref<1x8x128xf32, #tpu.memory_space<vmem>>
    %dma_wait3A_1999 = tpu.memref_squeeze %dma_wait3A_1998 : memref<1x8x128xf32, #tpu.memory_space<vmem>> -> memref<8x128xf32, #tpu.memory_space<vmem>>
    %dma_wait3A_2000 = arith.constant 0 : i32
    %dma_wait3A_2001 = arith.constant 0 : i32
    %dma_wait3A_2002 = tpu.memref_slice %arg2[%dma_wait3A_2000, %dma_wait3A_2001] : memref<2048x32000xf32, #tpu.memory_space<hbm>> -> memref<8x128xf32, #tpu.memory_space<hbm>>
    tpu.wait_dma2 semaphore(%arg8 : memref<!tpu.dma_semaphore, #tpu.memory_space<semaphore_mem>>) src(%dma_wait3A_2002 : memref<8x128xf32, #tpu.memory_space<hbm>>) dst(%dma_wait3A_1999 : memref<8x128xf32, #tpu.memory_space<vmem>>)
    %broadcast_in_dim3A = arith.constant 0.000000e+00 : f32
    %broadcast_in_dim3A_2003 = vector.broadcast %broadcast_in_dim3A : f32 to vector<16xf32>
    %get3A_2004 = arith.constant 0 : index
    %get3A_2005 = tpu.vector_load %arg5[%get3A_2004] {strides = array<i32>} : memref<64xi32, #tpu.memory_space<vmem>>, vector<16xi32>,
    %and3A_2006 = arith.constant 127 : i32
    %and3A_2007 = vector.broadcast %and3A_2006 : i32 to vector<16xi32>
    %and3A_2008 = arith.andi %get3A_2005, %and3A_2007 : vector<16xi32>
    %iota3A = tpu.iota {dimensions = array<i32: 0>} : vector<16xi32>
    %add3A_2009 = arith.constant 0 : i32
    %add3A_2010 = vector.broadcast %add3A_2009 : i32 to vector<16xi32>
    %add3A_2011 = arith.addi %add3A_2010, %iota3A : vector<16xi32>
    %iota3A_2012 = tpu.iota {dimensions = array<i32: 0>} : vector<16xi32>
    %and3A_2013 = arith.constant 7 : i32
    %and3A_2014 = vector.broadcast %and3A_2013 : i32 to vector<16xi32>
    %and3A_2015 = arith.andi %iota3A_2012, %and3A_2014 : vector<16xi32>
    %gather3A = tpu.vector_load_idx %arg6[%add3A_2011, %and3A_2015, %and3A_2008] : memref<64x8x128xf32, #tpu.memory_space<vmem>>[vector<16xi32>, vector<16xi32>, vector<16xi32>], vector<16xf32>,
    %ne3A = arith.constant 0 : i32
    %ne3A_2016 = vector.broadcast %ne3A : i32 to vector<16xi32>
    %ne3A_2017 = arith.cmpi ne, %get3A_2005, %ne3A_2016 : vector<16xi32>
    %jit3A = arith.constant 1.000000e+00 : f32
    %jit3A_2018 = arith.constant 0.000000e+00 : f32
    %broadcast_in_dim3A_2019 = vector.broadcast %jit3A : f32 to vector<16xf32>
    %broadcast_in_dim3A_2020 = vector.broadcast %jit3A_2018 : f32 to vector<16xf32>
    %select_n3A = arith.select %ne3A_2017, %broadcast_in_dim3A_2019, %broadcast_in_dim3A_2020 : vector<16xi1>, vector<16xf32>
    %mul3A_2021 = arith.mulf %select_n3A, %gather3A : vector<16xf32>
    %add3A_2022 = arith.addf %broadcast_in_dim3A_2003, %mul3A_2021 : vector<16xf32>
    %get3A_2023 = arith.constant 16 : index
    %get3A_2024 = tpu.vector_load %arg5[%get3A_2023] {strides = array<i32>} : memref<64xi32, #tpu.memory_space<vmem>>, vector<16xi32>,
    %and3A_2025 = arith.constant 127 : i32
    %and3A_2026 = vector.broadcast %and3A_2025 : i32 to vector<16xi32>
    %and3A_2027 = arith.andi %get3A_2024, %and3A_2026 : vector<16xi32>
    %iota3A_2028 = tpu.iota {dimensions = array<i32: 0>} : vector<16xi32>
    %add3A_2029 = arith.constant 16 : i32
    %add3A_2030 = vector.broadcast %add3A_2029 : i32 to vector<16xi32>
    %add3A_2031 = arith.addi %add3A_2030, %iota3A_2028 : vector<16xi32>
    %iota3A_2032 = tpu.iota {dimensions = array<i32: 0>} : vector<16xi32>
    %and3A_2033 = arith.constant 7 : i32
    %and3A_2034 = vector.broadcast %and3A_2033 : i32 to vector<16xi32>
    %and3A_2035 = arith.andi %iota3A_2032, %and3A_2034 : vector<16xi32>
    %gather3A_2036 = tpu.vector_load_idx %arg6[%add3A_2031, %and3A_2035, %and3A_2027] : memref<64x8x128xf32, #tpu.memory_space<vmem>>[vector<16xi32>, vector<16xi32>, vector<16xi32>], vector<16xf32>,
    %ne3A_2037 = arith.constant 0 : i32
    %ne3A_2038 = vector.broadcast %ne3A_2037 : i32 to vector<16xi32>
    %ne3A_2039 = arith.cmpi ne, %get3A_2024, %ne3A_2038 : vector<16xi32>
    %jit3A_2040 = arith.constant 1.000000e+00 : f32
    %jit3A_2041 = arith.constant 0.000000e+00 : f32
    %broadcast_in_dim3A_2042 = vector.broadcast %jit3A_2040 : f32 to vector<16xf32>
    %broadcast_in_dim3A_2043 = vector.broadcast %jit3A_2041 : f32 to vector<16xf32>
    %select_n3A_2044 = arith.select %ne3A_2039, %broadcast_in_dim3A_2042, %broadcast_in_dim3A_2043 : vector<16xi1>, vector<16xf32>
    %mul3A_2045 = arith.mulf %select_n3A_2044, %gather3A_2036 : vector<16xf32>
    %add3A_2046 = arith.addf %add3A_2022, %mul3A_2045 : vector<16xf32>
    %get3A_2047 = arith.constant 32 : index
    %get3A_2048 = tpu.vector_load %arg5[%get3A_2047] {strides = array<i32>} : memref<64xi32, #tpu.memory_space<vmem>>, vector<16xi32>,
    %and3A_2049 = arith.constant 127 : i32
    %and3A_2050 = vector.broadcast %and3A_2049 : i32 to vector<16xi32>
    %and3A_2051 = arith.andi %get3A_2048, %and3A_2050 : vector<16xi32>
    %iota3A_2052 = tpu.iota {dimensions = array<i32: 0>} : vector<16xi32>
    %add3A_2053 = arith.constant 32 : i32
    %add3A_2054 = vector.broadcast %add3A_2053 : i32 to vector<16xi32>
    %add3A_2055 = arith.addi %add3A_2054, %iota3A_2052 : vector<16xi32>
    %iota3A_2056 = tpu.iota {dimensions = array<i32: 0>} : vector<16xi32>
    %and3A_2057 = arith.constant 7 : i32
    %and3A_2058 = vector.broadcast %and3A_2057 : i32 to vector<16xi32>
    %and3A_2059 = arith.andi %iota3A_2056, %and3A_2058 : vector<16xi32>
    %gather3A_2060 = tpu.vector_load_idx %arg6[%add3A_2055, %and3A_2059, %and3A_2051] : memref<64x8x128xf32, #tpu.memory_space<vmem>>[vector<16xi32>, vector<16xi32>, vector<16xi32>], vector<16xf32>,
    %ne3A_2061 = arith.constant 0 : i32
    %ne3A_2062 = vector.broadcast %ne3A_2061 : i32 to vector<16xi32>
    %ne3A_2063 = arith.cmpi ne, %get3A_2048, %ne3A_2062 : vector<16xi32>
    %jit3A_2064 = arith.constant 1.000000e+00 : f32
    %jit3A_2065 = arith.constant 0.000000e+00 : f32
    %broadcast_in_dim3A_2066 = vector.broadcast %jit3A_2064 : f32 to vector<16xf32>
    %broadcast_in_dim3A_2067 = vector.broadcast %jit3A_2065 : f32 to vector<16xf32>
    %select_n3A_2068 = arith.select %ne3A_2063, %broadcast_in_dim3A_2066, %broadcast_in_dim3A_2067 : vector<16xi1>, vector<16xf32>
    %mul3A_2069 = arith.mulf %select_n3A_2068, %gather3A_2060 : vector<16xf32>
    %add3A_2070 = arith.addf %add3A_2046, %mul3A_2069 : vector<16xf32>
    %get3A_2071 = arith.constant 48 : index
    %get3A_2072 = tpu.vector_load %arg5[%get3A_2071] {strides = array<i32>} : memref<64xi32, #tpu.memory_space<vmem>>, vector<16xi32>,
    %and3A_2073 = arith.constant 127 : i32
    %and3A_2074 = vector.broadcast %and3A_2073 : i32 to vector<16xi32>
    %and3A_2075 = arith.andi %get3A_2072, %and3A_2074 : vector<16xi32>
    %iota3A_2076 = tpu.iota {dimensions = array<i32: 0>} : vector<16xi32>
    %add3A_2077 = arith.constant 48 : i32
    %add3A_2078 = vector.broadcast %add3A_2077 : i32 to vector<16xi32>
    %add3A_2079 = arith.addi %add3A_2078, %iota3A_2076 : vector<16xi32>
    %iota3A_2080 = tpu.iota {dimensions = array<i32: 0>} : vector<16xi32>
    %and3A_2081 = arith.constant 7 : i32
    %and3A_2082 = vector.broadcast %and3A_2081 : i32 to vector<16xi32>
    %and3A_2083 = arith.andi %iota3A_2080, %and3A_2082 : vector<16xi32>
    %gather3A_2084 = tpu.vector_load_idx %arg6[%add3A_2079, %and3A_2083, %and3A_2075] : memref<64x8x128xf32, #tpu.memory_space<vmem>>[vector<16xi32>, vector<16xi32>, vector<16xi32>], vector<16xf32>,
    %ne3A_2085 = arith.constant 0 : i32
    %ne3A_2086 = vector.broadcast %ne3A_2085 : i32 to vector<16xi32>
    %ne3A_2087 = arith.cmpi ne, %get3A_2072, %ne3A_2086 : vector<16xi32>
    %jit3A_2088 = arith.constant 1.000000e+00 : f32
    %jit3A_2089 = arith.constant 0.000000e+00 : f32
    %broadcast_in_dim3A_2090 = vector.broadcast %jit3A_2088 : f32 to vector<16xf32>
    %broadcast_in_dim3A_2091 = vector.broadcast %jit3A_2089 : f32 to vector<16xf32>
    %select_n3A_2092 = arith.select %ne3A_2087, %broadcast_in_dim3A_2090, %broadcast_in_dim3A_2091 : vector<16xi1>, vector<16xf32>
    %mul3A_2093 = arith.mulf %select_n3A_2092, %gather3A_2084 : vector<16xf32>
    %add3A_2094 = arith.addf %add3A_2070, %mul3A_2093 : vector<16xf32>
    %swap3A = arith.constant 0 : index
    %swap3A_2095 = tpu.vector_load %arg7[%swap3A] {strides = array<i32>} : memref<16xf32, #tpu.memory_space<vmem>>, vector<16xf32>,
    tpu.vector_store %arg7[%swap3A], %add3A_2094 {strides = array<i32>} : memref<16xf32, #tpu.memory_space<vmem>>, vector<16xf32>,
    %mul3A_2096 = arith.constant 16 : i32
    %mul3A_2097 = arith.muli %add3A, %mul3A_2096 : i32
    "tpu.region"() ({
      %run_scoped3A = tpu.sem_alloc : memref<!tpu.dma_semaphore, #tpu.memory_space<semaphore_mem>>
      %dma_start3A_2098 = tpu.memref_slice %arg4[%mul3A_2097] : memref<512xf32, #tpu.memory_space<hbm>> -> memref<16xf32, #tpu.memory_space<hbm>>
      %dma_start3A_2099 = tpu.memref_slice %arg4[%mul3A_2097] : memref<512xf32, #tpu.memory_space<hbm>> -> memref<16xf32, #tpu.memory_space<hbm>>
      tpu.enqueue_dma source(%arg7 : memref<16xf32, #tpu.memory_space<vmem>>) target(%dma_start3A_2099 : memref<16xf32, #tpu.memory_space<hbm>>) target_semaphore(%run_scoped3A : memref<!tpu.dma_semaphore, #tpu.memory_space<semaphore_mem>>)
      %dma_wait3A_2100 = tpu.memref_slice %arg4[%mul3A_2097] : memref<512xf32, #tpu.memory_space<hbm>> -> memref<16xf32, #tpu.memory_space<hbm>>
      %dma_wait3A_2101 = tpu.memref_slice %arg4[%mul3A_2097] : memref<512xf32, #tpu.memory_space<hbm>> -> memref<16xf32, #tpu.memory_space<hbm>>
      tpu.wait_dma2 semaphore(%run_scoped3A : memref<!tpu.dma_semaphore, #tpu.memory_space<semaphore_mem>>) src(%arg7 : memref<16xf32, #tpu.memory_space<vmem>>) dst(%dma_wait3A_2101 : memref<16xf32, #tpu.memory_space<hbm>>)
      tpu.yield
    }) : () -> ()
    return
  }
}

module attributes {stable_mosaic.version = 14 : i64} {
  func.func @_tc_body(%arg0: i32, %arg1: memref<64x32000xf32, #tpu.memory_space<vmem>>, %arg2: memref<1x1x64xi32, #tpu.memory_space<vmem>>, %arg3: memref<1x1xf32, #tpu.memory_space<smem>>) attributes {dimension_semantics = [#tpu.dimension_semantics<arbitrary>], iteration_bounds = array<i64: 32>, scalar_prefetch = 0 : i64, scratch_operands = 0 : i64, tpu.core_type = #tpu.core_type<tc>, window_params = [{transform_indices = @transform_0, window_bounds = array<i64: 64, 32000>}, {transform_indices = @transform_1, window_bounds = array<i64: 1, 1, 64>}, {transform_indices = @transform_2, window_bounds = array<i64: 1, 1>}]} {
    %get3A = arith.constant 0 : index
    %get3A_0 = arith.constant 0 : index
    %get3A_1 = vector.load %arg1[%get3A, %get3A_0] : memref<64x32000xf32, #tpu.memory_space<vmem>>, vector<64x32000xf32>
    %reduce_sum3A = arith.constant dense<0.000000e+00> : vector<64xf32>
    %reduce_sum3A_2 = vector.multi_reduction <add>, %get3A_1, %reduce_sum3A [1] : vector<64x32000xf32> to vector<64xf32>
    %slice3A = vector.extract_strided_slice %get3A_1 {offsets = [0, 0], sizes = [64, 1], strides = [1, 1]} : vector<64x32000xf32> to vector<64x1xf32>
    %squeeze3A = vector.shape_cast %slice3A : vector<64x1xf32> to vector<64xf32>
    %get3A_3 = arith.constant 0 : index
    %get3A_4 = arith.constant 0 : index
    %get3A_5 = arith.constant 0 : index
    %get3A_6 = vector.load %arg2[%get3A_3, %get3A_4, %get3A_5] : memref<1x1x64xi32, #tpu.memory_space<vmem>>, vector<1x1x64xi32>
    %get3A_7 = vector.shape_cast %get3A_6 : vector<1x1x64xi32> to vector<64xi32>
    %ne3A = arith.constant 0 : i32
    %ne3A_8 = vector.broadcast %ne3A : i32 to vector<64xi32>
    %ne3A_9 = arith.cmpi ne, %get3A_7, %ne3A_8 : vector<64xi32>
    %sub3A = arith.subf %squeeze3A, %reduce_sum3A_2 : vector<64xf32>
    %mul3A = arith.constant 3.12519524E-6 : f32
    %mul3A_10 = vector.broadcast %mul3A : f32 to vector<64xf32>
    %mul3A_11 = arith.mulf %mul3A_10, %sub3A : vector<64xf32>
    %add3A = arith.constant -1.3624258 : f32
    %add3A_12 = vector.broadcast %add3A : f32 to vector<64xf32>
    %add3A_13 = arith.addf %add3A_12, %mul3A_11 : vector<64xf32>
    %jit3A = arith.constant 0.000000e+00 : f32
    %broadcast_in_dim3A = vector.broadcast %jit3A : f32 to vector<64xf32>
    %select_n3A = arith.select %ne3A_9, %add3A_13, %broadcast_in_dim3A : vector<64xi1>, vector<64xf32>
    %reduce_sum3A_14 = vector.shape_cast %select_n3A : vector<64xf32> to vector<1x64xf32>
    %reduce_sum3A_15 = arith.constant dense<0.000000e+00> : vector<1xf32>
    %reduce_sum3A_16 = vector.multi_reduction <add>, %reduce_sum3A_14, %reduce_sum3A_15 [1] : vector<1x64xf32> to vector<1xf32>
    %reduce_sum3A_17 = vector.shape_cast %reduce_sum3A_16 : vector<1xf32> to vector<1x1xf32>
    %reduce_sum3A_18 = vector.extract %reduce_sum3A_17[0, 0] : f32 from vector<1x1xf32>
    %eq3A = arith.constant 0 : i32
    %eq3A_19 = arith.cmpi eq, %arg0, %eq3A : i32
    %convert_element_type3A = arith.extui %eq3A_19 : i1 to i32
    %cond3A = arith.constant 0 : i32
    %cond3A_20 = arith.cmpi ne, %convert_element_type3A, %cond3A : i32
    scf.if %cond3A_20 {
      %swap3A_27 = arith.constant 0.000000e+00 : f32
      %swap3A_28 = arith.constant 0 : index
      %swap3A_29 = arith.constant 0 : index
      %swap3A_30 = memref.load %arg3[%swap3A_28, %swap3A_29] : memref<1x1xf32, #tpu.memory_space<smem>>
      memref.store %swap3A_27, %arg3[%swap3A_28, %swap3A_29] : memref<1x1xf32, #tpu.memory_space<smem>>
    } else {
    }
    %get3A_21 = arith.constant 0 : index
    %get3A_22 = arith.constant 0 : index
    %get3A_23 = memref.load %arg3[%get3A_21, %get3A_22] : memref<1x1xf32, #tpu.memory_space<smem>>
    %add3A_24 = arith.addf %get3A_23, %reduce_sum3A_18 : f32
    %swap3A = arith.constant 0 : index
    %swap3A_25 = arith.constant 0 : index
    %swap3A_26 = memref.load %arg3[%swap3A, %swap3A_25] : memref<1x1xf32, #tpu.memory_space<smem>>
    memref.store %add3A_24, %arg3[%swap3A, %swap3A_25] : memref<1x1xf32, #tpu.memory_space<smem>>
    return
  }
  func.func @transform_0(%arg0: i32) -> (i32, i32) {
    %c0_i32 = arith.constant 0 : i32
    %c0_i32_0 = arith.constant 0 : i32
    return %arg0, %c0_i32 : i32, i32
  }
  func.func @transform_1(%arg0: i32) -> (i32, i32, i32) {
    %c0_i32 = arith.constant 0 : i32
    %c0_i32_0 = arith.constant 0 : i32
    %c0_i32_1 = arith.constant 0 : i32
    return %arg0, %c0_i32, %c0_i32_0 : i32, i32, i32
  }
  func.func @transform_2(%arg0: i32) -> (i32, i32) {
    %c0_i32 = arith.constant 0 : i32
    %c0_i32_0 = arith.constant 0 : i32
    %c0_i32_1 = arith.constant 0 : i32
    return %c0_i32, %c0_i32_0 : i32, i32
  }
}

</mosaic_0001>

<sc_bundles>
// kernel: kernel.4.cloned.1.call-start
scs
__scs_entry_jumppad:
0x0: {  	(pc) =	sbr.rel $0x88, $3  }
0x1: {  	(tag) =	ssettag $0x0;
	lr =	simm.s32 $0x1  }
0x2: {  	[smem:$0x3F9F] =	sst lr;
	_ =	strace $0xD0000000  }
0x3: {  	_ = 	snop  }
0x4: {  	_ = 	snop  }
0x5: {  	_ = 	snop  }
0x6: {  	_ = 	snop  }
0x7: {  	_ = 	snop  }
__scs_overlays_trampoline_lowered:
0x8: {  	[smem:$0x3FAE] =	sst s0  }
0x9: {  	[smem:$0x3FAF] =	sst s1  }
0xa: {  	[smem:$0x3FB0] =	sst s2  }
0xb: {  	[smem:$0x3FB1] =	sst s3  }
0xc: {  	[smem:$0x3FB2] =	sst s4  }
0xd: {  	[smem:$0x3FB3] =	sst s5  }
0xe: {  	[smem:$0x3FB4] =	sst s6  }
0xf: {  	[smem:$0x3FB5] =	sst s7  }
0x10: {  	[smem:$0x3FB6] =	sst s8  }
0x11: {  	[smem:$0x3FB7] =	sst s9;
	s0 =	simm.s32 @!p0 $0x0  }
0x12: {  	s1 =	sld [smem:$0x3F9D];
	s0 =	simm.s32 @p0 $0x1  }
0x13: {  	[smem:$0x3FB8] =	sst s0;
	s0 =	simm.s32 @!p1 $0x0  }
0x14: {  	s2 =	sld [smem:$0x3F9C];
	s0 =	simm.s32 @p1 $0x1  }
0x15: {  	[smem:$0x3FB9] =	sst s0;
	s0 =	simm.s32 @!p2 $0x0  }
0x16: {  	s3 =	sld [smem:$0x3FDB];
	s0 =	simm.s32 @p2 $0x1  }
0x17: {  	s4 =	simm.s32 $0x1BF5;
	[smem:$0x3FBB] =	sst s0  }
0x18: {  	s0 =	sld [smem:$0x3F9E];
	_ =	swait.ge [sflag:s4], $0x0  }
0x19: {  	s7 =	sld [smem:$0x3F9F]  }
0x1a: {  	s8 =	sadd.s32 $0xFFFFE003, lr  }
0x1b: {  	s9 =	sadd.s32 $0xFFFFFEF7, lr;
	s5 =	simm.s32 $0xFFFFFFFF;
	p2 =	slt.u32 s8, $0xFFFFF086  }
0x1c: {  	p1 =	slt.u32 s9, $0xF7A;
	s5 =	simm.s32 @!p2 $0x0  }
0x1d: {  	s5 =	simm.s32 @p1 $0x1;
	p0 =	seq.s32 s7, s2  }
0x1e: {  	s7 =	smul.u32 @!p0 $0xF7A, s2;
	p2 =	seq.s32 @!p0 s5, $0x0  }
0x1f: {  	s9 =	smul.u32 $0xF7A, s1;
	s8 =	simm.s32 @!p0 $0x1BF5;
	p2 =	por !p2, p0  }
0x20: {  	[sflag:s8] =	ssyncset.s32 @!p0 $0xFFFFF086;
	s6 =	sadd.s32 @!p0 s3, s7;
	s7 =	simm.s32 @!p0 $0x108  }
0x21: {  	s3 =	sadd.s32 s3, s9;
	s6 =	sadd.s32 @!p0 $0x88, s6;
	s7 =	simm.s32 @p2 $0x1082  }
0x22: {  	[simem:s7], [sflag:s8] =	dma.local @!p0 [hbm:s6], $0xF7A  }
0x23: {  	s9 =	sor.u32 $0xD0000000, s2;
	s6 =	simm.s32 $0x108;
	_ =	swait.ge @!p0 [sflag:s8], $0x0  }
0x24: {  	s3 =	sadd.s32 $0x88, s3;
	s6 =	simm.s32 @!p1 $0x1082;
	[sflag:s4] =	ssyncset.s32 $0xFFFFF086  }
0x25: {  	[simem:s6], [sflag:s4] =	dma.local [hbm:s3], $0xF7A  }
0x26: {  	[smem:$0x3F9F] =	sst s1;
	(tag) =	ssettag s2;
	_ =	strace s9  }
0x27: {  	s1 =	sld [smem:$0x3FAF]  }
0x28: {  	s2 =	sld [smem:$0x3FB0]  }
0x29: {  	s4 =	sld [smem:$0x3FB2]  }
0x2a: {  	p0 =	seq.s32 s5, $0x0;
	s5 =	sld [smem:$0x3FB3]  }
0x2b: {  	s6 =	sld [smem:$0x3FB4]  }
0x2c: {  	s7 =	sld [smem:$0x3FB5]  }
0x2d: {  	s3 =	simm.s32 $0x108;
	s8 =	sld [smem:$0x3FB6]  }
0x2e: {  	s3 =	simm.s32 @!p0 $0x1082;
	s9 =	sld [smem:$0x3FB7]  }
0x2f: {  	lr =	sadd.s32 s0, s3;
	s0 =	sld [smem:$0x3FAE]  }
0x30: {  	s3 =	sld [smem:$0x3FB1]  }
0x31: {  	[smem:$0x3FBA] =	sst s10  }
0x32: {  	s10 =	sld [smem:$0x3FB8];
	_ =	sdelay $0x3  }
0x33: {  	p0 =	seq.s32 s10, $0x1;
	s10 =	sld [smem:$0x3FBA];
	_ =	sdelay $0x3  }
0x34: {  	[smem:$0x3FBA] =	sst s10  }
0x35: {  	s10 =	sld [smem:$0x3FB9];
	_ =	sdelay $0x3  }
0x36: {  	p1 =	seq.s32 s10, $0x1;
	s10 =	sld [smem:$0x3FBA];
	_ =	sdelay $0x3  }
0x37: {  	[smem:$0x3FBA] =	sst s10  }
0x38: {  	s10 =	sld [smem:$0x3FBB]  }
0x39: {  	_ = 	snop;
	(pc) =	sbr.ind lr, $3  }
0x3a: {  	_ = 	snop  }
0x3b: {  	_ = 	snop  }
0x3c: {  	p2 =	seq.s32 s10, $0x1;
	s10 =	sld [smem:$0x3FBA]  }
0x3d: {  	_ =	shalt  }
0x3e: {  	_ =	shalt  }
0x3f: {  	_ =	shalt  }
0x40: {  	_ =	shalt  }
0x41: {  	_ =	shalt  }
0x42: {  	_ =	shalt  }
0x43: {  	_ =	shalt  }
0x44: {  	_ =	shalt  }
0x45: {  	_ =	shalt  }
0x46: {  	_ =	shalt  }
0x47: {  	_ =	shalt  }
0x48: {  	_ =	shalt  }
0x49: {  	_ =	shalt  }
0x4a: {  	_ =	shalt  }
0x4b: {  	_ =	shalt  }
0x4c: {  	_ =	shalt  }
0x4d: {  	_ =	shalt  }
0x4e: {  	_ =	shalt  }
0x4f: {  	_ =	shalt  }
0x50: {  	_ =	shalt  }
0x51: {  	_ =	shalt  }
0x52: {  	_ =	shalt  }
0x53: {  	_ =	shalt  }
0x54: {  	_ =	shalt  }
0x55: {  	_ =	shalt  }
0x56: {  	_ =	shalt  }
0x57: {  	_ =	shalt  }
0x58: {  	_ =	shalt  }
0x59: {  	_ =	shalt  }
0x5a: {  	_ =	shalt  }
0x5b: {  	_ =	shalt  }
0x5c: {  	_ =	shalt  }
0x5d: {  	_ =	shalt  }
0x5e: {  	_ =	shalt  }
0x5f: {  	_ =	shalt  }
0x60: {  	_ =	shalt  }
0x61: {  	_ =	shalt  }
0x62: {  	_ =	shalt  }
0x63: {  	_ =	shalt  }
0x64: {  	_ =	shalt  }
0x65: {  	_ =	shalt  }
0x66: {  	_ =	shalt  }
0x67: {  	_ =	shalt  }
0x68: {  	_ =	shalt  }
0x69: {  	_ =	shalt  }
0x6a: {  	_ =	shalt  }
0x6b: {  	_ =	shalt  }
0x6c: {  	_ =	shalt  }
0x6d: {  	_ =	shalt  }
0x6e: {  	_ =	shalt  }
0x6f: {  	_ =	shalt  }
0x70: {  	_ =	shalt  }
0x71: {  	_ =	shalt  }
0x72: {  	_ =	shalt  }
0x73: {  	_ =	shalt  }
0x74: {  	_ =	shalt  }
0x75: {  	_ =	shalt  }
0x76: {  	_ =	shalt  }
0x77: {  	_ =	shalt  }
0x78: {  	_ =	shalt  }
0x79: {  	_ =	shalt  }
0x7a: {  	_ =	shalt  }
0x7b: {  	_ =	shalt  }
0x7c: {  	_ =	shalt  }
0x7d: {  	_ =	shalt  }
0x7e: {  	_ =	shalt  }
0x7f: {  	_ =	shalt  }
0x80: {  	_ =	shalt  }
0x81: {  	_ =	shalt  }
0x82: {  	_ =	shalt  }
0x83: {  	_ =	shalt  }
0x84: {  	_ =	shalt  }
0x85: {  	_ =	shalt  }
0x86: {  	_ =	shalt  }
0x87: {  	_ =	shalt  }
.Lfunc_end0:
.L_simem_size_0:
called_computation_lowered:
.L_overlay_start_0:
0x88: {  	s2 =	sld [smem:$0x3FD9]  }
0x89: {  	s3 =	sld [smem:$0x3FFE];
	_ =	sdelay $0x1  }
0x8a: {  	s1 =	srdreg.scid  }
0x8b: {  	s0 =	sand.u32 $0x1, s1  }
0x8c: {  	s17 =	sshll.u32 s0, $0xA;
	s2 =	sadd.s32 s3, s2  }
0x8d: {  	s2 =	sadd.s32 s2, s17  }
0x8e: {  	[smem:$0x3FC6] =	sst s2  }
0x8f: {  	_ = 	snop  }
0x90: {  	s2 =	sld [smem:$0x3FC9]  }
0x91: {  	s18 =	sld [smem:$0x3FC8];
	(tm) =	ssettm $0x1  }
0x92: {  	s4 =	sld [smem:$0x3FFB];
	_ =	sdelay $0x3  }
0x93: {  	_ =	strace s4  }
0x94: {  	s4 =	sld [smem:$0x3FFC];
	_ =	sdelay $0x3  }
0x95: {  	_ =	strace s4  }
0x96: {  	s4 =	sld [smem:$0x3FFD];
	_ =	sdelay $0x3  }
0x97: {  	_ =	strace s4  }
0x98: {  	_ =	strace $0x8FFFFFFF  }
0x99: {  	s19 =	sld [smem:$0x3FDB];
	_ =	sdelay $0x1  }
0x9a: {  	s5 =	simm.s32 $_scs_section_size  }
0x9b: {  	s6 =	simm.s32 $_size__tile_overlayer_lowered;
	s7 =	simm.s32 $_tile_overlayer_lowered  }
0x9c: {  	s22 =	simm.s32 $0x1BFF;
	s21 =	sshll.u32 s7, $0x1;
	s4 =	sadd.s32 s5, s19  }
0x9d: {  	s8 =	simm.s32 $0x0;
	s20 =	sshll.u32 s6, $0x1;
	s6 =	sadd.s32 s21, s4  }
0x9e: {  	[timem:s8], [sflag:s22] =	dma.local [hbm:s6], s20  }
0x9f: {  	_ =	swait.ge [sflag:s22], s20  }
0xa0: {  	s5 =	ssub.s32 $0x0, s20;
	[sflag:s22] =	ssyncset.done $0x0  }
0xa1: {  	[sflag:s22] =	ssyncadd.s32 s5;
	_ =	sdelay $0x1  }
0xa2: {  	s23 =	simm.s32 $0x1B8B  }
0xa3: {  	_ =	swait.ge [sflag:s23], $0x1  }
0xa4: {  	[sflag:s23] =	ssyncset.done $0x0  }
0xa5: {  	s25 =	simm.s32 $0x1B8E;
	s24 =	sld [smem:$0x3FFE];
	[sflag:s23] =	ssyncadd.s32 $0xFFFFFFFF  }
0xa6: {  	s26 =	simm.s32 $execute0_lowered;
	[smem:$0x3FD2] =	sst s25  }
0xa7: {  	s6 =	sshll.u32 s26, $0x1;
	_ =	strace $0x80000046;
	[dreg:$0x1] =	wrdreg $0xFFFFFFFF  }
0xa8: {  	s28 =	simm.s32 $_size_execute0_lowered;
	s4 =	sadd.s32 s4, s6;
	[dreg:$0x0] =	wrdreg $0x0  }
0xa9: {  	s6 =	sshll.u32 s28, $0x1;
	[dreg:$0x2] =	wrdreg s4  }
0xaa: {  	[dreg:$0x3] =	wrdreg s6  }
0xab: {  	[dreg:$0x4] =	wrdreg $0xC0  }
0xac: {  	_ =	task [dreg:s8], $0x5FFFF  }
0xad: {  	[dreg:$0x1] =	wrdreg $0xFFFFFFFF  }
0xae: {  	[dreg:$0x0] =	wrdreg $0x60  }
0xaf: {  	[dreg:$0x2] =	wrdreg s2  }
0xb0: {  	[dreg:$0x3] =	wrdreg s18  }
0xb1: {  	[dreg:$0x4] =	wrdreg s24  }
0xb2: {  	[dreg:$0x5] =	wrdreg $0x9  }
0xb3: {  	_ =	task.clear_ibuf [dreg:s8], $0x6FFFF;
	_ =	strace $0x90000046  }
0xb4: {  	s29 =	simm.s32 $0x9;
	_ =	strace $0x80000048  }
0xb5: {  	_ =	swait.ge [sflag:s29], $0x1  }
0xb6: {  	[sflag:s29] =	ssyncadd.s32 $0xFFFFFFFF  }
0xb7: {  	_ =	strace $0x90000048  }
0xb8: {  	_ =	sfence  }
0xb9: {  	s30 =	sld [smem:$0x0];
	_ =	sdelay $0x2  }
0xba: {  	s31 =	sshll.u32 s1, $0xD;
	s1 =	sshrl.u32 s1, $0x2  }
0xbb: {  	s3 =	sand.u32 $0x4000, s31;
	s1 =	sadd.s32 s1, s30  }
0xbc: {  	s0 =	sor.u32 s3, s0;
	s1 =	sshll.u32 s1, $0x11  }
0xbd: {  	s0 =	sor.u32 s1, s0  }
0xbe: {  	s0 =	sadd.s32 $0x8F2B, s0  }
0xbf: {  	[sflag:s0] =	ssyncadd.remote.s32 $0x1  }
0xc0: {  	_ =	sfence.sel $0xFFFF  }
0xc1: {  	[dreg:$0x0] =	wrdreg $0xFFFFFFFF;
	(pc) =	sbr.abs _section_cstart, $3  }
0xc2: {  	[dreg:$0x1] =	wrdreg $0xFFFFFFFF  }
0xc3: {  	_ =	task.clear_ibuf [dreg:s8], $0x2FFFF;
	_ =	strace $0x9FFFFFFF  }
0xc4: {  	(tm) =	ssettm $0x7FFFFFFF  }
0xc5: {  	_ =	shalt  }
tec
execute0_lowered:
.L_overlay_start_1:
0x0: {  	(tag) =	ssettag $0x1  }
0x1: {  	s1 =	rddreg [dreg:$0x0]  }
0x2: {  	s5 =	rddreg [dreg:$0x1]  }
0x3: {  	s2 =	srdreg.scid;
	s6 =	rddreg [dreg:$0x2]  }
0x4: {  	s3 =	simm.s32 $0x0;
	s4 =	sand.u32 $0x1, s2;
	s2 =	rddreg [dreg:$0x3]  }
0x5: {  	s16 =	simm.s32 $0x480;
	[smem:$0x7FF] =	sst s3  }
0x6: {  	s17 =	simm.s32 $0x880;
	_ =	strace $0x80000047;
	[dreg:$0xe] =	wrdreg s16  }
0x7: {  	s18 =	simm.s32 $0xC80;
	[dreg:$0xf] =	wrdreg s17  }
0x8: {  	s19 =	simm.s32 $0x1080;
	[dreg:$0x10] =	wrdreg s18  }
0x9: {  	s20 =	simm.s32 $0x1480;
	[dreg:$0x11] =	wrdreg s19  }
0xa: {  	s21 =	simm.s32 $0x1880;
	[dreg:$0x12] =	wrdreg s20  }
0xb: {  	s22 =	simm.s32 $0x1C80;
	[dreg:$0x13] =	wrdreg s21  }
0xc: {  	s23 =	simm.s32 $0x2080;
	[dreg:$0x14] =	wrdreg s22  }
0xd: {  	s24 =	simm.s32 $0x2480;
	[dreg:$0x15] =	wrdreg s23  }
0xe: {  	s25 =	simm.s32 $0x2880;
	[dreg:$0x16] =	wrdreg s24  }
0xf: {  	s0 =	stileid.u32;
	s26 =	simm.s32 $0x2C80;
	[dreg:$0x17] =	wrdreg s25  }
0x10: {  	s28 =	simm.s32 $0x3080;
	s29 =	sshll.u32 s0, $0x1;
	[dreg:$0x18] =	wrdreg s26  }
0x11: {  	s7 =	sor.u32 s4, s29;
	[dreg:$0x19] =	wrdreg s28;
	s29 =	simm.s32 $0x3480  }
0x12: {  	s16 =	simm.s32 $0x6880;
	[dreg:$0x1a] =	wrdreg s29  }
0x13: {  	s17 =	simm.s32 $0x6C80;
	[smem:$0x7D7] =	sst s16  }
0x14: {  	s18 =	simm.s32 $0x7080;
	[smem:$0x7D8] =	sst s17  }
0x15: {  	s19 =	simm.s32 $0x7480;
	[smem:$0x7D9] =	sst s18  }
0x16: {  	s20 =	simm.s32 $0x7880;
	[smem:$0x7DA] =	sst s19  }
0x17: {  	s21 =	simm.s32 $0x7C80;
	[smem:$0x7DB] =	sst s20  }
0x18: {  	s22 =	simm.s32 $0x8080;
	[smem:$0x7DC] =	sst s21  }
0x19: {  	s23 =	simm.s32 $0x8480;
	[smem:$0x7DD] =	sst s22  }
0x1a: {  	s24 =	simm.s32 $0x8880;
	[smem:$0x7DE] =	sst s23  }
0x1b: {  	s25 =	simm.s32 $0x8C80;
	[smem:$0x7DF] =	sst s24  }
0x1c: {  	s26 =	simm.s32 $0x9080;
	[smem:$0x7E0] =	sst s25  }
0x1d: {  	s28 =	simm.s32 $0x9480;
	[smem:$0x7E1] =	sst s26  }
0x1e: {  	[smem:$0x7E2] =	sst s28;
	s29 =	simm.s32 $0x9880  }
0x1f: {  	s16 =	simm.s32 $0xCC80;
	[smem:$0x7E3] =	sst s29  }
0x20: {  	s17 =	simm.s32 $0xD080;
	[smem:$0x7F0] =	sst s16  }
0x21: {  	s18 =	simm.s32 $0xD480;
	[smem:$0x7F1] =	sst s17  }
0x22: {  	s19 =	simm.s32 $0xD880;
	[smem:$0x7F2] =	sst s18  }
0x23: {  	s20 =	simm.s32 $0xDC80;
	[smem:$0x7F3] =	sst s19  }
0x24: {  	s21 =	simm.s32 $0xE080;
	[smem:$0x7F4] =	sst s20  }
0x25: {  	s22 =	simm.s32 $0xE480;
	[smem:$0x7F5] =	sst s21  }
0x26: {  	s23 =	simm.s32 $0xE880;
	[smem:$0x7F6] =	sst s22  }
0x27: {  	s24 =	simm.s32 $0xEC80;
	[smem:$0x7F7] =	sst s23  }
0x28: {  	s8 =	smul.u32 $0x1F4000, s7;
	s25 =	simm.s32 $0xF080;
	[smem:$0x7F8] =	sst s24  }
0x29: {  	s9 =	sshll.u32 s7, $0x3;
	s28 =	simm.s32 $0xF480;
	[smem:$0x7F9] =	sst s25  }
0x2a: {  	s7 =	sshll.u32 s7, $0x1;
	s5 =	sadd.s32 s5, s9;
	[smem:$0x7FA] =	sst s28  }
0x2b: {  	s6 =	sadd.s32 s7, s6;
	s7 =	simm.s32 $0x4480;
	[dreg:$0x4] =	wrdreg s5  }
0x2c: {  	s29 =	simm.s32 $0xF880;
	[dreg:$0x1e] =	wrdreg s7  }
0x2d: {  	s15 =	sadd.s32 $0x200, s6;
	[smem:$0x7FB] =	sst s29  }
0x2e: {  	s6 =	simm.s32 $0x4080;
	[dreg:$0xd] =	wrdreg s15  }
0x2f: {  	s8 =	sshrl.u32 s8, $0x3;
	s7 =	simm.s32 $0xA880;
	[dreg:$0x1d] =	wrdreg s6  }
0x30: {  	s30 =	sadd.s32 s1, s8;
	[smem:$0x7E7] =	sst s7  }
0x31: {  	s31 =	sadd.s32 $0x7D00, s8;
	[dreg:$0x5] =	wrdreg s30  }
0x32: {  	s9 =	sadd.s32 $0xFA00, s8;
	[dreg:$0x6] =	wrdreg s31  }
0x33: {  	s10 =	sadd.s32 $0x17700, s8;
	[dreg:$0x7] =	wrdreg s9  }
0x34: {  	s11 =	sadd.s32 $0x1F400, s8;
	[dreg:$0x8] =	wrdreg s10  }
0x35: {  	v0 =	vimm.s32 $0x3F80;
	vm14 =	vcmask $0x300;
	s12 =	sadd.s32 $0x27100, s8;
	[dreg:$0x9] =	wrdreg s11  }
0x36: {  	vm13 =	vcmask $0x704;
	vm12 =	vcmask $0xB08;
	vm11 =	vcmask $0xF0C;
	s13 =	sadd.s32 $0x2EE00, s8;
	[dreg:$0xa] =	wrdreg s12  }
0x37: {  	vm10 =	vcmask $0x1310;
	vm9 =	vcmask $0x1714;
	vm8 =	vcmask $0x1B18;
	s14 =	sadd.s32 $0x36B00, s8;
	[dreg:$0xb] =	wrdreg s13  }
0x38: {  	vm7 =	vcmask $0x1F1C;
	vm6 =	vcmask $0x2320;
	vm5 =	vcmask $0x2724;
	s8 =	simm.s32 $0x4880;
	[dreg:$0xc] =	wrdreg s14  }
0x39: {  	vm4 =	vcmask $0x2B28;
	vm3 =	vcmask $0x2F2C;
	vm2 =	vcmask $0x3330;
	s15 =	simm.s32 $0x6480;
	[dreg:$0x1f] =	wrdreg s8  }
0x3a: {  	vm1 =	vcmask $0x3734;
	vm0 =	vcmask $0x3B38;
	v1 =	vimm.f32 $1.000000000e+00;
	s6 =	simm.s32 $0xA480;
	[smem:$0x7D6] =	sst s15  }
0x3b: {  	v2 =	vimm.s32 $0x7F80;
	v3 =	vimm.s32 $0xBF80;
	v4 =	vimm.s32 $0xFF80;
	s30 =	simm.s32 $0x3880;
	[smem:$0x7E6] =	sst s6  }
0x3c: {  	v0 =	vsel vm14, $0x0, v0;
	v2 =	vsel vm14, $0x4000, v2;
	v3 =	vsel vm14, $0x8000, v3;
	s31 =	simm.s32 $0x3C80;
	[dreg:$0x1b] =	wrdreg s30  }
0x3d: {  	v4 =	vsel vm14, $0xC000, v4;
	v0 =	vsel vm13, $0x480, v0;
	v2 =	vsel vm13, $0x4480, v2;
	s9 =	simm.s32 $0x4C80;
	[dreg:$0x1c] =	wrdreg s31  }
0x3e: {  	v3 =	vsel vm13, $0x8480, v3;
	v4 =	vsel vm13, $0xC480, v4;
	v0 =	vsel vm12, $0x900, v0;
	s10 =	simm.s32 $0x5080;
	[smem:$0x7D0] =	sst s9  }
0x3f: {  	v2 =	vsel vm12, $0x4900, v2;
	v3 =	vsel vm12, $0x8900, v3;
	v4 =	vsel vm12, $0xC900, v4;
	s11 =	simm.s32 $0x5480;
	[smem:$0x7D1] =	sst s10  }
0x40: {  	v0 =	vsel vm11, $0xD80, v0;
	v2 =	vsel vm11, $0x4D80, v2;
	v3 =	vsel vm11, $0x8D80, v3;
	s12 =	simm.s32 $0x5880;
	[smem:$0x7D2] =	sst s11  }
0x41: {  	v4 =	vsel vm11, $0xCD80, v4;
	v0 =	vsel vm10, $0x1200, v0;
	v2 =	vsel vm10, $0x5200, v2;
	s13 =	simm.s32 $0x5C80;
	[smem:$0x7D3] =	sst s12  }
0x42: {  	v3 =	vsel vm10, $0x9200, v3;
	v4 =	vsel vm10, $0xD200, v4;
	v0 =	vsel vm9, $0x1680, v0;
	s14 =	simm.s32 $0x6080;
	[smem:$0x7D4] =	sst s13  }
0x43: {  	v2 =	vsel vm9, $0x5680, v2;
	v3 =	vsel vm9, $0x9680, v3;
	v4 =	vsel vm9, $0xD680, v4;
	s8 =	simm.s32 $0xAC80;
	[smem:$0x7D5] =	sst s14  }
0x44: {  	v0 =	vsel vm8, $0x1B00, v0;
	s15 =	simm.s32 $0xC880;
	v2 =	vsel vm8, $0x5B00, v2;
	v3 =	vsel vm8, $0x9B00, v3;
	[smem:$0x7E8] =	sst s8  }
0x45: {  	v4 =	vsel vm8, $0xDB00, v4;
	s30 =	simm.s32 $0x9C80;
	v0 =	vsel vm7, $0x1F80, v0;
	[smem:$0x7EF] =	sst s15;
	v2 =	vsel vm7, $0x5F80, v2  }
0x46: {  	s31 =	simm.s32 $0xA080;
	v3 =	vsel vm7, $0x9F80, v3;
	v4 =	vsel vm7, $0xDF80, v4;
	[smem:$0x7E4] =	sst s30;
	v0 =	vsel vm6, $0x2000, v0  }
0x47: {  	s9 =	simm.s32 $0xB080;
	[smem:$0x7E5] =	sst s31;
	v2 =	vsel vm6, $0x6000, v2;
	v3 =	vsel vm6, $0xA000, v3;
	v4 =	vsel vm6, $0xE000, v4  }
0x48: {  	s10 =	simm.s32 $0xB480;
	[smem:$0x7E9] =	sst s9;
	v0 =	vsel vm5, $0x2480, v0;
	v2 =	vsel vm5, $0x6480, v2;
	v3 =	vsel vm5, $0xA480, v3  }
0x49: {  	s11 =	simm.s32 $0xB880;
	[smem:$0x7EA] =	sst s10;
	v4 =	vsel vm5, $0xE480, v4;
	v0 =	vsel vm4, $0x2900, v0;
	v2 =	vsel vm4, $0x6900, v2  }
0x4a: {  	s4 =	ssub.s32 $0x2, s4;
	s12 =	simm.s32 $0xBC80;
	[smem:$0x7EB] =	sst s11;
	v3 =	vsel vm4, $0xA900, v3;
	v4 =	vsel vm4, $0xE900, v4;
	v0 =	vsel vm3, $0x2D80, v0  }
0x4b: {  	s26 =	sshrl.u32 s4, $0x1;
	s13 =	simm.s32 $0xC080;
	[smem:$0x7EC] =	sst s12;
	v2 =	vsel vm3, $0x6D80, v2;
	v3 =	vsel vm3, $0xAD80, v3;
	v4 =	vsel vm3, $0xED80, v4  }
0x4c: {  	s4 =	ssub.s32 s4, s26;
	s14 =	simm.s32 $0xC480;
	[smem:$0x7ED] =	sst s13;
	v0 =	vsel vm2, $0x3200, v0;
	v2 =	vsel vm2, $0x7200, v2;
	v3 =	vsel vm2, $0xB200, v3  }
0x4d: {  	s4 =	smax.u32 s4, $0x1;
	[smem:$0x7EE] =	sst s14;
	s30 =	simm.s32 $0xFC80;
	v4 =	vsel vm2, $0xF200, v4;
	v0 =	vsel vm1, $0x3680, v0;
	v2 =	vsel vm1, $0x7680, v2  }
0x4e: {  	s5 =	simm.s32 $0x2;
	s31 =	simm.s32 $0x10080;
	[smem:$0x7FC] =	sst s30;
	v3 =	vsel vm1, $0xB680, v3;
	v4 =	vsel vm1, $0xF680, v4;
	v0 =	vsel vm0, $0x3B00, v0  }
0x4f: {  	s7 =	simm.s32 $0x1;
	s6 =	simm.s32 $0x80;
	[smem:$0x7FD] =	sst s31;
	v2 =	vsel vm0, $0x7B00, v2;
	v3 =	vsel vm0, $0xBB00, v3;
	v4 =	vsel vm0, $0xFB00, v4  }
.LBB2_1:
0x50: {  	s8 =	rddreg [dreg:$0x4]  }
0x51: {  	[tilespmem:s3], [sflag:$0x2] =	stream.linear.gather [hbm4b:s8+s3], $0x40, $0x38;
	[tilespmem:$0x10100] =	vst v63  }
0x52: {  	_ =	swait.ge [sflag:s5], $0x40  }
0x53: {  	[sflag:s5] =	ssyncset.done $0x0  }
0x54: {  	[sflag:s5] =	ssyncadd.s32 $0xFFFFFFC0  }
0x55: {  	v5 =	vld [tilespmem:$0x0];
	_ =	sdelay $0x4  }
0x56: {  	s25 =	rddreg [dreg:$0x5];
	v5 =	vand.u32 $0xFFFFFF80, v5  }
0x57: {  	v6 =	vadd.s32 s25, v5  }
0x58: {  	(v2sf) =	vpush v6, $0x0;
	_ =	sdelay $0x1  }
0x59: {  	(v2sf) =	vpush v6, $0x1  }
0x5a: {  	(v2sf) =	vpush v6, $0x2;
	_ =	sdelay $0x1  }
0x5b: {  	(v2sf) =	vpush v6, $0x3;
	_ =	sdelay $0x1  }
0x5c: {  	(v2sf) =	vpush v6, $0x4;
	_ =	sdelay $0x1  }
0x5d: {  	(v2sf) =	vpush v6, $0x5;
	_ =	sdelay $0x1  }
0x5e: {  	(v2sf) =	vpush v6, $0x6;
	_ =	sdelay $0x1  }
0x5f: {  	s26 =	rddreg [dreg:$0x6];
	(v2sf) =	vpush v6, $0x7  }
0x60: {  	v5 =	vadd.s32 s26, v5  }
0x61: {  	s9 =	spop (v2sf);
	(v2sf) =	vpush v5, $0x8  }
0x62: {  	[tilespmem:s6], [sflag:$0x1] =	stream.linear.gather [hbm4b:s9+s3], $0x400, $0x38;
	[tilespmem:$0x10100] =	vst v63  }
0x63: {  	s28 =	spop (v2sf);
	(v2sf) =	vpush v5, $0x9  }
0x64: {  	s10 =	rddreg [dreg:$0xe];
	s30 =	spop (v2sf)  }
0x65: {  	(v2sf) =	vpush v5, $0xA;
	[tilespmem:s10], [sflag:$0x1] =	stream.linear.gather [hbm4b:s28+s3], $0x400, $0x38;
	[tilespmem:$0x10100] =	vst v63  }
0x66: {  	s29 =	rddreg [dreg:$0xf];
	s9 =	spop (v2sf)  }
0x67: {  	[tilespmem:s29], [sflag:$0x1] =	stream.linear.gather [hbm4b:s30+s3], $0x400, $0x38;
	[tilespmem:$0x10100] =	vst v63  }
0x68: {  	s31 =	rddreg [dreg:$0x10];
	(v2sf) =	vpush v5, $0xB;
	s12 =	spop (v2sf)  }
0x69: {  	[tilespmem:s31], [sflag:$0x1] =	stream.linear.gather [hbm4b:s9+s3], $0x400, $0x38;
	[tilespmem:$0x10100] =	vst v63  }
0x6a: {  	s11 =	rddreg [dreg:$0x11];
	s14 =	spop (v2sf)  }
0x6b: {  	[tilespmem:s11], [sflag:$0x1] =	stream.linear.gather [hbm4b:s12+s3], $0x400, $0x38;
	[tilespmem:$0x10100] =	vst v63  }
0x6c: {  	s13 =	rddreg [dreg:$0x12];
	s16 =	spop (v2sf)  }
0x6d: {  	[tilespmem:s13], [sflag:$0x1] =	stream.linear.gather [hbm4b:s14+s3], $0x400, $0x38;
	[tilespmem:$0x10100] =	vst v63  }
0x6e: {  	s15 =	rddreg [dreg:$0x13];
	s18 =	spop (v2sf)  }
0x6f: {  	[tilespmem:s15], [sflag:$0x1] =	stream.linear.gather [hbm4b:s16+s3], $0x400, $0x38;
	[tilespmem:$0x10100] =	vst v63  }
0x70: {  	s17 =	rddreg [dreg:$0x14];
	s19 =	spop (v2sf);
	(v2sf) =	vpush v5, $0xC  }
0x71: {  	[tilespmem:s17], [sflag:$0x1] =	stream.linear.gather [hbm4b:s18+s3], $0x400, $0x38;
	[tilespmem:$0x10100] =	vst v63  }
0x72: {  	s21 =	spop (v2sf);
	(v2sf) =	vpush v5, $0xD  }
0x73: {  	s8 =	sand.u32 $0x1FFFFF80, s19  }
0x74: {  	s20 =	rddreg [dreg:$0x15];
	s8 =	sadd.s32 s1, s8;
	s23 =	spop (v2sf)  }
0x75: {  	(v2sf) =	vpush v5, $0xE;
	[tilespmem:s20], [sflag:$0x1] =	stream.linear.gather [hbm4b:s8+s3], $0x400, $0x38;
	[tilespmem:$0x10100] =	vst v63  }
0x76: {  	s8 =	sand.u32 $0x1FFFFF80, s21  }
0x77: {  	s22 =	rddreg [dreg:$0x16];
	s25 =	spop (v2sf);
	s8 =	sadd.s32 s1, s8  }
0x78: {  	(v2sf) =	vpush v5, $0xF;
	[tilespmem:s22], [sflag:$0x1] =	stream.linear.gather [hbm4b:s8+s3], $0x400, $0x38;
	[tilespmem:$0x10100] =	vst v63  }
0x79: {  	s8 =	sand.u32 $0x1FFFFF80, s23  }
0x7a: {  	s24 =	rddreg [dreg:$0x17];
	s8 =	sadd.s32 s1, s8  }
0x7b: {  	[tilespmem:s24], [sflag:$0x1] =	stream.linear.gather [hbm4b:s8+s3], $0x400, $0x38;
	[tilespmem:$0x10100] =	vst v63  }
0x7c: {  	s8 =	sand.u32 $0x1FFFFF80, s25  }
0x7d: {  	s26 =	rddreg [dreg:$0x18];
	s8 =	sadd.s32 s1, s8  }
0x7e: {  	[tilespmem:s26], [sflag:$0x1] =	stream.linear.gather [hbm4b:s8+s3], $0x400, $0x38;
	[tilespmem:$0x10100] =	vst v63  }
0x7f: {  	s28 =	spop (v2sf)  }
0x80: {  	s8 =	sand.u32 $0x1FFFFF80, s28  }
0x81: {  	s29 =	rddreg [dreg:$0x19];
	s30 =	spop (v2sf);
	s8 =	sadd.s32 s1, s8  }
0x82: {  	[tilespmem:s29], [sflag:$0x1] =	stream.linear.gather [hbm4b:s8+s3], $0x400, $0x38;
	[tilespmem:$0x10100] =	vst v63  }
0x83: {  	s8 =	sand.u32 $0x1FFFFF80, s30  }
0x84: {  	s31 =	rddreg [dreg:$0x1a];
	s9 =	spop (v2sf);
	s8 =	sadd.s32 s1, s8  }
0x85: {  	[tilespmem:s31], [sflag:$0x1] =	stream.linear.gather [hbm4b:s8+s3], $0x400, $0x38;
	[tilespmem:$0x10100] =	vst v63  }
0x86: {  	s8 =	sand.u32 $0x1FFFFF80, s9  }
0x87: {  	s10 =	rddreg [dreg:$0x1b];
	s11 =	spop (v2sf);
	s8 =	sadd.s32 s1, s8  }
0x88: {  	[tilespmem:s10], [sflag:$0x1] =	stream.linear.gather [hbm4b:s8+s3], $0x400, $0x38;
	[tilespmem:$0x10100] =	vst v63  }
0x89: {  	s8 =	sand.u32 $0x1FFFFF80, s11  }
0x8a: {  	s12 =	rddreg [dreg:$0x1c];
	s8 =	sadd.s32 s1, s8  }
0x8b: {  	[tilespmem:s12], [sflag:$0x1] =	stream.linear.gather [hbm4b:s8+s3], $0x400, $0x38;
	[tilespmem:$0x10100] =	vst v63  }
0x8c: {  	v5 =	vld [tilespmem:$0x10];
	_ =	sdelay $0x4  }
0x8d: {  	s13 =	rddreg [dreg:$0x7];
	v5 =	vand.u32 $0xFFFFFF80, v5  }
0x8e: {  	v6 =	vadd.s32 s13, v5  }
0x8f: {  	(v2sf) =	vpush v6, $0x0;
	_ =	sdelay $0x1  }
0x90: {  	(v2sf) =	vpush v6, $0x1;
	_ =	sdelay $0x1  }
0x91: {  	(v2sf) =	vpush v6, $0x2;
	_ =	sdelay $0x2  }
0x92: {  	(v2sf) =	vpush v6, $0x3;
	_ =	sdelay $0x7  }
0x93: {  	s14 =	spop (v2sf);
	(v2sf) =	vpush v6, $0x4;
	_ =	sdelay $0x1  }
0x94: {  	s16 =	spop (v2sf);
	(v2sf) =	vpush v6, $0x5;
	_ =	sdelay $0x1  }
0x95: {  	s18 =	spop (v2sf);
	(v2sf) =	vpush v6, $0x6;
	_ =	sdelay $0x1  }
0x96: {  	s8 =	sand.u32 $0x1FFFFF80, s14  }
0x97: {  	s15 =	rddreg [dreg:$0x1d];
	s8 =	sadd.s32 s1, s8;
	s20 =	spop (v2sf);
	(v2sf) =	vpush v6, $0x7  }
0x98: {  	[tilespmem:s15], [sflag:$0x1] =	stream.linear.gather [hbm4b:s8+s3], $0x400, $0x38;
	[tilespmem:$0x10100] =	vst v63  }
0x99: {  	s8 =	sand.u32 $0x1FFFFF80, s16  }
0x9a: {  	s17 =	rddreg [dreg:$0x1e];
	s8 =	sadd.s32 s1, s8  }
0x9b: {  	[tilespmem:s17], [sflag:$0x1] =	stream.linear.gather [hbm4b:s8+s3], $0x400, $0x38;
	[tilespmem:$0x10100] =	vst v63  }
0x9c: {  	s19 =	rddreg [dreg:$0x1f];
	s8 =	sand.u32 $0x1FFFFF80, s18  }
0x9d: {  	s22 =	rddreg [dreg:$0x8];
	s8 =	sadd.s32 s1, s8  }
0x9e: {  	v5 =	vadd.s32 s22, v5;
	[tilespmem:s19], [sflag:$0x1] =	stream.linear.gather [hbm4b:s8+s3], $0x400, $0x38;
	[tilespmem:$0x10100] =	vst v63  }
0x9f: {  	s21 =	sld [smem:$0x7D0];
	s23 =	spop (v2sf);
	(v2sf) =	vpush v5, $0x8  }
0xa0: {  	s8 =	sand.u32 $0x1FFFFF80, s20  }
0xa1: {  	s24 =	sld [smem:$0x7D1];
	s8 =	sadd.s32 s1, s8;
	s25 =	spop (v2sf);
	(v2sf) =	vpush v5, $0x9  }
0xa2: {  	[tilespmem:s21], [sflag:$0x1] =	stream.linear.gather [hbm4b:s8+s3], $0x400, $0x38;
	[tilespmem:$0x10100] =	vst v63  }
0xa3: {  	s8 =	sand.u32 $0x1FFFFF80, s23;
	s28 =	spop (v2sf);
	(v2sf) =	vpush v5, $0xA  }
0xa4: {  	s8 =	sadd.s32 s1, s8  }
0xa5: {  	[tilespmem:s24], [sflag:$0x1] =	stream.linear.gather [hbm4b:s8+s3], $0x400, $0x38;
	[tilespmem:$0x10100] =	vst v63  }
0xa6: {  	s26 =	sld [smem:$0x7D2];
	s30 =	spop (v2sf);
	(v2sf) =	vpush v5, $0xB  }
0xa7: {  	s8 =	sand.u32 $0x1FFFFF80, s25  }
0xa8: {  	s29 =	sld [smem:$0x7D3];
	s8 =	sadd.s32 s1, s8  }
0xa9: {  	[tilespmem:s26], [sflag:$0x1] =	stream.linear.gather [hbm4b:s8+s3], $0x400, $0x38;
	[tilespmem:$0x10100] =	vst v63  }
0xaa: {  	s8 =	sand.u32 $0x1FFFFF80, s28  }
0xab: {  	s31 =	sld [smem:$0x7D4];
	s8 =	sadd.s32 s1, s8  }
0xac: {  	[tilespmem:s29], [sflag:$0x1] =	stream.linear.gather [hbm4b:s8+s3], $0x400, $0x38;
	[tilespmem:$0x10100] =	vst v63  }
0xad: {  	s8 =	sand.u32 $0x1FFFFF80, s30  }
0xae: {  	s8 =	sadd.s32 s1, s8;
	s10 =	spop (v2sf);
	(v2sf) =	vpush v5, $0xC  }
0xaf: {  	[tilespmem:s31], [sflag:$0x1] =	stream.linear.gather [hbm4b:s8+s3], $0x400, $0x38;
	[tilespmem:$0x10100] =	vst v63  }
0xb0: {  	s11 =	sld [smem:$0x7D5];
	s12 =	spop (v2sf);
	(v2sf) =	vpush v5, $0xD  }
0xb1: {  	s8 =	sand.u32 $0x1FFFFF80, s10  }
0xb2: {  	s13 =	sld [smem:$0x7D6];
	s8 =	sadd.s32 s1, s8;
	s14 =	spop (v2sf)  }
0xb3: {  	(v2sf) =	vpush v5, $0xE;
	[tilespmem:s11], [sflag:$0x1] =	stream.linear.gather [hbm4b:s8+s3], $0x400, $0x38;
	[tilespmem:$0x10100] =	vst v63  }
0xb4: {  	s8 =	sand.u32 $0x1FFFFF80, s12  }
0xb5: {  	s15 =	sld [smem:$0x7D7];
	s16 =	spop (v2sf);
	s8 =	sadd.s32 s1, s8  }
0xb6: {  	(v2sf) =	vpush v5, $0xF;
	[tilespmem:s13], [sflag:$0x1] =	stream.linear.gather [hbm4b:s8+s3], $0x400, $0x38;
	[tilespmem:$0x10100] =	vst v63  }
0xb7: {  	s8 =	sand.u32 $0x1FFFFF80, s14  }
0xb8: {  	s17 =	sld [smem:$0x7D8];
	s8 =	sadd.s32 s1, s8  }
0xb9: {  	[tilespmem:s15], [sflag:$0x1] =	stream.linear.gather [hbm4b:s8+s3], $0x400, $0x38;
	[tilespmem:$0x10100] =	vst v63  }
0xba: {  	s8 =	sand.u32 $0x1FFFFF80, s16  }
0xbb: {  	s8 =	sadd.s32 s1, s8  }
0xbc: {  	[tilespmem:s17], [sflag:$0x1] =	stream.linear.gather [hbm4b:s8+s3], $0x400, $0x38;
	[tilespmem:$0x10100] =	vst v63  }
0xbd: {  	s19 =	sld [smem:$0x7D9];
	s18 =	spop (v2sf)  }
0xbe: {  	s8 =	sand.u32 $0x1FFFFF80, s18  }
0xbf: {  	s21 =	sld [smem:$0x7DA];
	s20 =	spop (v2sf);
	s8 =	sadd.s32 s1, s8  }
0xc0: {  	[tilespmem:s19], [sflag:$0x1] =	stream.linear.gather [hbm4b:s8+s3], $0x400, $0x38;
	[tilespmem:$0x10100] =	vst v63  }
0xc1: {  	s8 =	sand.u32 $0x1FFFFF80, s20  }
0xc2: {  	s23 =	sld [smem:$0x7DB];
	s22 =	spop (v2sf);
	s8 =	sadd.s32 s1, s8  }
0xc3: {  	[tilespmem:s21], [sflag:$0x1] =	stream.linear.gather [hbm4b:s8+s3], $0x400, $0x38;
	[tilespmem:$0x10100] =	vst v63  }
0xc4: {  	s8 =	sand.u32 $0x1FFFFF80, s22  }
0xc5: {  	s25 =	sld [smem:$0x7DC];
	s24 =	spop (v2sf);
	s8 =	sadd.s32 s1, s8  }
0xc6: {  	[tilespmem:s23], [sflag:$0x1] =	stream.linear.gather [hbm4b:s8+s3], $0x400, $0x38;
	[tilespmem:$0x10100] =	vst v63  }
0xc7: {  	s8 =	sand.u32 $0x1FFFFF80, s24  }
0xc8: {  	s8 =	sadd.s32 s1, s8  }
0xc9: {  	[tilespmem:s25], [sflag:$0x1] =	stream.linear.gather [hbm4b:s8+s3], $0x400, $0x38;
	[tilespmem:$0x10100] =	vst v63  }
0xca: {  	v5 =	vld [tilespmem:$0x20];
	_ =	sdelay $0x4  }
0xcb: {  	s26 =	rddreg [dreg:$0x9];
	v5 =	vand.u32 $0xFFFFFF80, v5  }
0xcc: {  	v6 =	vadd.s32 s26, v5  }
0xcd: {  	(v2sf) =	vpush v6, $0x0;
	_ =	sdelay $0x1  }
0xce: {  	(v2sf) =	vpush v6, $0x1;
	_ =	sdelay $0x1  }
0xcf: {  	(v2sf) =	vpush v6, $0x2;
	_ =	sdelay $0x2  }
0xd0: {  	(v2sf) =	vpush v6, $0x3;
	_ =	sdelay $0x7  }
0xd1: {  	s28 =	spop (v2sf);
	(v2sf) =	vpush v6, $0x4;
	_ =	sdelay $0x1  }
0xd2: {  	s30 =	spop (v2sf);
	(v2sf) =	vpush v6, $0x5;
	_ =	sdelay $0x1  }
0xd3: {  	s10 =	spop (v2sf);
	(v2sf) =	vpush v6, $0x6  }
0xd4: {  	s29 =	sld [smem:$0x7DD]  }
0xd5: {  	s8 =	sand.u32 $0x1FFFFF80, s28  }
0xd6: {  	s31 =	sld [smem:$0x7DE];
	s8 =	sadd.s32 s1, s8;
	s12 =	spop (v2sf);
	(v2sf) =	vpush v6, $0x7  }
0xd7: {  	[tilespmem:s29], [sflag:$0x1] =	stream.linear.gather [hbm4b:s8+s3], $0x400, $0x38;
	[tilespmem:$0x10100] =	vst v63  }
0xd8: {  	s8 =	sand.u32 $0x1FFFFF80, s30  }
0xd9: {  	s11 =	sld [smem:$0x7DF];
	s8 =	sadd.s32 s1, s8  }
0xda: {  	[tilespmem:s31], [sflag:$0x1] =	stream.linear.gather [hbm4b:s8+s3], $0x400, $0x38;
	[tilespmem:$0x10100] =	vst v63  }
0xdb: {  	s8 =	sand.u32 $0x1FFFFF80, s10  }
0xdc: {  	s14 =	rddreg [dreg:$0xa];
	s8 =	sadd.s32 s1, s8  }
0xdd: {  	v5 =	vadd.s32 s14, v5;
	[tilespmem:s11], [sflag:$0x1] =	stream.linear.gather [hbm4b:s8+s3], $0x400, $0x38;
	[tilespmem:$0x10100] =	vst v63  }
0xde: {  	s13 =	sld [smem:$0x7E0];
	s15 =	spop (v2sf);
	(v2sf) =	vpush v5, $0x8  }
0xdf: {  	s8 =	sand.u32 $0x1FFFFF80, s12  }
0xe0: {  	s16 =	sld [smem:$0x7E1];
	s8 =	sadd.s32 s1, s8;
	s17 =	spop (v2sf);
	(v2sf) =	vpush v5, $0x9  }
0xe1: {  	[tilespmem:s13], [sflag:$0x1] =	stream.linear.gather [hbm4b:s8+s3], $0x400, $0x38;
	[tilespmem:$0x10100] =	vst v63  }
0xe2: {  	s8 =	sand.u32 $0x1FFFFF80, s15;
	s19 =	spop (v2sf);
	(v2sf) =	vpush v5, $0xA  }
0xe3: {  	s8 =	sadd.s32 s1, s8  }
0xe4: {  	[tilespmem:s16], [sflag:$0x1] =	stream.linear.gather [hbm4b:s8+s3], $0x400, $0x38;
	[tilespmem:$0x10100] =	vst v63  }
0xe5: {  	s18 =	sld [smem:$0x7E2];
	s21 =	spop (v2sf);
	(v2sf) =	vpush v5, $0xB  }
0xe6: {  	s8 =	sand.u32 $0x1FFFFF80, s17  }
0xe7: {  	s20 =	sld [smem:$0x7E3];
	s8 =	sadd.s32 s1, s8  }
0xe8: {  	[tilespmem:s18], [sflag:$0x1] =	stream.linear.gather [hbm4b:s8+s3], $0x400, $0x38;
	[tilespmem:$0x10100] =	vst v63  }
0xe9: {  	s8 =	sand.u32 $0x1FFFFF80, s19  }
0xea: {  	s22 =	sld [smem:$0x7E4];
	s8 =	sadd.s32 s1, s8  }
0xeb: {  	[tilespmem:s20], [sflag:$0x1] =	stream.linear.gather [hbm4b:s8+s3], $0x400, $0x38;
	[tilespmem:$0x10100] =	vst v63  }
0xec: {  	s8 =	sand.u32 $0x1FFFFF80, s21  }
0xed: {  	s8 =	sadd.s32 s1, s8;
	s23 =	spop (v2sf);
	(v2sf) =	vpush v5, $0xC  }
0xee: {  	[tilespmem:s22], [sflag:$0x1] =	stream.linear.gather [hbm4b:s8+s3], $0x400, $0x38;
	[tilespmem:$0x10100] =	vst v63  }
0xef: {  	s24 =	sld [smem:$0x7E5];
	s25 =	spop (v2sf);
	(v2sf) =	vpush v5, $0xD  }
0xf0: {  	s8 =	sand.u32 $0x1FFFFF80, s23  }
0xf1: {  	s26 =	sld [smem:$0x7E6];
	s8 =	sadd.s32 s1, s8;
	s28 =	spop (v2sf)  }
0xf2: {  	(v2sf) =	vpush v5, $0xE;
	[tilespmem:s24], [sflag:$0x1] =	stream.linear.gather [hbm4b:s8+s3], $0x400, $0x38;
	[tilespmem:$0x10100] =	vst v63  }
0xf3: {  	s8 =	sand.u32 $0x1FFFFF80, s25  }
0xf4: {  	s29 =	sld [smem:$0x7E7];
	s30 =	spop (v2sf);
	s8 =	sadd.s32 s1, s8  }
0xf5: {  	(v2sf) =	vpush v5, $0xF;
	[tilespmem:s26], [sflag:$0x1] =	stream.linear.gather [hbm4b:s8+s3], $0x400, $0x38;
	[tilespmem:$0x10100] =	vst v63  }
0xf6: {  	s8 =	sand.u32 $0x1FFFFF80, s28  }
0xf7: {  	s31 =	sld [smem:$0x7E8];
	s8 =	sadd.s32 s1, s8  }
0xf8: {  	[tilespmem:s29], [sflag:$0x1] =	stream.linear.gather [hbm4b:s8+s3], $0x400, $0x38;
	[tilespmem:$0x10100] =	vst v63  }
0xf9: {  	s8 =	sand.u32 $0x1FFFFF80, s30  }
0xfa: {  	s8 =	sadd.s32 s1, s8  }
0xfb: {  	[tilespmem:s31], [sflag:$0x1] =	stream.linear.gather [hbm4b:s8+s3], $0x400, $0x38;
	[tilespmem:$0x10100] =	vst v63  }
0xfc: {  	s10 =	sld [smem:$0x7E9];
	s9 =	spop (v2sf)  }
0xfd: {  	s8 =	sand.u32 $0x1FFFFF80, s9  }
0xfe: {  	s12 =	sld [smem:$0x7EA];
	s11 =	spop (v2sf);
	s8 =	sadd.s32 s1, s8  }
0xff: {  	[tilespmem:s10], [sflag:$0x1] =	stream.linear.gather [hbm4b:s8+s3], $0x400, $0x38;
	[tilespmem:$0x10100] =	vst v63  }
0x100: {  	s8 =	sand.u32 $0x1FFFFF80, s11  }
0x101: {  	s14 =	sld [smem:$0x7EB];
	s13 =	spop (v2sf);
	s8 =	sadd.s32 s1, s8  }
0x102: {  	[tilespmem:s12], [sflag:$0x1] =	stream.linear.gather [hbm4b:s8+s3], $0x400, $0x38;
	[tilespmem:$0x10100] =	vst v63  }
0x103: {  	s8 =	sand.u32 $0x1FFFFF80, s13  }
0x104: {  	s16 =	sld [smem:$0x7EC];
	s15 =	spop (v2sf);
	s8 =	sadd.s32 s1, s8  }
0x105: {  	[tilespmem:s14], [sflag:$0x1] =	stream.linear.gather [hbm4b:s8+s3], $0x400, $0x38;
	[tilespmem:$0x10100] =	vst v63  }
0x106: {  	s8 =	sand.u32 $0x1FFFFF80, s15  }
0x107: {  	s8 =	sadd.s32 s1, s8  }
0x108: {  	[tilespmem:s16], [sflag:$0x1] =	stream.linear.gather [hbm4b:s8+s3], $0x400, $0x38;
	[tilespmem:$0x10100] =	vst v63  }
0x109: {  	v5 =	vld [tilespmem:$0x30];
	_ =	sdelay $0x4  }
0x10a: {  	s17 =	rddreg [dreg:$0xb];
	v5 =	vand.u32 $0xFFFFFF80, v5  }
0x10b: {  	v6 =	vadd.s32 s17, v5  }
0x10c: {  	(v2sf) =	vpush v6, $0x0;
	_ =	sdelay $0x1  }
0x10d: {  	(v2sf) =	vpush v6, $0x1;
	_ =	sdelay $0x1  }
0x10e: {  	(v2sf) =	vpush v6, $0x2;
	_ =	sdelay $0x2  }
0x10f: {  	(v2sf) =	vpush v6, $0x3;
	_ =	sdelay $0x7  }
0x110: {  	s18 =	spop (v2sf);
	(v2sf) =	vpush v6, $0x4;
	_ =	sdelay $0x1  }
0x111: {  	s20 =	spop (v2sf);
	(v2sf) =	vpush v6, $0x5;
	_ =	sdelay $0x1  }
0x112: {  	s22 =	spop (v2sf);
	(v2sf) =	vpush v6, $0x6  }
0x113: {  	s19 =	sld [smem:$0x7ED]  }
0x114: {  	s8 =	sand.u32 $0x1FFFFF80, s18  }
0x115: {  	s21 =	sld [smem:$0x7EE];
	s8 =	sadd.s32 s1, s8;
	s24 =	spop (v2sf);
	(v2sf) =	vpush v6, $0x7  }
0x116: {  	[tilespmem:s19], [sflag:$0x1] =	stream.linear.gather [hbm4b:s8+s3], $0x400, $0x38;
	[tilespmem:$0x10100] =	vst v63  }
0x117: {  	s8 =	sand.u32 $0x1FFFFF80, s20  }
0x118: {  	s23 =	sld [smem:$0x7EF];
	s8 =	sadd.s32 s1, s8  }
0x119: {  	[tilespmem:s21], [sflag:$0x1] =	stream.linear.gather [hbm4b:s8+s3], $0x400, $0x38;
	[tilespmem:$0x10100] =	vst v63  }
0x11a: {  	s8 =	sand.u32 $0x1FFFFF80, s22  }
0x11b: {  	s26 =	rddreg [dreg:$0xc];
	s8 =	sadd.s32 s1, s8  }
0x11c: {  	v5 =	vadd.s32 s26, v5;
	[tilespmem:s23], [sflag:$0x1] =	stream.linear.gather [hbm4b:s8+s3], $0x400, $0x38;
	[tilespmem:$0x10100] =	vst v63  }
0x11d: {  	s25 =	sld [smem:$0x7F0];
	s28 =	spop (v2sf);
	(v2sf) =	vpush v5, $0x8  }
0x11e: {  	s8 =	sand.u32 $0x1FFFFF80, s24  }
0x11f: {  	s29 =	sld [smem:$0x7F1];
	s8 =	sadd.s32 s1, s8;
	s30 =	spop (v2sf);
	(v2sf) =	vpush v5, $0x9  }
0x120: {  	[tilespmem:s25], [sflag:$0x1] =	stream.linear.gather [hbm4b:s8+s3], $0x400, $0x38;
	[tilespmem:$0x10100] =	vst v63  }
0x121: {  	s8 =	sand.u32 $0x1FFFFF80, s28;
	s9 =	spop (v2sf);
	(v2sf) =	vpush v5, $0xA  }
0x122: {  	s8 =	sadd.s32 s1, s8  }
0x123: {  	[tilespmem:s29], [sflag:$0x1] =	stream.linear.gather [hbm4b:s8+s3], $0x400, $0x38;
	[tilespmem:$0x10100] =	vst v63  }
0x124: {  	s31 =	sld [smem:$0x7F2];
	s11 =	spop (v2sf);
	(v2sf) =	vpush v5, $0xB  }
0x125: {  	s8 =	sand.u32 $0x1FFFFF80, s30  }
0x126: {  	s10 =	sld [smem:$0x7F3];
	s8 =	sadd.s32 s1, s8  }
0x127: {  	[tilespmem:s31], [sflag:$0x1] =	stream.linear.gather [hbm4b:s8+s3], $0x400, $0x38;
	[tilespmem:$0x10100] =	vst v63  }
0x128: {  	s8 =	sand.u32 $0x1FFFFF80, s9  }
0x129: {  	s12 =	sld [smem:$0x7F4];
	s8 =	sadd.s32 s1, s8  }
0x12a: {  	[tilespmem:s10], [sflag:$0x1] =	stream.linear.gather [hbm4b:s8+s3], $0x400, $0x38;
	[tilespmem:$0x10100] =	vst v63  }
0x12b: {  	s8 =	sand.u32 $0x1FFFFF80, s11  }
0x12c: {  	s8 =	sadd.s32 s1, s8;
	s13 =	spop (v2sf);
	(v2sf) =	vpush v5, $0xC  }
0x12d: {  	[tilespmem:s12], [sflag:$0x1] =	stream.linear.gather [hbm4b:s8+s3], $0x400, $0x38;
	[tilespmem:$0x10100] =	vst v63  }
0x12e: {  	s14 =	sld [smem:$0x7F5];
	s15 =	spop (v2sf);
	(v2sf) =	vpush v5, $0xD  }
0x12f: {  	s8 =	sand.u32 $0x1FFFFF80, s13  }
0x130: {  	s16 =	sld [smem:$0x7F6];
	s8 =	sadd.s32 s1, s8;
	s17 =	spop (v2sf)  }
0x131: {  	(v2sf) =	vpush v5, $0xE;
	[tilespmem:s14], [sflag:$0x1] =	stream.linear.gather [hbm4b:s8+s3], $0x400, $0x38;
	[tilespmem:$0x10100] =	vst v63  }
0x132: {  	s8 =	sand.u32 $0x1FFFFF80, s15  }
0x133: {  	s18 =	sld [smem:$0x7F7];
	s19 =	spop (v2sf);
	s8 =	sadd.s32 s1, s8  }
0x134: {  	(v2sf) =	vpush v5, $0xF;
	[tilespmem:s16], [sflag:$0x1] =	stream.linear.gather [hbm4b:s8+s3], $0x400, $0x38;
	[tilespmem:$0x10100] =	vst v63  }
0x135: {  	s8 =	sand.u32 $0x1FFFFF80, s17  }
0x136: {  	s20 =	sld [smem:$0x7F8];
	s8 =	sadd.s32 s1, s8  }
0x137: {  	[tilespmem:s18], [sflag:$0x1] =	stream.linear.gather [hbm4b:s8+s3], $0x400, $0x38;
	[tilespmem:$0x10100] =	vst v63  }
0x138: {  	s8 =	sand.u32 $0x1FFFFF80, s19  }
0x139: {  	s8 =	sadd.s32 s1, s8  }
0x13a: {  	[tilespmem:s20], [sflag:$0x1] =	stream.linear.gather [hbm4b:s8+s3], $0x400, $0x38;
	[tilespmem:$0x10100] =	vst v63  }
0x13b: {  	s22 =	sld [smem:$0x7F9];
	s21 =	spop (v2sf)  }
0x13c: {  	s8 =	sand.u32 $0x1FFFFF80, s21  }
0x13d: {  	s24 =	sld [smem:$0x7FA];
	s23 =	spop (v2sf);
	s8 =	sadd.s32 s1, s8  }
0x13e: {  	[tilespmem:s22], [sflag:$0x1] =	stream.linear.gather [hbm4b:s8+s3], $0x400, $0x38;
	[tilespmem:$0x10100] =	vst v63  }
0x13f: {  	s8 =	sand.u32 $0x1FFFFF80, s23  }
0x140: {  	s26 =	sld [smem:$0x7FB];
	s25 =	spop (v2sf);
	s8 =	sadd.s32 s1, s8  }
0x141: {  	[tilespmem:s24], [sflag:$0x1] =	stream.linear.gather [hbm4b:s8+s3], $0x400, $0x38;
	[tilespmem:$0x10100] =	vst v63  }
0x142: {  	s8 =	sand.u32 $0x1FFFFF80, s25  }
0x143: {  	s29 =	sld [smem:$0x7FC];
	s28 =	spop (v2sf);
	s8 =	sadd.s32 s1, s8  }
0x144: {  	[tilespmem:s26], [sflag:$0x1] =	stream.linear.gather [hbm4b:s8+s3], $0x400, $0x38;
	[tilespmem:$0x10100] =	vst v63  }
0x145: {  	s8 =	sand.u32 $0x1FFFFF80, s28  }
0x146: {  	s8 =	sadd.s32 s1, s8  }
0x147: {  	[tilespmem:s29], [sflag:$0x1] =	stream.linear.gather [hbm4b:s8+s3], $0x400, $0x38;
	[tilespmem:$0x10100] =	vst v63  }
0x148: {  	_ =	swait.ge [sflag:s7], $0x400  }
0x149: {  	[sflag:s7] =	ssyncset.done $0x0  }
0x14a: {  	[sflag:s7] =	ssyncadd.s32 $0xFFFFFC00  }
0x14b: {  	_ =	swait.ge [sflag:s7], $0x400  }
0x14c: {  	[sflag:s7] =	ssyncset.done $0x0  }
0x14d: {  	[sflag:s7] =	ssyncadd.s32 $0xFFFFFC00  }
0x14e: {  	_ =	swait.ge [sflag:s7], $0x400  }
0x14f: {  	[sflag:s7] =	ssyncset.done $0x0  }
0x150: {  	[sflag:s7] =	ssyncadd.s32 $0xFFFFFC00  }
0x151: {  	_ =	swait.ge [sflag:s7], $0x400  }
0x152: {  	[sflag:s7] =	ssyncset.done $0x0  }
0x153: {  	[sflag:s7] =	ssyncadd.s32 $0xFFFFFC00  }
0x154: {  	_ =	swait.ge [sflag:s7], $0x400  }
0x155: {  	[sflag:s7] =	ssyncset.done $0x0  }
0x156: {  	[sflag:s7] =	ssyncadd.s32 $0xFFFFFC00  }
0x157: {  	_ =	swait.ge [sflag:s7], $0x400  }
0x158: {  	[sflag:s7] =	ssyncset.done $0x0  }
0x159: {  	[sflag:s7] =	ssyncadd.s32 $0xFFFFFC00  }
0x15a: {  	_ =	swait.ge [sflag:s7], $0x400  }
0x15b: {  	[sflag:s7] =	ssyncset.done $0x0  }
0x15c: {  	[sflag:s7] =	ssyncadd.s32 $0xFFFFFC00  }
0x15d: {  	_ =	swait.ge [sflag:s7], $0x400  }
0x15e: {  	[sflag:s7] =	ssyncset.done $0x0  }
0x15f: {  	[sflag:s7] =	ssyncadd.s32 $0xFFFFFC00  }
0x160: {  	_ =	swait.ge [sflag:s7], $0x400  }
0x161: {  	[sflag:s7] =	ssyncset.done $0x0  }
0x162: {  	[sflag:s7] =	ssyncadd.s32 $0xFFFFFC00  }
0x163: {  	_ =	swait.ge [sflag:s7], $0x400  }
0x164: {  	[sflag:s7] =	ssyncset.done $0x0  }
0x165: {  	[sflag:s7] =	ssyncadd.s32 $0xFFFFFC00  }
0x166: {  	_ =	swait.ge [sflag:s7], $0x400  }
0x167: {  	[sflag:s7] =	ssyncset.done $0x0  }
0x168: {  	[sflag:s7] =	ssyncadd.s32 $0xFFFFFC00  }
0x169: {  	_ =	swait.ge [sflag:s7], $0x400  }
0x16a: {  	[sflag:s7] =	ssyncset.done $0x0  }
0x16b: {  	[sflag:s7] =	ssyncadd.s32 $0xFFFFFC00  }
0x16c: {  	_ =	swait.ge [sflag:s7], $0x400  }
0x16d: {  	[sflag:s7] =	ssyncset.done $0x0  }
0x16e: {  	[sflag:s7] =	ssyncadd.s32 $0xFFFFFC00  }
0x16f: {  	_ =	swait.ge [sflag:s7], $0x400  }
0x170: {  	[sflag:s7] =	ssyncset.done $0x0  }
0x171: {  	[sflag:s7] =	ssyncadd.s32 $0xFFFFFC00  }
0x172: {  	_ =	swait.ge [sflag:s7], $0x400  }
0x173: {  	[sflag:s7] =	ssyncset.done $0x0  }
0x174: {  	[sflag:s7] =	ssyncadd.s32 $0xFFFFFC00  }
0x175: {  	_ =	swait.ge [sflag:s7], $0x400  }
0x176: {  	[sflag:s7] =	ssyncset.done $0x0  }
0x177: {  	[sflag:s7] =	ssyncadd.s32 $0xFFFFFC00  }
0x178: {  	_ =	swait.ge [sflag:s7], $0x400  }
0x179: {  	[sflag:s7] =	ssyncset.done $0x0  }
0x17a: {  	[sflag:s7] =	ssyncadd.s32 $0xFFFFFC00  }
0x17b: {  	_ =	swait.ge [sflag:s7], $0x400  }
0x17c: {  	[sflag:s7] =	ssyncset.done $0x0  }
0x17d: {  	[sflag:s7] =	ssyncadd.s32 $0xFFFFFC00  }
0x17e: {  	_ =	swait.ge [sflag:s7], $0x400  }
0x17f: {  	[sflag:s7] =	ssyncset.done $0x0  }
0x180: {  	[sflag:s7] =	ssyncadd.s32 $0xFFFFFC00  }
0x181: {  	_ =	swait.ge [sflag:s7], $0x400  }
0x182: {  	[sflag:s7] =	ssyncset.done $0x0  }
0x183: {  	[sflag:s7] =	ssyncadd.s32 $0xFFFFFC00  }
0x184: {  	_ =	swait.ge [sflag:s7], $0x400  }
0x185: {  	[sflag:s7] =	ssyncset.done $0x0  }
0x186: {  	[sflag:s7] =	ssyncadd.s32 $0xFFFFFC00  }
0x187: {  	_ =	swait.ge [sflag:s7], $0x400  }
0x188: {  	[sflag:s7] =	ssyncset.done $0x0  }
0x189: {  	[sflag:s7] =	ssyncadd.s32 $0xFFFFFC00  }
0x18a: {  	_ =	swait.ge [sflag:s7], $0x400  }
0x18b: {  	[sflag:s7] =	ssyncset.done $0x0  }
0x18c: {  	[sflag:s7] =	ssyncadd.s32 $0xFFFFFC00  }
0x18d: {  	_ =	swait.ge [sflag:s7], $0x400  }
0x18e: {  	[sflag:s7] =	ssyncset.done $0x0  }
0x18f: {  	[sflag:s7] =	ssyncadd.s32 $0xFFFFFC00  }
0x190: {  	_ =	swait.ge [sflag:s7], $0x400  }
0x191: {  	[sflag:s7] =	ssyncset.done $0x0  }
0x192: {  	[sflag:s7] =	ssyncadd.s32 $0xFFFFFC00  }
0x193: {  	_ =	swait.ge [sflag:s7], $0x400  }
0x194: {  	[sflag:s7] =	ssyncset.done $0x0  }
0x195: {  	[sflag:s7] =	ssyncadd.s32 $0xFFFFFC00  }
0x196: {  	_ =	swait.ge [sflag:s7], $0x400  }
0x197: {  	[sflag:s7] =	ssyncset.done $0x0  }
0x198: {  	[sflag:s7] =	ssyncadd.s32 $0xFFFFFC00  }
0x199: {  	_ =	swait.ge [sflag:s7], $0x400  }
0x19a: {  	[sflag:s7] =	ssyncset.done $0x0  }
0x19b: {  	[sflag:s7] =	ssyncadd.s32 $0xFFFFFC00  }
0x19c: {  	_ =	swait.ge [sflag:s7], $0x400  }
0x19d: {  	[sflag:s7] =	ssyncset.done $0x0  }
0x19e: {  	[sflag:s7] =	ssyncadd.s32 $0xFFFFFC00  }
0x19f: {  	_ =	swait.ge [sflag:s7], $0x400  }
0x1a0: {  	[sflag:s7] =	ssyncset.done $0x0  }
0x1a1: {  	[sflag:s7] =	ssyncadd.s32 $0xFFFFFC00  }
0x1a2: {  	_ =	swait.ge [sflag:s7], $0x400  }
0x1a3: {  	[sflag:s7] =	ssyncset.done $0x0  }
0x1a4: {  	[sflag:s7] =	ssyncadd.s32 $0xFFFFFC00  }
0x1a5: {  	_ =	swait.ge [sflag:s7], $0x400  }
0x1a6: {  	[sflag:s7] =	ssyncset.done $0x0  }
0x1a7: {  	[sflag:s7] =	ssyncadd.s32 $0xFFFFFC00  }
0x1a8: {  	_ =	swait.ge [sflag:s7], $0x400  }
0x1a9: {  	[sflag:s7] =	ssyncset.done $0x0  }
0x1aa: {  	[sflag:s7] =	ssyncadd.s32 $0xFFFFFC00  }
0x1ab: {  	_ =	swait.ge [sflag:s7], $0x400  }
0x1ac: {  	[sflag:s7] =	ssyncset.done $0x0  }
0x1ad: {  	[sflag:s7] =	ssyncadd.s32 $0xFFFFFC00  }
0x1ae: {  	_ =	swait.ge [sflag:s7], $0x400  }
0x1af: {  	[sflag:s7] =	ssyncset.done $0x0  }
0x1b0: {  	[sflag:s7] =	ssyncadd.s32 $0xFFFFFC00  }
0x1b1: {  	_ =	swait.ge [sflag:s7], $0x400  }
0x1b2: {  	[sflag:s7] =	ssyncset.done $0x0  }
0x1b3: {  	[sflag:s7] =	ssyncadd.s32 $0xFFFFFC00  }
0x1b4: {  	_ =	swait.ge [sflag:s7], $0x400  }
0x1b5: {  	[sflag:s7] =	ssyncset.done $0x0  }
0x1b6: {  	[sflag:s7] =	ssyncadd.s32 $0xFFFFFC00  }
0x1b7: {  	_ =	swait.ge [sflag:s7], $0x400  }
0x1b8: {  	[sflag:s7] =	ssyncset.done $0x0  }
0x1b9: {  	[sflag:s7] =	ssyncadd.s32 $0xFFFFFC00  }
0x1ba: {  	_ =	swait.ge [sflag:s7], $0x400  }
0x1bb: {  	[sflag:s7] =	ssyncset.done $0x0  }
0x1bc: {  	[sflag:s7] =	ssyncadd.s32 $0xFFFFFC00  }
0x1bd: {  	_ =	swait.ge [sflag:s7], $0x400  }
0x1be: {  	[sflag:s7] =	ssyncset.done $0x0  }
0x1bf: {  	[sflag:s7] =	ssyncadd.s32 $0xFFFFFC00  }
0x1c0: {  	_ =	swait.ge [sflag:s7], $0x400  }
0x1c1: {  	[sflag:s7] =	ssyncset.done $0x0  }
0x1c2: {  	[sflag:s7] =	ssyncadd.s32 $0xFFFFFC00  }
0x1c3: {  	_ =	swait.ge [sflag:s7], $0x400  }
0x1c4: {  	[sflag:s7] =	ssyncset.done $0x0  }
0x1c5: {  	[sflag:s7] =	ssyncadd.s32 $0xFFFFFC00  }
0x1c6: {  	_ =	swait.ge [sflag:s7], $0x400  }
0x1c7: {  	[sflag:s7] =	ssyncset.done $0x0  }
0x1c8: {  	[sflag:s7] =	ssyncadd.s32 $0xFFFFFC00  }
0x1c9: {  	_ =	swait.ge [sflag:s7], $0x400  }
0x1ca: {  	[sflag:s7] =	ssyncset.done $0x0  }
0x1cb: {  	[sflag:s7] =	ssyncadd.s32 $0xFFFFFC00  }
0x1cc: {  	_ =	swait.ge [sflag:s7], $0x400  }
0x1cd: {  	[sflag:s7] =	ssyncset.done $0x0  }
0x1ce: {  	[sflag:s7] =	ssyncadd.s32 $0xFFFFFC00  }
0x1cf: {  	_ =	swait.ge [sflag:s7], $0x400  }
0x1d0: {  	[sflag:s7] =	ssyncset.done $0x0  }
0x1d1: {  	[sflag:s7] =	ssyncadd.s32 $0xFFFFFC00  }
0x1d2: {  	_ =	swait.ge [sflag:s7], $0x400  }
0x1d3: {  	[sflag:s7] =	ssyncset.done $0x0  }
0x1d4: {  	[sflag:s7] =	ssyncadd.s32 $0xFFFFFC00  }
0x1d5: {  	_ =	swait.ge [sflag:s7], $0x400  }
0x1d6: {  	[sflag:s7] =	ssyncset.done $0x0  }
0x1d7: {  	[sflag:s7] =	ssyncadd.s32 $0xFFFFFC00  }
0x1d8: {  	_ =	swait.ge [sflag:s7], $0x400  }
0x1d9: {  	[sflag:s7] =	ssyncset.done $0x0  }
0x1da: {  	[sflag:s7] =	ssyncadd.s32 $0xFFFFFC00  }
0x1db: {  	_ =	swait.ge [sflag:s7], $0x400  }
0x1dc: {  	[sflag:s7] =	ssyncset.done $0x0  }
0x1dd: {  	[sflag:s7] =	ssyncadd.s32 $0xFFFFFC00  }
0x1de: {  	_ =	swait.ge [sflag:s7], $0x400  }
0x1df: {  	[sflag:s7] =	ssyncset.done $0x0  }
0x1e0: {  	[sflag:s7] =	ssyncadd.s32 $0xFFFFFC00  }
0x1e1: {  	_ =	swait.ge [sflag:s7], $0x400  }
0x1e2: {  	[sflag:s7] =	ssyncset.done $0x0  }
0x1e3: {  	[sflag:s7] =	ssyncadd.s32 $0xFFFFFC00  }
0x1e4: {  	_ =	swait.ge [sflag:s7], $0x400  }
0x1e5: {  	[sflag:s7] =	ssyncset.done $0x0  }
0x1e6: {  	[sflag:s7] =	ssyncadd.s32 $0xFFFFFC00  }
0x1e7: {  	_ =	swait.ge [sflag:s7], $0x400  }
0x1e8: {  	[sflag:s7] =	ssyncset.done $0x0  }
0x1e9: {  	[sflag:s7] =	ssyncadd.s32 $0xFFFFFC00  }
0x1ea: {  	_ =	swait.ge [sflag:s7], $0x400  }
0x1eb: {  	[sflag:s7] =	ssyncset.done $0x0  }
0x1ec: {  	[sflag:s7] =	ssyncadd.s32 $0xFFFFFC00  }
0x1ed: {  	_ =	swait.ge [sflag:s7], $0x400  }
0x1ee: {  	[sflag:s7] =	ssyncset.done $0x0  }
0x1ef: {  	[sflag:s7] =	ssyncadd.s32 $0xFFFFFC00  }
0x1f0: {  	_ =	swait.ge [sflag:s7], $0x400  }
0x1f1: {  	[sflag:s7] =	ssyncset.done $0x0  }
0x1f2: {  	[sflag:s7] =	ssyncadd.s32 $0xFFFFFC00  }
0x1f3: {  	_ =	swait.ge [sflag:s7], $0x400  }
0x1f4: {  	[sflag:s7] =	ssyncset.done $0x0  }
0x1f5: {  	[sflag:s7] =	ssyncadd.s32 $0xFFFFFC00  }
0x1f6: {  	_ =	swait.ge [sflag:s7], $0x400  }
0x1f7: {  	[sflag:s7] =	ssyncset.done $0x0  }
0x1f8: {  	[sflag:s7] =	ssyncadd.s32 $0xFFFFFC00  }
0x1f9: {  	_ =	swait.ge [sflag:s7], $0x400  }
0x1fa: {  	[sflag:s7] =	ssyncset.done $0x0  }
0x1fb: {  	[sflag:s7] =	ssyncadd.s32 $0xFFFFFC00  }
0x1fc: {  	_ =	swait.ge [sflag:s7], $0x400  }
0x1fd: {  	[sflag:s7] =	ssyncset.done $0x0  }
0x1fe: {  	[sflag:s7] =	ssyncadd.s32 $0xFFFFFC00  }
0x1ff: {  	_ =	swait.ge [sflag:s7], $0x400  }
0x200: {  	[sflag:s7] =	ssyncset.done $0x0  }
0x201: {  	[sflag:s7] =	ssyncadd.s32 $0xFFFFFC00  }
0x202: {  	_ =	swait.ge [sflag:s7], $0x400  }
0x203: {  	[sflag:s7] =	ssyncset.done $0x0  }
0x204: {  	[sflag:s7] =	ssyncadd.s32 $0xFFFFFC00  }
0x205: {  	_ =	swait.ge [sflag:s7], $0x400  }
0x206: {  	[sflag:s7] =	ssyncset.done $0x0  }
0x207: {  	[sflag:s7] =	ssyncadd.s32 $0xFFFFFC00  }
0x208: {  	v5 =	vld [tilespmem:$0x0];
	_ =	sdelay $0x1  }
0x209: {  	v6 =	vld [tilespmem:$0x10];
	_ =	sdelay $0x1  }
0x20a: {  	v7 =	vld [tilespmem:$0x20]  }
0x20b: {  	v8 =	vand.u32 $0x7F, v5  }
0x20c: {  	v9 =	vld [tilespmem:$0x30];
	v8 =	vor.u32 v0, v8  }
0x20d: {  	v10 =	vand.u32 $0x7F, v6  }
0x20e: {  	v10 =	vor.u32 v2, v10  }
0x20f: {  	v11 =	vand.u32 $0x7F, v7  }
0x210: {  	v11 =	vor.u32 v3, v11  }
0x211: {  	v12 =	vand.u32 $0x7F, v9;
	v8 =	vld.idx.msk [tilespmem:v8+s6+$0x0], $0xffff  }
0x212: {  	v12 =	vor.u32 v4, v12  }
0x213: {  	v10 =	vld.idx.msk [tilespmem:v10+s6+$0x0], $0xffff  }
0x214: {  	vm0 =	veq.s32 v5, $0x0  }
0x215: {  	v5 =	vsel vm0, $0x0, v1;
	v11 =	vld.idx.msk [tilespmem:v11+s6+$0x0], $0xffff  }
0x216: {  	vm13 =	veq.s32 v6, $0x0;
	v5 =	vmul.f32 v5, v8  }
0x217: {  	v6 =	vsel vm13, $0x0, v1;
	v63 =	vld.idx.msk [tilespmem:v12+s6+$0x0], $0xffff  }
0x218: {  	vm14 =	veq.s32 v7, $0x0;
	v6 =	vmul.f32 v6, v10;
	v5 =	vadd.f32 $0.0e+00, v5  }
0x219: {  	v7 =	vsel vm14, $0x0, v1  }
0x21a: {  	vm15 =	veq.s32 v9, $0x0;
	v5 =	vadd.f32 v6, v5;
	v6 =	vmul.f32 v7, v11  }
0x21b: {  	v7 =	vsel vm15, $0x0, v1  }
0x21c: {  	v5 =	vadd.f32 v6, v5;
	v6 =	vmul.f32 v7, v63;
	_ =	sdelay $0x1  }
0x21d: {  	s31 =	sld [smem:$0x7FD];
	v5 =	vadd.f32 v6, v5  }
0x21e: {  	p0 =	sne.s32 s4, $0x1  }
.Ltmp0:
0x21f: {  	s30 =	rddreg [dreg:$0xd];
	[tilespmem:$0x10080] =	vst v5;
	(pc) =	sbr.rel @p0 .LBB2_1-.Ltmp0, $4  }
0x220: {  	[hbm4b:s30+s3] =	stream.linear.scatter [tilespmem:s31], [sflag:$0x2], $0x10, $0x38;
	[tilespmem:$0x10100] =	vst v63  }
0x221: {  	_ =	swait.ge [sflag:s5], $0x10  }
0x222: {  	[sflag:s5] =	ssyncset.done $0x0  }
0x223: {  	s4 =	sadd.s32 $0xFFFFFFFF, s4;
	[sflag:s5] =	ssyncadd.s32 $0xFFFFFFF0  }
0x224: {  	_ =	sfence.sel $0x180000  }
0x225: {  	[bflag:$0x0] =	sbarrier.arrive $0xFFFF  }
0x226: {  	p0 =	sne.s32 s0, $0x0;
	_ =	strace $0x90000047  }
0x227: {  	s0 =	sadd.s32 @!p0 $0x100000, s2;
	[bflag:$0x2] =	sbarrier.arrive $0xFFFF  }
0x228: {  	[sflag:s0] =	ssyncadd.tile.s32 @!p0 $0x1;
	_ =	shalt  }
.Lfunc_end2:
_tile_overlayer_lowered:
.L_overlay_start_2:
0x229: {  	(tag) =	ssettag $0x2  }
0x22a: {  	s0 =	rddreg [dreg:$0x0];
	s2 =	stileid.u32  }
0x22b: {  	s1 =	rddreg [dreg:$0x1];
	p0 =	sne.s32 s2, $0x0  }
0x22c: {  	s3 =	rddreg [dreg:$0x2];
	[bflag:$0x3] =	sbarrier.arrive $0xFFFF;
	s2 =	simm.s32 @!p0 $0x1C02  }
0x22d: {  	[timem:s3], [sflag:s2] =	dma.local @!p0 [hbm:s0], s1  }
0x22e: {  	s0 =	simm.s32 @!p0 $0x2  }
0x22f: {  	_ =	swait.ge @!p0 [sflag:s0], s1  }
0x230: {  	s1 =	ssub.s32 @!p0 $0x0, s1;
	[sflag:s0] =	ssyncset.done @!p0 $0x0  }
0x231: {  	[sflag:s0] =	ssyncadd.s32 @!p0 s1  }
0x232: {  	[bflag:$0x3] =	sbarrier.arrive $0xFFFF  }
0x233: {  	_ =	shalt  }

</sc_bundles>
